<compile_context>
chip_gen: v7x
topology: tpu7x:2x2x1
jax: 0.10.2.dev20260603
libtpu: 0.0.44.dev20260713+nightly
codegen_flags: <defaults>
</compile_context>

<pallas_src>
import functools

import jax
import jax.numpy as jnp
from jax import lax
from jax.experimental import pallas as pl
from jax.experimental.pallas import tpu as pltpu
from jax.experimental.pallas import tpu_sc as plsc

_N = 10000
_E = 320000
_D = 128
_H = 16
_HID = 100
_NG = 64
_NC = 10

_CH = 256
_NCHUNK = _E // _CH
_NW = 32
_MAXC = -(-_NCHUNK // _NW)
_BASEC = _NCHUNK // _NW
_EXTRA = _NCHUNK - _BASEC * _NW
_WIN = _MAXC
_NP = 10048
_PR = _NP // 8
_RPS = _NP // 16
_NBUF = 12
_PREF = 10

_mesh = plsc.VectorSubcoreMesh(core_axis_name="c", subcore_axis_name="s")
_sc_params = pltpu.CompilerParams(use_tc_tiling_on_sc=False)


def _tile_ranges(w):
    cnt = jnp.where(w < _EXTRA, _MAXC, _BASEC)
    start = _BASEC * w + jnp.minimum(w, _EXTRA)
    dma_start = jnp.minimum(start, _NCHUNK - _WIN)
    loff = start - dma_start
    return cnt, dma_start, loff


def _zero_fill(ref, nrows):
    z = jnp.zeros((16,), jnp.float32)

    def body(i, _):
        ref[i] = z
        return 0

    lax.fori_loop(0, nrows, body, 0)


def _scatter_epilogue(acc_sh, out_hbm, c, s):
    plsc.subcore_barrier()
    r0 = s * _RPS
    pltpu.sync_copy(acc_sh.at[pl.ds(r0, _RPS)], out_hbm.at[c, pl.ds(r0, _RPS)])


@functools.partial(
    pl.kernel,
    out_type=jax.ShapeDtypeStruct((2, _NP, _H), jnp.float32),
    mesh=_mesh,
    scratch_types=[
        pltpu.VMEM((_WIN * _CH,), jnp.int32),
        pltpu.VMEM((_CH, _H), jnp.float32),
        pltpu.VMEM((_RPS, _H), jnp.float32),
        pltpu.VMEM_SHARED((_NP, _H), jnp.float32),
        pltpu.SemaphoreType.DMA,
    ],
    compiler_params=_sc_params,
)
def _sc_degree(ei_hbm, out_hbm, dst_v, ones_v, zrows_v, acc_sh, sem):
    c = lax.axis_index("c")
    s = lax.axis_index("s")
    w = s * 2 + c
    cnt, dma_start, loff = _tile_ranges(w)

    _zero_fill(zrows_v, _RPS)
    one = jnp.ones((16,), jnp.float32)

    def fill_ones(i, _):
        ones_v[i] = one
        return 0

    lax.fori_loop(0, _CH, fill_ones, 0)
    pltpu.sync_copy(zrows_v, acc_sh.at[pl.ds(s * _RPS, _RPS)])
    pltpu.async_copy(ei_hbm.at[1, pl.ds(dma_start * _CH, _WIN * _CH)], dst_v,
                     sem).wait()
    plsc.subcore_barrier()

    def step(k, _):
        idx = dst_v.at[pl.ds((loff + k) * _CH, _CH)]
        pltpu.async_copy(ones_v, acc_sh.at[idx], sem, add=True)
        return 0

    lax.fori_loop(0, cnt, step, 0)

    def drain(k, _):
        idx = dst_v.at[pl.ds((loff + k) * _CH, _CH)]
        pltpu.make_async_copy(ones_v, acc_sh.at[idx], sem).wait()
        return 0

    lax.fori_loop(0, cnt, drain, 0)
    _scatter_epilogue(acc_sh, out_hbm, c, s)


@functools.partial(
    pl.kernel,
    out_type=jax.ShapeDtypeStruct((2, _NP, _H), jnp.float32),
    mesh=_mesh,
    scratch_types=[
        pltpu.VMEM((_WIN * _CH,), jnp.int32),
        pltpu.VMEM((_WIN * _CH,), jnp.int32),
        pltpu.VMEM((_NBUF, _CH, _H), jnp.float32),
        pltpu.VMEM((_RPS, _H), jnp.float32),
        pltpu.VMEM_SHARED((_NP, _H), jnp.float32),
        pltpu.SemaphoreType.DMA,
        pltpu.SemaphoreType.DMA,
        pltpu.SemaphoreType.DMA,
    ],
    compiler_params=_sc_params,
)
def _sc_aggregate(hs_hbm, ei_hbm, out_hbm, src_v, dst_v, rows_v,
                  zrows_v, acc_sh, gsem, ssem, isem):
    c = lax.axis_index("c")
    s = lax.axis_index("s")
    w = s * 2 + c
    cnt, dma_start, loff = _tile_ranges(w)

    _zero_fill(zrows_v, _RPS)
    pltpu.sync_copy(zrows_v, acc_sh.at[pl.ds(s * _RPS, _RPS)])
    src_win = ei_hbm.at[0, pl.ds(dma_start * _CH, _WIN * _CH)]
    dst_win = ei_hbm.at[1, pl.ds(dma_start * _CH, _WIN * _CH)]
    pltpu.async_copy(src_win, src_v, isem)
    pltpu.async_copy(dst_win, dst_v, isem)
    pltpu.make_async_copy(src_win, src_v, isem).wait()
    pltpu.make_async_copy(dst_win, dst_v, isem).wait()
    plsc.subcore_barrier()

    def _sidx(j):
        return src_v.at[pl.ds((loff + j) * _CH, _CH)]

    def _didx(j):
        return dst_v.at[pl.ds((loff + j) * _CH, _CH)]

    def gissue(j):
        pltpu.async_copy(hs_hbm.at[_sidx(j)], rows_v.at[j % _NBUF], gsem)

    def gwait(j):
        pltpu.make_async_copy(hs_hbm.at[_sidx(j)],
                              rows_v.at[j % _NBUF], gsem).wait()

    def sissue(j):
        pltpu.async_copy(rows_v.at[j % _NBUF], acc_sh.at[_didx(j)], ssem,
                         add=True)

    def swait(j):
        pltpu.make_async_copy(rows_v.at[j % _NBUF],
                              acc_sh.at[_didx(j)], ssem).wait()

    for j in range(_PREF):
        gissue(j)

    def step(k, _):
        gwait(k)
        sissue(k)

        @pl.when(jnp.logical_and(k < _NBUF - _PREF, k + _PREF < cnt))
        def _():
            gissue(k + _PREF)

        @pl.when(jnp.logical_and(k >= _NBUF - _PREF, k + _PREF < cnt))
        def _():
            swait(k - (_NBUF - _PREF))
            gissue(k + _PREF)

        return 0

    lax.fori_loop(0, cnt, step, 0)

    def drain(j, _):
        swait(j)
        return 0

    lax.fori_loop(cnt - _NBUF, cnt, drain, 0)
    _scatter_epilogue(acc_sh, out_hbm, c, s)


_RB = _PR
_NGRID = 1

_hp = jax.lax.Precision.HIGHEST


def _tc0_body(xb_ref, w1bd_ref, h_ref):
    h_ref[...] = jnp.dot(xb_ref[...], w1bd_ref[...],
                         preferred_element_type=jnp.float32, precision=_hp)


def _tc1_body(h_ref, dp_ref, hs_ref, dinv_ref):
    deg = 1.0 + dp_ref[0] + dp_ref[1]
    dinv = lax.rsqrt(deg)
    hs_ref[...] = h_ref[...] * dinv
    dinv_ref[...] = dinv


def _tc2_body(ap_ref, hs_ref, dinv_ref, b1_ref, w2bd_ref, hs2_ref):
    dinv = dinv_ref[...]
    t = dinv * (ap_ref[0] + ap_ref[1] + hs_ref[...]) + b1_ref[...]
    t = jnp.maximum(t, 0.0)
    hs2_ref[...] = jnp.dot(t, w2bd_ref[...], preferred_element_type=jnp.float32,
                           precision=_hp) * dinv


def _tc3_body(ap_ref, hs_ref, dinv_ref, b2_ref, bvp_ref, fold_ref, lw1_ref,
              lb1_ref, lw2_ref, lb2_ref, out_ref):
    t = dinv_ref[...] * (ap_ref[0] + ap_ref[1] + hs_ref[...]) + b2_ref[...]
    t = jnp.maximum(t, 0.0)
    lane = lax.broadcasted_iota(jnp.int32, (_PR, 128), 1)
    prow = lax.broadcasted_iota(jnp.int32, (_PR, 128), 0)
    nid = prow * 8 + lane // 16
    t = jnp.where(nid < _N, t, 0.0)
    gids = lax.broadcasted_iota(jnp.int32, (_NG, _PR), 0)
    glane = lax.broadcasted_iota(jnp.int32, (_NG, 128), 1) // _H
    contrib = jnp.zeros((_NG, 128), jnp.float32)
    for a in range(8):
        oh = (bvp_ref[a].reshape(1, _PR) == gids).astype(jnp.float32)
        part = jnp.dot(oh, t, preferred_element_type=jnp.float32,
                       precision=_hp)
        contrib = contrib + jnp.where(glane == a, part, 0.0)
    pooled = jnp.dot(contrib, fold_ref[...], preferred_element_type=jnp.float32,
                     precision=_hp)
    r = jnp.maximum(pooled, 0.0)
    q = jnp.maximum(
        jnp.dot(r, lw1_ref[...], preferred_element_type=jnp.float32,
                precision=_hp) + lb1_ref[...], 0.0)
    out_ref[...] = jnp.dot(q, lw2_ref[...],
                           preferred_element_type=jnp.float32,
                           precision=_hp) + lb2_ref[...]


def _prow_spec():
    return pl.BlockSpec((_RB, 128), lambda i: (i, 0))


_pair_spec = pl.BlockSpec((2, _RB, 128), lambda i: (0, i, 0))


def _full_spec(r, cols):
    return pl.BlockSpec((r, cols), lambda i: (0, 0))


_pshape = jax.ShapeDtypeStruct((_PR, 128), jnp.float32)

_tc0 = pl.pallas_call(
    _tc0_body,
    grid=(_NGRID,),
    in_specs=[pl.BlockSpec((_RB, 8 * _D), lambda i: (i, 0)),
              _full_spec(8 * _D, 128)],
    out_specs=_prow_spec(),
    out_shape=_pshape,
)

_tc1 = pl.pallas_call(
    _tc1_body,
    grid=(_NGRID,),
    in_specs=[_prow_spec(), _pair_spec],
    out_specs=[_prow_spec(), _prow_spec()],
    out_shape=[_pshape, _pshape],
)

_tc2 = pl.pallas_call(
    _tc2_body,
    grid=(_NGRID,),
    in_specs=[_pair_spec, _prow_spec(), _prow_spec(),
              _full_spec(1, 128), _full_spec(128, 128)],
    out_specs=_prow_spec(),
    out_shape=_pshape,
)

_tc3 = pl.pallas_call(
    _tc3_body,
    grid=(_NGRID,),
    in_specs=[_pair_spec, _prow_spec(), _prow_spec(),
              _full_spec(1, 128), _full_spec(8, _PR), _full_spec(128, _H),
              _full_spec(_H, _HID),
              _full_spec(1, _HID), _full_spec(_HID, _NC), _full_spec(1, _NC)],
    out_specs=_full_spec(_NG, _NC),
    out_shape=jax.ShapeDtypeStruct((_NG, _NC), jnp.float32),
)


def kernel(x, edge_index, batch_vec, W1, b1, W2, b2, lw1, lb1, lw2, lb2):
    ei = edge_index.astype(jnp.int32)
    eye8 = jnp.eye(8, dtype=jnp.float32)
    b1p = jnp.tile(b1.reshape(1, _H), (1, 8))
    b2p = jnp.tile(b2.reshape(1, _H), (1, 8))
    w1bd = jnp.kron(eye8, W1)
    w2bd = jnp.kron(eye8, W2)
    fold = jnp.tile(jnp.eye(_H, dtype=jnp.float32), (8, 1))
    xb = jnp.pad(x, ((0, _NP - _N), (0, 0))).reshape(_PR, 8 * _D)
    bvp = jnp.pad(batch_vec.astype(jnp.int32), (0, _NP - _N),
                  constant_values=-1).reshape(_PR, 8).T

    degp = _sc_degree(ei)
    h1 = _tc0(xb, w1bd)
    hs1, dinv = _tc1(h1, degp.reshape(2, _PR, 128))
    a1 = _sc_aggregate(hs1.reshape(_NP, _H), ei)
    hs2 = _tc2(a1.reshape(2, _PR, 128), hs1, dinv, b1p, w2bd)
    a2 = _sc_aggregate(hs2.reshape(_NP, _H), ei)
    out = _tc3(a2.reshape(2, _PR, 128), hs2, dinv, b2p, bvp, fold, lw1,
               lb1.reshape(1, _HID), lw2, lb2.reshape(1, _NC))
    return out

# --- scband reference (transcript-rebuilt; emitter-appended) ---
"""Pipeline reference for scband-graph-net-59158879535366 (READ-ONLY COPY).

The authoritative reference and input builder live on the scoring server;
editing this copy changes nothing except your own understanding.
"""

import jax, jax.numpy as jnp
import numpy as np

N = 10000
E = 320000
D = 128
H = 16
HID = 100
NG = 64
NC = 10

def setup_inputs(seed: int = 0):
    key = jax.random.key(seed)
    ks = jax.random.split(key, 16)
    inp = {}
    inp["x"] = jax.random.normal(ks[0], (N, D), dtype=jnp.float32)
    inp["edge_index"] = jax.random.randint(ks[1], (2, E), 0, N)
    inp["batch_vec"] = jnp.sort(jax.random.randint(ks[2], (N,), 0, NG))
    # GCNConv parameters (conv1: D->16, conv2: 16->16); final_conv is unused in forward
    inp["W1"] = jax.random.normal(ks[3], (D, H), dtype=jnp.float32) * (1.0 / np.sqrt(D))
    inp["b1"] = jnp.zeros((H,), dtype=jnp.float32)
    inp["W2"] = jax.random.normal(ks[4], (H, H), dtype=jnp.float32) * (1.0 / np.sqrt(H))
    inp["b2"] = jnp.zeros((H,), dtype=jnp.float32)
    # Linear layers: lin1 16->100, lin2 100->num_classes
    inp["lw1"] = jax.random.normal(ks[5], (H, HID), dtype=jnp.float32) * (1.0 / np.sqrt(H))
    inp["lb1"] = jnp.zeros((HID,), dtype=jnp.float32)
    inp["lw2"] = jax.random.normal(ks[6], (HID, NC), dtype=jnp.float32) * (1.0 / np.sqrt(HID))
    inp["lb2"] = jnp.zeros((NC,), dtype=jnp.float32)
    return inp

def reference(x, edge_index, batch_vec, W1, b1, W2, b2, lw1, lb1, lw2, lb2):
    n = x.shape[0]
    loop = jnp.arange(n)
    src = jnp.concatenate([edge_index[0], loop])
    dst = jnp.concatenate([edge_index[1], loop])
    # symmetric GCN normalization with added self loops
    deg = jnp.zeros((n,), x.dtype).at[dst].add(1.0)
    dinv = jnp.where(deg > 0, jax.lax.rsqrt(deg), 0.0)
    norm = dinv[src] * dinv[dst]

    def gcn(h, W, b):
        h = h @ W
        msg = h[src] * norm[:, None]
        return jax.ops.segment_sum(msg, dst, num_segments=n) + b

    h = jax.nn.relu(gcn(x, W1, b1))
    # dropout is identity in eval mode
    h = jax.nn.relu(gcn(h, W2, b2))
    pooled = jax.ops.segment_sum(h, batch_vec, num_segments=NG)
    h = jax.nn.relu(pooled)
    h = jax.nn.relu(h @ lw1 + lb1)
    out = h @ lw2 + lb2
    return out

if __name__ == "__main__":
    import jax
    _d = setup_inputs()
    print(jax.jit(kernel)(*tuple(_d.values())))

</pallas_src>

<mosaic_0001>
#map = affine_map<(d0, d1) -> (0, 0)>
#map1 = affine_map<(d0, d1) -> (0, 0, 0)>
module attributes {stable_mosaic.version = 14 : i64} {
  func.func @_sc_aggregate(%arg0: i32, %arg1: i32, %arg2: memref<10048x16xf32, #tpu.memory_space<hbm>>, %arg3: memref<2x320000xi32, #tpu.memory_space<hbm>>, %arg4: memref<2x10048x16xf32, #tpu.memory_space<hbm>>, %arg5: memref<10240xi32, #tpu.memory_space<vmem>>, %arg6: memref<10240xi32, #tpu.memory_space<vmem>>, %arg7: memref<12x256x16xf32, #tpu.memory_space<vmem>>, %arg8: memref<628x16xf32, #tpu.memory_space<vmem>>, %arg9: memref<10048x16xf32, #tpu.memory_space<vmem_shared>>, %arg10: memref<!tpu.dma_semaphore, #tpu.memory_space<semaphore_mem>>, %arg11: memref<!tpu.dma_semaphore, #tpu.memory_space<semaphore_mem>>, %arg12: memref<!tpu.dma_semaphore, #tpu.memory_space<semaphore_mem>>) attributes {dimension_semantics = [#tpu.dimension_semantics<core_parallel>, #tpu.dimension_semantics<subcore_parallel>], iteration_bounds = array<i64: 2, 16>, scalar_prefetch = 0 : i64, scratch_operands = 8 : i64, tpu.core_type = #tpu.core_type<sc_vector_subcore>, window_params = [{transform_indices = #map}, {transform_indices = #map}, {transform_indices = #map1}]} {
    %mul3A = arith.constant 2 : i32
    %mul3A_0 = arith.muli %arg1, %mul3A : i32
    %add3A = arith.addi %mul3A_0, %arg0 : i32
    %lt3A = arith.constant 2 : i32
    %lt3A_1 = arith.cmpi slt, %add3A, %lt3A : i32
    %jit3A = arith.constant 40 : i32
    %jit3A_2 = arith.constant 39 : i32
    %select_n3A = arith.select %lt3A_1, %jit3A, %jit3A_2 : i32
    %mul3A_3 = arith.constant 39 : i32
    %mul3A_4 = arith.muli %mul3A_3, %add3A : i32
    %min3A = arith.constant 2 : i32
    %min3A_5 = arith.minsi %add3A, %min3A : i32
    %add3A_6 = arith.addi %mul3A_4, %min3A_5 : i32
    %min3A_7 = arith.constant 1210 : i32
    %min3A_8 = arith.minsi %add3A_6, %min3A_7 : i32
    %sub3A = arith.subi %add3A_6, %min3A_8 : i32
    %broadcast_in_dim3A = arith.constant 0.000000e+00 : f32
    %broadcast_in_dim3A_9 = vector.broadcast %broadcast_in_dim3A : f32 to vector<16xf32>
    %scan3A = arith.constant 0 : i32
    %scan3A_10 = arith.constant 0 : i32
    %scan3A_11 = arith.constant 628 : i32
    %scan3A_12 = arith.addi %scan3A_10, %scan3A_11 : i32
    %scan3A_13 = arith.constant 1 : i32
    %scan3A_14 = scf.for %scan3A_197 = %scan3A_10 to %scan3A_12 step %scan3A_13 iter_args(%scan3A_198 = %scan3A) -> (i32)  : i32 {
      %swap3A = arith.index_cast %scan3A_197 : i32 to index
      %swap3A_199 = arith.constant 0 : index
      %swap3A_200 = tpu.vector_load %arg8[%swap3A, %swap3A_199] {strides = array<i32>} : memref<628x16xf32, #tpu.memory_space<vmem>>, vector<1x16xf32>,
      %swap3A_201 = vector.shape_cast %swap3A_200 : vector<1x16xf32> to vector<16xf32>
      %swap3A_202 = vector.shape_cast %broadcast_in_dim3A_9 : vector<16xf32> to vector<1x16xf32>
      tpu.vector_store %arg8[%swap3A, %swap3A_199], %swap3A_202 {strides = array<i32>} : memref<628x16xf32, #tpu.memory_space<vmem>>, vector<1x16xf32>,
      %scan3A_203 = arith.constant 0 : i32
      scf.yield %scan3A_203 : i32
    }
    %scan3A_15 = arith.constant 628 : i32
    %mul3A_16 = arith.constant 628 : i32
    %mul3A_17 = arith.muli %arg1, %mul3A_16 : i32
    "tpu.region"() ({
      %run_scoped3A = tpu.sem_alloc : memref<!tpu.dma_semaphore, #tpu.memory_space<semaphore_mem>>
      %dma_start3A_197 = arith.constant 0 : i32
      %dma_start3A_198 = tpu.memref_slice %arg9[%mul3A_17, %dma_start3A_197] : memref<10048x16xf32, #tpu.memory_space<vmem_shared>> -> memref<628x16xf32, #tpu.memory_space<vmem_shared>>
      %dma_start3A_199 = arith.constant 0 : i32
      %dma_start3A_200 = tpu.memref_slice %arg9[%mul3A_17, %dma_start3A_199] : memref<10048x16xf32, #tpu.memory_space<vmem_shared>> -> memref<628x16xf32, #tpu.memory_space<vmem_shared>>
      tpu.enqueue_dma source(%arg8 : memref<628x16xf32, #tpu.memory_space<vmem>>) target(%dma_start3A_200 : memref<628x16xf32, #tpu.memory_space<vmem_shared>>) target_semaphore(%run_scoped3A : memref<!tpu.dma_semaphore, #tpu.memory_space<semaphore_mem>>)
      %dma_wait3A_201 = arith.constant 0 : i32
      %dma_wait3A_202 = tpu.memref_slice %arg9[%mul3A_17, %dma_wait3A_201] : memref<10048x16xf32, #tpu.memory_space<vmem_shared>> -> memref<628x16xf32, #tpu.memory_space<vmem_shared>>
      %dma_wait3A_203 = arith.constant 0 : i32
      %dma_wait3A_204 = tpu.memref_slice %arg9[%mul3A_17, %dma_wait3A_203] : memref<10048x16xf32, #tpu.memory_space<vmem_shared>> -> memref<628x16xf32, #tpu.memory_space<vmem_shared>>
      tpu.wait_dma2 semaphore(%run_scoped3A : memref<!tpu.dma_semaphore, #tpu.memory_space<semaphore_mem>>) src(%arg8 : memref<628x16xf32, #tpu.memory_space<vmem>>) dst(%dma_wait3A_204 : memref<628x16xf32, #tpu.memory_space<vmem_shared>>)
      tpu.yield
    }) : () -> ()
    %mul3A_18 = arith.constant 256 : i32
    %mul3A_19 = arith.muli %min3A_8, %mul3A_18 : i32
    %mul3A_20 = arith.constant 256 : i32
    %mul3A_21 = arith.muli %min3A_8, %mul3A_20 : i32
    %dma_start3A = arith.constant 0 : i32
    %dma_start3A_22 = tpu.memref_slice %arg3[%dma_start3A, %mul3A_19] : memref<2x320000xi32, #tpu.memory_space<hbm>> -> memref<1x10240xi32, #tpu.memory_space<hbm>>
    %dma_start3A_23 = tpu.memref_squeeze %dma_start3A_22 : memref<1x10240xi32, #tpu.memory_space<hbm>> -> memref<10240xi32, #tpu.memory_space<hbm>>
    %dma_start3A_24 = tpu.memref_slice %arg3[%dma_start3A, %mul3A_19] : memref<2x320000xi32, #tpu.memory_space<hbm>> -> memref<1x10240xi32, #tpu.memory_space<hbm>>
    %dma_start3A_25 = tpu.memref_squeeze %dma_start3A_24 : memref<1x10240xi32, #tpu.memory_space<hbm>> -> memref<10240xi32, #tpu.memory_space<hbm>>
    tpu.enqueue_dma source(%dma_start3A_25 : memref<10240xi32, #tpu.memory_space<hbm>>) target(%arg5 : memref<10240xi32, #tpu.memory_space<vmem>>) target_semaphore(%arg12 : memref<!tpu.dma_semaphore, #tpu.memory_space<semaphore_mem>>)
    %dma_start3A_26 = arith.constant 1 : i32
    %dma_start3A_27 = tpu.memref_slice %arg3[%dma_start3A_26, %mul3A_21] : memref<2x320000xi32, #tpu.memory_space<hbm>> -> memref<1x10240xi32, #tpu.memory_space<hbm>>
    %dma_start3A_28 = tpu.memref_squeeze %dma_start3A_27 : memref<1x10240xi32, #tpu.memory_space<hbm>> -> memref<10240xi32, #tpu.memory_space<hbm>>
    %dma_start3A_29 = tpu.memref_slice %arg3[%dma_start3A_26, %mul3A_21] : memref<2x320000xi32, #tpu.memory_space<hbm>> -> memref<1x10240xi32, #tpu.memory_space<hbm>>
    %dma_start3A_30 = tpu.memref_squeeze %dma_start3A_29 : memref<1x10240xi32, #tpu.memory_space<hbm>> -> memref<10240xi32, #tpu.memory_space<hbm>>
    tpu.enqueue_dma source(%dma_start3A_30 : memref<10240xi32, #tpu.memory_space<hbm>>) target(%arg6 : memref<10240xi32, #tpu.memory_space<vmem>>) target_semaphore(%arg12 : memref<!tpu.dma_semaphore, #tpu.memory_space<semaphore_mem>>)
    %dma_wait3A = arith.constant 0 : i32
    %dma_wait3A_31 = tpu.memref_slice %arg3[%dma_wait3A, %mul3A_19] : memref<2x320000xi32, #tpu.memory_space<hbm>> -> memref<1x10240xi32, #tpu.memory_space<hbm>>
    %dma_wait3A_32 = tpu.memref_squeeze %dma_wait3A_31 : memref<1x10240xi32, #tpu.memory_space<hbm>> -> memref<10240xi32, #tpu.memory_space<hbm>>
    %dma_wait3A_33 = tpu.memref_slice %arg3[%dma_wait3A, %mul3A_19] : memref<2x320000xi32, #tpu.memory_space<hbm>> -> memref<1x10240xi32, #tpu.memory_space<hbm>>
    %dma_wait3A_34 = tpu.memref_squeeze %dma_wait3A_33 : memref<1x10240xi32, #tpu.memory_space<hbm>> -> memref<10240xi32, #tpu.memory_space<hbm>>
    tpu.wait_dma2 semaphore(%arg12 : memref<!tpu.dma_semaphore, #tpu.memory_space<semaphore_mem>>) src(%dma_wait3A_34 : memref<10240xi32, #tpu.memory_space<hbm>>) dst(%arg5 : memref<10240xi32, #tpu.memory_space<vmem>>)
    %dma_wait3A_35 = arith.constant 1 : i32
    %dma_wait3A_36 = tpu.memref_slice %arg3[%dma_wait3A_35, %mul3A_21] : memref<2x320000xi32, #tpu.memory_space<hbm>> -> memref<1x10240xi32, #tpu.memory_space<hbm>>
    %dma_wait3A_37 = tpu.memref_squeeze %dma_wait3A_36 : memref<1x10240xi32, #tpu.memory_space<hbm>> -> memref<10240xi32, #tpu.memory_space<hbm>>
    %dma_wait3A_38 = tpu.memref_slice %arg3[%dma_wait3A_35, %mul3A_21] : memref<2x320000xi32, #tpu.memory_space<hbm>> -> memref<1x10240xi32, #tpu.memory_space<hbm>>
    %dma_wait3A_39 = tpu.memref_squeeze %dma_wait3A_38 : memref<1x10240xi32, #tpu.memory_space<hbm>> -> memref<10240xi32, #tpu.memory_space<hbm>>
    tpu.wait_dma2 semaphore(%arg12 : memref<!tpu.dma_semaphore, #tpu.memory_space<semaphore_mem>>) src(%dma_wait3A_39 : memref<10240xi32, #tpu.memory_space<hbm>>) dst(%arg6 : memref<10240xi32, #tpu.memory_space<vmem>>)
    %barrier3A = arith.constant 0 : index
    tpu.barrier barrier_id(%barrier3A)
    %add3A_40 = arith.constant 0 : i32
    %add3A_41 = arith.addi %sub3A, %add3A_40 : i32
    %mul3A_42 = arith.constant 256 : i32
    %mul3A_43 = arith.muli %add3A_41, %mul3A_42 : i32
    %dma_start3A_44 = arith.constant 0 : i32
    %dma_start3A_45 = arith.constant 0 : i32
    %dma_start3A_46 = arith.constant 0 : i32
    %dma_start3A_47 = tpu.memref_slice %arg7[%dma_start3A_44, %dma_start3A_45, %dma_start3A_46] : memref<12x256x16xf32, #tpu.memory_space<vmem>> -> memref<1x256x16xf32, #tpu.memory_space<vmem>>
    %dma_start3A_48 = tpu.memref_squeeze %dma_start3A_47 : memref<1x256x16xf32, #tpu.memory_space<vmem>> -> memref<256x16xf32, #tpu.memory_space<vmem>>
    %dma_start3A_49 = tpu.memref_slice %arg5[%mul3A_43] : memref<10240xi32, #tpu.memory_space<vmem>> -> memref<256xi32, #tpu.memory_space<vmem>>
    %dma_start3A_50 = arith.constant 0 : i32
    %dma_start3A_51 = arith.constant 0 : i32
    %dma_start3A_52 = tpu.memref_slice %arg2[%dma_start3A_50, %dma_start3A_51] : memref<10048x16xf32, #tpu.memory_space<hbm>> -> memref<10048x16xf32, #tpu.memory_space<hbm>>
    tpu.enqueue_indirect_dma source(%dma_start3A_52 : memref<10048x16xf32, #tpu.memory_space<hbm>>) target(%dma_start3A_48 : memref<256x16xf32, #tpu.memory_space<vmem>>) offsets(%dma_start3A_49 : memref<256xi32, #tpu.memory_space<vmem>>) semaphore(%arg10 : memref<!tpu.dma_semaphore, #tpu.memory_space<semaphore_mem>>)
    %add3A_53 = arith.constant 1 : i32
    %add3A_54 = arith.addi %sub3A, %add3A_53 : i32
    %mul3A_55 = arith.constant 256 : i32
    %mul3A_56 = arith.muli %add3A_54, %mul3A_55 : i32
    %dma_start3A_57 = arith.constant 1 : i32
    %dma_start3A_58 = arith.constant 0 : i32
    %dma_start3A_59 = arith.constant 0 : i32
    %dma_start3A_60 = tpu.memref_slice %arg7[%dma_start3A_57, %dma_start3A_58, %dma_start3A_59] : memref<12x256x16xf32, #tpu.memory_space<vmem>> -> memref<1x256x16xf32, #tpu.memory_space<vmem>>
    %dma_start3A_61 = tpu.memref_squeeze %dma_start3A_60 : memref<1x256x16xf32, #tpu.memory_space<vmem>> -> memref<256x16xf32, #tpu.memory_space<vmem>>
    %dma_start3A_62 = tpu.memref_slice %arg5[%mul3A_56] : memref<10240xi32, #tpu.memory_space<vmem>> -> memref<256xi32, #tpu.memory_space<vmem>>
    %dma_start3A_63 = arith.constant 0 : i32
    %dma_start3A_64 = arith.constant 0 : i32
    %dma_start3A_65 = tpu.memref_slice %arg2[%dma_start3A_63, %dma_start3A_64] : memref<10048x16xf32, #tpu.memory_space<hbm>> -> memref<10048x16xf32, #tpu.memory_space<hbm>>
    tpu.enqueue_indirect_dma source(%dma_start3A_65 : memref<10048x16xf32, #tpu.memory_space<hbm>>) target(%dma_start3A_61 : memref<256x16xf32, #tpu.memory_space<vmem>>) offsets(%dma_start3A_62 : memref<256xi32, #tpu.memory_space<vmem>>) semaphore(%arg10 : memref<!tpu.dma_semaphore, #tpu.memory_space<semaphore_mem>>)
    %add3A_66 = arith.constant 2 : i32
    %add3A_67 = arith.addi %sub3A, %add3A_66 : i32
    %mul3A_68 = arith.constant 256 : i32
    %mul3A_69 = arith.muli %add3A_67, %mul3A_68 : i32
    %dma_start3A_70 = arith.constant 2 : i32
    %dma_start3A_71 = arith.constant 0 : i32
    %dma_start3A_72 = arith.constant 0 : i32
    %dma_start3A_73 = tpu.memref_slice %arg7[%dma_start3A_70, %dma_start3A_71, %dma_start3A_72] : memref<12x256x16xf32, #tpu.memory_space<vmem>> -> memref<1x256x16xf32, #tpu.memory_space<vmem>>
    %dma_start3A_74 = tpu.memref_squeeze %dma_start3A_73 : memref<1x256x16xf32, #tpu.memory_space<vmem>> -> memref<256x16xf32, #tpu.memory_space<vmem>>
    %dma_start3A_75 = tpu.memref_slice %arg5[%mul3A_69] : memref<10240xi32, #tpu.memory_space<vmem>> -> memref<256xi32, #tpu.memory_space<vmem>>
    %dma_start3A_76 = arith.constant 0 : i32
    %dma_start3A_77 = arith.constant 0 : i32
    %dma_start3A_78 = tpu.memref_slice %arg2[%dma_start3A_76, %dma_start3A_77] : memref<10048x16xf32, #tpu.memory_space<hbm>> -> memref<10048x16xf32, #tpu.memory_space<hbm>>
    tpu.enqueue_indirect_dma source(%dma_start3A_78 : memref<10048x16xf32, #tpu.memory_space<hbm>>) target(%dma_start3A_74 : memref<256x16xf32, #tpu.memory_space<vmem>>) offsets(%dma_start3A_75 : memref<256xi32, #tpu.memory_space<vmem>>) semaphore(%arg10 : memref<!tpu.dma_semaphore, #tpu.memory_space<semaphore_mem>>)
    %add3A_79 = arith.constant 3 : i32
    %add3A_80 = arith.addi %sub3A, %add3A_79 : i32
    %mul3A_81 = arith.constant 256 : i32
    %mul3A_82 = arith.muli %add3A_80, %mul3A_81 : i32
    %dma_start3A_83 = arith.constant 3 : i32
    %dma_start3A_84 = arith.constant 0 : i32
    %dma_start3A_85 = arith.constant 0 : i32
    %dma_start3A_86 = tpu.memref_slice %arg7[%dma_start3A_83, %dma_start3A_84, %dma_start3A_85] : memref<12x256x16xf32, #tpu.memory_space<vmem>> -> memref<1x256x16xf32, #tpu.memory_space<vmem>>
    %dma_start3A_87 = tpu.memref_squeeze %dma_start3A_86 : memref<1x256x16xf32, #tpu.memory_space<vmem>> -> memref<256x16xf32, #tpu.memory_space<vmem>>
    %dma_start3A_88 = tpu.memref_slice %arg5[%mul3A_82] : memref<10240xi32, #tpu.memory_space<vmem>> -> memref<256xi32, #tpu.memory_space<vmem>>
    %dma_start3A_89 = arith.constant 0 : i32
    %dma_start3A_90 = arith.constant 0 : i32
    %dma_start3A_91 = tpu.memref_slice %arg2[%dma_start3A_89, %dma_start3A_90] : memref<10048x16xf32, #tpu.memory_space<hbm>> -> memref<10048x16xf32, #tpu.memory_space<hbm>>
    tpu.enqueue_indirect_dma source(%dma_start3A_91 : memref<10048x16xf32, #tpu.memory_space<hbm>>) target(%dma_start3A_87 : memref<256x16xf32, #tpu.memory_space<vmem>>) offsets(%dma_start3A_88 : memref<256xi32, #tpu.memory_space<vmem>>) semaphore(%arg10 : memref<!tpu.dma_semaphore, #tpu.memory_space<semaphore_mem>>)
    %add3A_92 = arith.constant 4 : i32
    %add3A_93 = arith.addi %sub3A, %add3A_92 : i32
    %mul3A_94 = arith.constant 256 : i32
    %mul3A_95 = arith.muli %add3A_93, %mul3A_94 : i32
    %dma_start3A_96 = arith.constant 4 : i32
    %dma_start3A_97 = arith.constant 0 : i32
    %dma_start3A_98 = arith.constant 0 : i32
    %dma_start3A_99 = tpu.memref_slice %arg7[%dma_start3A_96, %dma_start3A_97, %dma_start3A_98] : memref<12x256x16xf32, #tpu.memory_space<vmem>> -> memref<1x256x16xf32, #tpu.memory_space<vmem>>
    %dma_start3A_100 = tpu.memref_squeeze %dma_start3A_99 : memref<1x256x16xf32, #tpu.memory_space<vmem>> -> memref<256x16xf32, #tpu.memory_space<vmem>>
    %dma_start3A_101 = tpu.memref_slice %arg5[%mul3A_95] : memref<10240xi32, #tpu.memory_space<vmem>> -> memref<256xi32, #tpu.memory_space<vmem>>
    %dma_start3A_102 = arith.constant 0 : i32
    %dma_start3A_103 = arith.constant 0 : i32
    %dma_start3A_104 = tpu.memref_slice %arg2[%dma_start3A_102, %dma_start3A_103] : memref<10048x16xf32, #tpu.memory_space<hbm>> -> memref<10048x16xf32, #tpu.memory_space<hbm>>
    tpu.enqueue_indirect_dma source(%dma_start3A_104 : memref<10048x16xf32, #tpu.memory_space<hbm>>) target(%dma_start3A_100 : memref<256x16xf32, #tpu.memory_space<vmem>>) offsets(%dma_start3A_101 : memref<256xi32, #tpu.memory_space<vmem>>) semaphore(%arg10 : memref<!tpu.dma_semaphore, #tpu.memory_space<semaphore_mem>>)
    %add3A_105 = arith.constant 5 : i32
    %add3A_106 = arith.addi %sub3A, %add3A_105 : i32
    %mul3A_107 = arith.constant 256 : i32
    %mul3A_108 = arith.muli %add3A_106, %mul3A_107 : i32
    %dma_start3A_109 = arith.constant 5 : i32
    %dma_start3A_110 = arith.constant 0 : i32
    %dma_start3A_111 = arith.constant 0 : i32
    %dma_start3A_112 = tpu.memref_slice %arg7[%dma_start3A_109, %dma_start3A_110, %dma_start3A_111] : memref<12x256x16xf32, #tpu.memory_space<vmem>> -> memref<1x256x16xf32, #tpu.memory_space<vmem>>
    %dma_start3A_113 = tpu.memref_squeeze %dma_start3A_112 : memref<1x256x16xf32, #tpu.memory_space<vmem>> -> memref<256x16xf32, #tpu.memory_space<vmem>>
    %dma_start3A_114 = tpu.memref_slice %arg5[%mul3A_108] : memref<10240xi32, #tpu.memory_space<vmem>> -> memref<256xi32, #tpu.memory_space<vmem>>
    %dma_start3A_115 = arith.constant 0 : i32
    %dma_start3A_116 = arith.constant 0 : i32
    %dma_start3A_117 = tpu.memref_slice %arg2[%dma_start3A_115, %dma_start3A_116] : memref<10048x16xf32, #tpu.memory_space<hbm>> -> memref<10048x16xf32, #tpu.memory_space<hbm>>
    tpu.enqueue_indirect_dma source(%dma_start3A_117 : memref<10048x16xf32, #tpu.memory_space<hbm>>) target(%dma_start3A_113 : memref<256x16xf32, #tpu.memory_space<vmem>>) offsets(%dma_start3A_114 : memref<256xi32, #tpu.memory_space<vmem>>) semaphore(%arg10 : memref<!tpu.dma_semaphore, #tpu.memory_space<semaphore_mem>>)
    %add3A_118 = arith.constant 6 : i32
    %add3A_119 = arith.addi %sub3A, %add3A_118 : i32
    %mul3A_120 = arith.constant 256 : i32
    %mul3A_121 = arith.muli %add3A_119, %mul3A_120 : i32
    %dma_start3A_122 = arith.constant 6 : i32
    %dma_start3A_123 = arith.constant 0 : i32
    %dma_start3A_124 = arith.constant 0 : i32
    %dma_start3A_125 = tpu.memref_slice %arg7[%dma_start3A_122, %dma_start3A_123, %dma_start3A_124] : memref<12x256x16xf32, #tpu.memory_space<vmem>> -> memref<1x256x16xf32, #tpu.memory_space<vmem>>
    %dma_start3A_126 = tpu.memref_squeeze %dma_start3A_125 : memref<1x256x16xf32, #tpu.memory_space<vmem>> -> memref<256x16xf32, #tpu.memory_space<vmem>>
    %dma_start3A_127 = tpu.memref_slice %arg5[%mul3A_121] : memref<10240xi32, #tpu.memory_space<vmem>> -> memref<256xi32, #tpu.memory_space<vmem>>
    %dma_start3A_128 = arith.constant 0 : i32
    %dma_start3A_129 = arith.constant 0 : i32
    %dma_start3A_130 = tpu.memref_slice %arg2[%dma_start3A_128, %dma_start3A_129] : memref<10048x16xf32, #tpu.memory_space<hbm>> -> memref<10048x16xf32, #tpu.memory_space<hbm>>
    tpu.enqueue_indirect_dma source(%dma_start3A_130 : memref<10048x16xf32, #tpu.memory_space<hbm>>) target(%dma_start3A_126 : memref<256x16xf32, #tpu.memory_space<vmem>>) offsets(%dma_start3A_127 : memref<256xi32, #tpu.memory_space<vmem>>) semaphore(%arg10 : memref<!tpu.dma_semaphore, #tpu.memory_space<semaphore_mem>>)
    %add3A_131 = arith.constant 7 : i32
    %add3A_132 = arith.addi %sub3A, %add3A_131 : i32
    %mul3A_133 = arith.constant 256 : i32
    %mul3A_134 = arith.muli %add3A_132, %mul3A_133 : i32
    %dma_start3A_135 = arith.constant 7 : i32
    %dma_start3A_136 = arith.constant 0 : i32
    %dma_start3A_137 = arith.constant 0 : i32
    %dma_start3A_138 = tpu.memref_slice %arg7[%dma_start3A_135, %dma_start3A_136, %dma_start3A_137] : memref<12x256x16xf32, #tpu.memory_space<vmem>> -> memref<1x256x16xf32, #tpu.memory_space<vmem>>
    %dma_start3A_139 = tpu.memref_squeeze %dma_start3A_138 : memref<1x256x16xf32, #tpu.memory_space<vmem>> -> memref<256x16xf32, #tpu.memory_space<vmem>>
    %dma_start3A_140 = tpu.memref_slice %arg5[%mul3A_134] : memref<10240xi32, #tpu.memory_space<vmem>> -> memref<256xi32, #tpu.memory_space<vmem>>
    %dma_start3A_141 = arith.constant 0 : i32
    %dma_start3A_142 = arith.constant 0 : i32
    %dma_start3A_143 = tpu.memref_slice %arg2[%dma_start3A_141, %dma_start3A_142] : memref<10048x16xf32, #tpu.memory_space<hbm>> -> memref<10048x16xf32, #tpu.memory_space<hbm>>
    tpu.enqueue_indirect_dma source(%dma_start3A_143 : memref<10048x16xf32, #tpu.memory_space<hbm>>) target(%dma_start3A_139 : memref<256x16xf32, #tpu.memory_space<vmem>>) offsets(%dma_start3A_140 : memref<256xi32, #tpu.memory_space<vmem>>) semaphore(%arg10 : memref<!tpu.dma_semaphore, #tpu.memory_space<semaphore_mem>>)
    %add3A_144 = arith.constant 8 : i32
    %add3A_145 = arith.addi %sub3A, %add3A_144 : i32
    %mul3A_146 = arith.constant 256 : i32
    %mul3A_147 = arith.muli %add3A_145, %mul3A_146 : i32
    %dma_start3A_148 = arith.constant 8 : i32
    %dma_start3A_149 = arith.constant 0 : i32
    %dma_start3A_150 = arith.constant 0 : i32
    %dma_start3A_151 = tpu.memref_slice %arg7[%dma_start3A_148, %dma_start3A_149, %dma_start3A_150] : memref<12x256x16xf32, #tpu.memory_space<vmem>> -> memref<1x256x16xf32, #tpu.memory_space<vmem>>
    %dma_start3A_152 = tpu.memref_squeeze %dma_start3A_151 : memref<1x256x16xf32, #tpu.memory_space<vmem>> -> memref<256x16xf32, #tpu.memory_space<vmem>>
    %dma_start3A_153 = tpu.memref_slice %arg5[%mul3A_147] : memref<10240xi32, #tpu.memory_space<vmem>> -> memref<256xi32, #tpu.memory_space<vmem>>
    %dma_start3A_154 = arith.constant 0 : i32
    %dma_start3A_155 = arith.constant 0 : i32
    %dma_start3A_156 = tpu.memref_slice %arg2[%dma_start3A_154, %dma_start3A_155] : memref<10048x16xf32, #tpu.memory_space<hbm>> -> memref<10048x16xf32, #tpu.memory_space<hbm>>
    tpu.enqueue_indirect_dma source(%dma_start3A_156 : memref<10048x16xf32, #tpu.memory_space<hbm>>) target(%dma_start3A_152 : memref<256x16xf32, #tpu.memory_space<vmem>>) offsets(%dma_start3A_153 : memref<256xi32, #tpu.memory_space<vmem>>) semaphore(%arg10 : memref<!tpu.dma_semaphore, #tpu.memory_space<semaphore_mem>>)
    %add3A_157 = arith.constant 9 : i32
    %add3A_158 = arith.addi %sub3A, %add3A_157 : i32
    %mul3A_159 = arith.constant 256 : i32
    %mul3A_160 = arith.muli %add3A_158, %mul3A_159 : i32
    %dma_start3A_161 = arith.constant 9 : i32
    %dma_start3A_162 = arith.constant 0 : i32
    %dma_start3A_163 = arith.constant 0 : i32
    %dma_start3A_164 = tpu.memref_slice %arg7[%dma_start3A_161, %dma_start3A_162, %dma_start3A_163] : memref<12x256x16xf32, #tpu.memory_space<vmem>> -> memref<1x256x16xf32, #tpu.memory_space<vmem>>
    %dma_start3A_165 = tpu.memref_squeeze %dma_start3A_164 : memref<1x256x16xf32, #tpu.memory_space<vmem>> -> memref<256x16xf32, #tpu.memory_space<vmem>>
    %dma_start3A_166 = tpu.memref_slice %arg5[%mul3A_160] : memref<10240xi32, #tpu.memory_space<vmem>> -> memref<256xi32, #tpu.memory_space<vmem>>
    %dma_start3A_167 = arith.constant 0 : i32
    %dma_start3A_168 = arith.constant 0 : i32
    %dma_start3A_169 = tpu.memref_slice %arg2[%dma_start3A_167, %dma_start3A_168] : memref<10048x16xf32, #tpu.memory_space<hbm>> -> memref<10048x16xf32, #tpu.memory_space<hbm>>
    tpu.enqueue_indirect_dma source(%dma_start3A_169 : memref<10048x16xf32, #tpu.memory_space<hbm>>) target(%dma_start3A_165 : memref<256x16xf32, #tpu.memory_space<vmem>>) offsets(%dma_start3A_166 : memref<256xi32, #tpu.memory_space<vmem>>) semaphore(%arg10 : memref<!tpu.dma_semaphore, #tpu.memory_space<semaphore_mem>>)
    %while3A = arith.constant 0 : i32
    %while3A_170 = arith.constant 0 : i32
    %while3A_171 = arith.subi %select_n3A, %while3A : i32
    %while3A_172 = arith.addi %while3A, %while3A_171 : i32
    %while3A_173 = arith.constant 1 : i32
    %while3A_174 = arith.divsi %while3A_171, %while3A_173 : i32
    %while3A_175 = arith.muli %while3A_174, %while3A_173 : i32
    %while3A_176 = arith.addi %while3A, %while3A_175 : i32
    %while3A_177 = arith.constant 1 : i32
    %while3A_178 = scf.for %while3A_197 = %while3A to %while3A_176 step %while3A_177 iter_args(%while3A_198 = %while3A_170) -> (i32)  : i32 {
      %add3A_199 = arith.addi %sub3A, %while3A_197 : i32
      %mul3A_200 = arith.constant 256 : i32
      %mul3A_201 = arith.muli %add3A_199, %mul3A_200 : i32
      %jit3A_202 = arith.constant 12 : i32
      %eq3A = arith.constant 0 : i32
      %eq3A_203 = arith.cmpi eq, %jit3A_202, %eq3A : i32
      %jit3A_204 = arith.constant 1 : i32
      %select_n3A_205 = arith.select %eq3A_203, %jit3A_204, %jit3A_202 : i32
      %rem3A = arith.remsi %while3A_197, %select_n3A_205 : i32
      %ne3A = arith.constant 0 : i32
      %ne3A_206 = arith.cmpi ne, %rem3A, %ne3A : i32
      %lt3A_207 = arith.constant 0 : i32
      %lt3A_208 = arith.cmpi slt, %rem3A, %lt3A_207 : i32
      %lt3A_209 = arith.constant 0 : i32
      %lt3A_210 = arith.cmpi slt, %select_n3A_205, %lt3A_209 : i32
      %ne3A_211 = arith.xori %lt3A_208, %lt3A_210 : i1
      %and3A = arith.andi %ne3A_211, %ne3A_206 : i1
      %add3A_212 = arith.addi %rem3A, %select_n3A_205 : i32
      %select_n3A_213 = arith.select %and3A, %add3A_212, %rem3A : i32
      %dma_wait3A_214 = arith.constant 0 : i32
      %dma_wait3A_215 = arith.constant 0 : i32
      %dma_wait3A_216 = tpu.memref_slice %arg7[%select_n3A_213, %dma_wait3A_214, %dma_wait3A_215] : memref<12x256x16xf32, #tpu.memory_space<vmem>> -> memref<1x256x16xf32, #tpu.memory_space<vmem>>
      %dma_wait3A_217 = tpu.memref_squeeze %dma_wait3A_216 : memref<1x256x16xf32, #tpu.memory_space<vmem>> -> memref<256x16xf32, #tpu.memory_space<vmem>>
      %dma_wait3A_218 = tpu.memref_slice %arg5[%mul3A_201] : memref<10240xi32, #tpu.memory_space<vmem>> -> memref<256xi32, #tpu.memory_space<vmem>>
      %dma_wait3A_219 = arith.constant 0 : i32
      %dma_wait3A_220 = arith.constant 0 : i32
      %dma_wait3A_221 = tpu.memref_slice %arg2[%dma_wait3A_219, %dma_wait3A_220] : memref<10048x16xf32, #tpu.memory_space<hbm>> -> memref<10048x16xf32, #tpu.memory_space<hbm>>
      tpu.wait_indirect_dma semaphore(%arg10 : memref<!tpu.dma_semaphore, #tpu.memory_space<semaphore_mem>>) src(%dma_wait3A_221 : memref<10048x16xf32, #tpu.memory_space<hbm>>) dst(%dma_wait3A_217 : memref<256x16xf32, #tpu.memory_space<vmem>>)
      %jit3A_222 = arith.constant 12 : i32
      %eq3A_223 = arith.constant 0 : i32
      %eq3A_224 = arith.cmpi eq, %jit3A_222, %eq3A_223 : i32
      %jit3A_225 = arith.constant 1 : i32
      %select_n3A_226 = arith.select %eq3A_224, %jit3A_225, %jit3A_222 : i32
      %rem3A_227 = arith.remsi %while3A_197, %select_n3A_226 : i32
      %ne3A_228 = arith.constant 0 : i32
      %ne3A_229 = arith.cmpi ne, %rem3A_227, %ne3A_228 : i32
      %lt3A_230 = arith.constant 0 : i32
      %lt3A_231 = arith.cmpi slt, %rem3A_227, %lt3A_230 : i32
      %lt3A_232 = arith.constant 0 : i32
      %lt3A_233 = arith.cmpi slt, %select_n3A_226, %lt3A_232 : i32
      %ne3A_234 = arith.xori %lt3A_231, %lt3A_233 : i1
      %and3A_235 = arith.andi %ne3A_234, %ne3A_229 : i1
      %add3A_236 = arith.addi %rem3A_227, %select_n3A_226 : i32
      %select_n3A_237 = arith.select %and3A_235, %add3A_236, %rem3A_227 : i32
      %add3A_238 = arith.addi %sub3A, %while3A_197 : i32
      %mul3A_239 = arith.constant 256 : i32
      %mul3A_240 = arith.muli %add3A_238, %mul3A_239 : i32
      %dma_start3A_241 = arith.constant 0 : i32
      %dma_start3A_242 = arith.constant 0 : i32
      %dma_start3A_243 = tpu.memref_slice %arg7[%select_n3A_237, %dma_start3A_241, %dma_start3A_242] : memref<12x256x16xf32, #tpu.memory_space<vmem>> -> memref<1x256x16xf32, #tpu.memory_space<vmem>>
      %dma_start3A_244 = tpu.memref_squeeze %dma_start3A_243 : memref<1x256x16xf32, #tpu.memory_space<vmem>> -> memref<256x16xf32, #tpu.memory_space<vmem>>
      %dma_start3A_245 = tpu.memref_slice %arg6[%mul3A_240] : memref<10240xi32, #tpu.memory_space<vmem>> -> memref<256xi32, #tpu.memory_space<vmem>>
      %dma_start3A_246 = arith.constant 0 : i32
      %dma_start3A_247 = arith.constant 0 : i32
      %dma_start3A_248 = tpu.memref_slice %arg9[%dma_start3A_246, %dma_start3A_247] : memref<10048x16xf32, #tpu.memory_space<vmem_shared>> -> memref<10048x16xf32, #tpu.memory_space<vmem_shared>>
      tpu.enqueue_indirect_dma source(%dma_start3A_244 : memref<256x16xf32, #tpu.memory_space<vmem>>) target(%dma_start3A_248 : memref<10048x16xf32, #tpu.memory_space<vmem_shared>>) offsets(%dma_start3A_245 : memref<256xi32, #tpu.memory_space<vmem>>) semaphore(%arg11 : memref<!tpu.dma_semaphore, #tpu.memory_space<semaphore_mem>>) {add = true}
      %lt3A_249 = arith.constant 2 : i32
      %lt3A_250 = arith.cmpi slt, %while3A_197, %lt3A_249 : i32
      %add3A_251 = arith.constant 10 : i32
      %add3A_252 = arith.addi %while3A_197, %add3A_251 : i32
      %lt3A_253 = arith.cmpi slt, %add3A_252, %select_n3A : i32
      %and3A_254 = arith.andi %lt3A_250, %lt3A_253 : i1
      %convert_element_type3A = arith.extui %and3A_254 : i1 to i32
      %cond3A = arith.constant 0 : i32
      %cond3A_255 = arith.cmpi ne, %convert_element_type3A, %cond3A : i32
      scf.if %cond3A_255 {
        %add3A_265 = arith.constant 10 : i32
        %add3A_266 = arith.addi %while3A_197, %add3A_265 : i32
        %add3A_267 = arith.addi %sub3A, %add3A_266 : i32
        %mul3A_268 = arith.constant 256 : i32
        %mul3A_269 = arith.muli %add3A_267, %mul3A_268 : i32
        %jit3A_270 = arith.constant 12 : i32
        %eq3A_271 = arith.constant 0 : i32
        %eq3A_272 = arith.cmpi eq, %jit3A_270, %eq3A_271 : i32
        %jit3A_273 = arith.constant 1 : i32
        %select_n3A_274 = arith.select %eq3A_272, %jit3A_273, %jit3A_270 : i32
        %rem3A_275 = arith.remsi %add3A_266, %select_n3A_274 : i32
        %ne3A_276 = arith.constant 0 : i32
        %ne3A_277 = arith.cmpi ne, %rem3A_275, %ne3A_276 : i32
        %lt3A_278 = arith.constant 0 : i32
        %lt3A_279 = arith.cmpi slt, %rem3A_275, %lt3A_278 : i32
        %lt3A_280 = arith.constant 0 : i32
        %lt3A_281 = arith.cmpi slt, %select_n3A_274, %lt3A_280 : i32
        %ne3A_282 = arith.xori %lt3A_279, %lt3A_281 : i1
        %and3A_283 = arith.andi %ne3A_282, %ne3A_277 : i1
        %add3A_284 = arith.addi %rem3A_275, %select_n3A_274 : i32
        %select_n3A_285 = arith.select %and3A_283, %add3A_284, %rem3A_275 : i32
        %dma_start3A_286 = arith.constant 0 : i32
        %dma_start3A_287 = arith.constant 0 : i32
        %dma_start3A_288 = tpu.memref_slice %arg7[%select_n3A_285, %dma_start3A_286, %dma_start3A_287] : memref<12x256x16xf32, #tpu.memory_space<vmem>> -> memref<1x256x16xf32, #tpu.memory_space<vmem>>
        %dma_start3A_289 = tpu.memref_squeeze %dma_start3A_288 : memref<1x256x16xf32, #tpu.memory_space<vmem>> -> memref<256x16xf32, #tpu.memory_space<vmem>>
        %dma_start3A_290 = tpu.memref_slice %arg5[%mul3A_269] : memref<10240xi32, #tpu.memory_space<vmem>> -> memref<256xi32, #tpu.memory_space<vmem>>
        %dma_start3A_291 = arith.constant 0 : i32
        %dma_start3A_292 = arith.constant 0 : i32
        %dma_start3A_293 = tpu.memref_slice %arg2[%dma_start3A_291, %dma_start3A_292] : memref<10048x16xf32, #tpu.memory_space<hbm>> -> memref<10048x16xf32, #tpu.memory_space<hbm>>
        tpu.enqueue_indirect_dma source(%dma_start3A_293 : memref<10048x16xf32, #tpu.memory_space<hbm>>) target(%dma_start3A_289 : memref<256x16xf32, #tpu.memory_space<vmem>>) offsets(%dma_start3A_290 : memref<256xi32, #tpu.memory_space<vmem>>) semaphore(%arg10 : memref<!tpu.dma_semaphore, #tpu.memory_space<semaphore_mem>>)
      } else {
      }
      %ge3A = arith.constant 2 : i32
      %ge3A_256 = arith.cmpi sge, %while3A_197, %ge3A : i32
      %add3A_257 = arith.constant 10 : i32
      %add3A_258 = arith.addi %while3A_197, %add3A_257 : i32
      %lt3A_259 = arith.cmpi slt, %add3A_258, %select_n3A : i32
      %and3A_260 = arith.andi %ge3A_256, %lt3A_259 : i1
      %convert_element_type3A_261 = arith.extui %and3A_260 : i1 to i32
      %cond3A_262 = arith.constant 0 : i32
      %cond3A_263 = arith.cmpi ne, %convert_element_type3A_261, %cond3A_262 : i32
      scf.if %cond3A_263 {
        %sub3A_265 = arith.constant 2 : i32
        %sub3A_266 = arith.subi %while3A_197, %sub3A_265 : i32
        %jit3A_267 = arith.constant 12 : i32
        %eq3A_268 = arith.constant 0 : i32
        %eq3A_269 = arith.cmpi eq, %jit3A_267, %eq3A_268 : i32
        %jit3A_270 = arith.constant 1 : i32
        %select_n3A_271 = arith.select %eq3A_269, %jit3A_270, %jit3A_267 : i32
        %rem3A_272 = arith.remsi %sub3A_266, %select_n3A_271 : i32
        %ne3A_273 = arith.constant 0 : i32
        %ne3A_274 = arith.cmpi ne, %rem3A_272, %ne3A_273 : i32
        %lt3A_275 = arith.constant 0 : i32
        %lt3A_276 = arith.cmpi slt, %rem3A_272, %lt3A_275 : i32
        %lt3A_277 = arith.constant 0 : i32
        %lt3A_278 = arith.cmpi slt, %select_n3A_271, %lt3A_277 : i32
        %ne3A_279 = arith.xori %lt3A_276, %lt3A_278 : i1
        %and3A_280 = arith.andi %ne3A_279, %ne3A_274 : i1
        %add3A_281 = arith.addi %rem3A_272, %select_n3A_271 : i32
        %select_n3A_282 = arith.select %and3A_280, %add3A_281, %rem3A_272 : i32
        %add3A_283 = arith.addi %sub3A, %sub3A_266 : i32
        %mul3A_284 = arith.constant 256 : i32
        %mul3A_285 = arith.muli %add3A_283, %mul3A_284 : i32
        %dma_wait3A_286 = arith.constant 0 : i32
        %dma_wait3A_287 = arith.constant 0 : i32
        %dma_wait3A_288 = tpu.memref_slice %arg7[%select_n3A_282, %dma_wait3A_286, %dma_wait3A_287] : memref<12x256x16xf32, #tpu.memory_space<vmem>> -> memref<1x256x16xf32, #tpu.memory_space<vmem>>
        %dma_wait3A_289 = tpu.memref_squeeze %dma_wait3A_288 : memref<1x256x16xf32, #tpu.memory_space<vmem>> -> memref<256x16xf32, #tpu.memory_space<vmem>>
        %dma_wait3A_290 = tpu.memref_slice %arg6[%mul3A_285] : memref<10240xi32, #tpu.memory_space<vmem>> -> memref<256xi32, #tpu.memory_space<vmem>>
        %dma_wait3A_291 = arith.constant 0 : i32
        %dma_wait3A_292 = arith.constant 0 : i32
        %dma_wait3A_293 = tpu.memref_slice %arg9[%dma_wait3A_291, %dma_wait3A_292] : memref<10048x16xf32, #tpu.memory_space<vmem_shared>> -> memref<10048x16xf32, #tpu.memory_space<vmem_shared>>
        tpu.wait_indirect_dma semaphore(%arg11 : memref<!tpu.dma_semaphore, #tpu.memory_space<semaphore_mem>>) src(%dma_wait3A_289 : memref<256x16xf32, #tpu.memory_space<vmem>>) dst(%dma_wait3A_293 : memref<10048x16xf32, #tpu.memory_space<vmem_shared>>)
        %add3A_294 = arith.constant 10 : i32
        %add3A_295 = arith.addi %while3A_197, %add3A_294 : i32
        %add3A_296 = arith.addi %sub3A, %add3A_295 : i32
        %mul3A_297 = arith.constant 256 : i32
        %mul3A_298 = arith.muli %add3A_296, %mul3A_297 : i32
        %jit3A_299 = arith.constant 12 : i32
        %eq3A_300 = arith.constant 0 : i32
        %eq3A_301 = arith.cmpi eq, %jit3A_299, %eq3A_300 : i32
        %jit3A_302 = arith.constant 1 : i32
        %select_n3A_303 = arith.select %eq3A_301, %jit3A_302, %jit3A_299 : i32
        %rem3A_304 = arith.remsi %add3A_295, %select_n3A_303 : i32
        %ne3A_305 = arith.constant 0 : i32
        %ne3A_306 = arith.cmpi ne, %rem3A_304, %ne3A_305 : i32
        %lt3A_307 = arith.constant 0 : i32
        %lt3A_308 = arith.cmpi slt, %rem3A_304, %lt3A_307 : i32
        %lt3A_309 = arith.constant 0 : i32
        %lt3A_310 = arith.cmpi slt, %select_n3A_303, %lt3A_309 : i32
        %ne3A_311 = arith.xori %lt3A_308, %lt3A_310 : i1
        %and3A_312 = arith.andi %ne3A_311, %ne3A_306 : i1
        %add3A_313 = arith.addi %rem3A_304, %select_n3A_303 : i32
        %select_n3A_314 = arith.select %and3A_312, %add3A_313, %rem3A_304 : i32
        %dma_start3A_315 = arith.constant 0 : i32
        %dma_start3A_316 = arith.constant 0 : i32
        %dma_start3A_317 = tpu.memref_slice %arg7[%select_n3A_314, %dma_start3A_315, %dma_start3A_316] : memref<12x256x16xf32, #tpu.memory_space<vmem>> -> memref<1x256x16xf32, #tpu.memory_space<vmem>>
        %dma_start3A_318 = tpu.memref_squeeze %dma_start3A_317 : memref<1x256x16xf32, #tpu.memory_space<vmem>> -> memref<256x16xf32, #tpu.memory_space<vmem>>
        %dma_start3A_319 = tpu.memref_slice %arg5[%mul3A_298] : memref<10240xi32, #tpu.memory_space<vmem>> -> memref<256xi32, #tpu.memory_space<vmem>>
        %dma_start3A_320 = arith.constant 0 : i32
        %dma_start3A_321 = arith.constant 0 : i32
        %dma_start3A_322 = tpu.memref_slice %arg2[%dma_start3A_320, %dma_start3A_321] : memref<10048x16xf32, #tpu.memory_space<hbm>> -> memref<10048x16xf32, #tpu.memory_space<hbm>>
        tpu.enqueue_indirect_dma source(%dma_start3A_322 : memref<10048x16xf32, #tpu.memory_space<hbm>>) target(%dma_start3A_318 : memref<256x16xf32, #tpu.memory_space<vmem>>) offsets(%dma_start3A_319 : memref<256xi32, #tpu.memory_space<vmem>>) semaphore(%arg10 : memref<!tpu.dma_semaphore, #tpu.memory_space<semaphore_mem>>)
      } else {
      }
      %while3A_264 = arith.constant 0 : i32
      scf.yield %while3A_264 : i32
    }
    %while3A_179 = arith.constant 1 : i32
    %while3A_180 = scf.for %while3A_197 = %while3A_176 to %while3A_172 step %while3A_179 iter_args(%while3A_198 = %while3A_178) -> (i32)  : i32 {
      %add3A_199 = arith.addi %sub3A, %while3A_197 : i32
      %mul3A_200 = arith.constant 256 : i32
      %mul3A_201 = arith.muli %add3A_199, %mul3A_200 : i32
      %jit3A_202 = arith.constant 12 : i32
      %eq3A = arith.constant 0 : i32
      %eq3A_203 = arith.cmpi eq, %jit3A_202, %eq3A : i32
      %jit3A_204 = arith.constant 1 : i32
      %select_n3A_205 = arith.select %eq3A_203, %jit3A_204, %jit3A_202 : i32
      %rem3A = arith.remsi %while3A_197, %select_n3A_205 : i32
      %ne3A = arith.constant 0 : i32
      %ne3A_206 = arith.cmpi ne, %rem3A, %ne3A : i32
      %lt3A_207 = arith.constant 0 : i32
      %lt3A_208 = arith.cmpi slt, %rem3A, %lt3A_207 : i32
      %lt3A_209 = arith.constant 0 : i32
      %lt3A_210 = arith.cmpi slt, %select_n3A_205, %lt3A_209 : i32
      %ne3A_211 = arith.xori %lt3A_208, %lt3A_210 : i1
      %and3A = arith.andi %ne3A_211, %ne3A_206 : i1
      %add3A_212 = arith.addi %rem3A, %select_n3A_205 : i32
      %select_n3A_213 = arith.select %and3A, %add3A_212, %rem3A : i32
      %dma_wait3A_214 = arith.constant 0 : i32
      %dma_wait3A_215 = arith.constant 0 : i32
      %dma_wait3A_216 = tpu.memref_slice %arg7[%select_n3A_213, %dma_wait3A_214, %dma_wait3A_215] : memref<12x256x16xf32, #tpu.memory_space<vmem>> -> memref<1x256x16xf32, #tpu.memory_space<vmem>>
      %dma_wait3A_217 = tpu.memref_squeeze %dma_wait3A_216 : memref<1x256x16xf32, #tpu.memory_space<vmem>> -> memref<256x16xf32, #tpu.memory_space<vmem>>
      %dma_wait3A_218 = tpu.memref_slice %arg5[%mul3A_201] : memref<10240xi32, #tpu.memory_space<vmem>> -> memref<256xi32, #tpu.memory_space<vmem>>
      %dma_wait3A_219 = arith.constant 0 : i32
      %dma_wait3A_220 = arith.constant 0 : i32
      %dma_wait3A_221 = tpu.memref_slice %arg2[%dma_wait3A_219, %dma_wait3A_220] : memref<10048x16xf32, #tpu.memory_space<hbm>> -> memref<10048x16xf32, #tpu.memory_space<hbm>>
      tpu.wait_indirect_dma semaphore(%arg10 : memref<!tpu.dma_semaphore, #tpu.memory_space<semaphore_mem>>) src(%dma_wait3A_221 : memref<10048x16xf32, #tpu.memory_space<hbm>>) dst(%dma_wait3A_217 : memref<256x16xf32, #tpu.memory_space<vmem>>)
      %jit3A_222 = arith.constant 12 : i32
      %eq3A_223 = arith.constant 0 : i32
      %eq3A_224 = arith.cmpi eq, %jit3A_222, %eq3A_223 : i32
      %jit3A_225 = arith.constant 1 : i32
      %select_n3A_226 = arith.select %eq3A_224, %jit3A_225, %jit3A_222 : i32
      %rem3A_227 = arith.remsi %while3A_197, %select_n3A_226 : i32
      %ne3A_228 = arith.constant 0 : i32
      %ne3A_229 = arith.cmpi ne, %rem3A_227, %ne3A_228 : i32
      %lt3A_230 = arith.constant 0 : i32
      %lt3A_231 = arith.cmpi slt, %rem3A_227, %lt3A_230 : i32
      %lt3A_232 = arith.constant 0 : i32
      %lt3A_233 = arith.cmpi slt, %select_n3A_226, %lt3A_232 : i32
      %ne3A_234 = arith.xori %lt3A_231, %lt3A_233 : i1
      %and3A_235 = arith.andi %ne3A_234, %ne3A_229 : i1
      %add3A_236 = arith.addi %rem3A_227, %select_n3A_226 : i32
      %select_n3A_237 = arith.select %and3A_235, %add3A_236, %rem3A_227 : i32
      %add3A_238 = arith.addi %sub3A, %while3A_197 : i32
      %mul3A_239 = arith.constant 256 : i32
      %mul3A_240 = arith.muli %add3A_238, %mul3A_239 : i32
      %dma_start3A_241 = arith.constant 0 : i32
      %dma_start3A_242 = arith.constant 0 : i32
      %dma_start3A_243 = tpu.memref_slice %arg7[%select_n3A_237, %dma_start3A_241, %dma_start3A_242] : memref<12x256x16xf32, #tpu.memory_space<vmem>> -> memref<1x256x16xf32, #tpu.memory_space<vmem>>
      %dma_start3A_244 = tpu.memref_squeeze %dma_start3A_243 : memref<1x256x16xf32, #tpu.memory_space<vmem>> -> memref<256x16xf32, #tpu.memory_space<vmem>>
      %dma_start3A_245 = tpu.memref_slice %arg6[%mul3A_240] : memref<10240xi32, #tpu.memory_space<vmem>> -> memref<256xi32, #tpu.memory_space<vmem>>
      %dma_start3A_246 = arith.constant 0 : i32
      %dma_start3A_247 = arith.constant 0 : i32
      %dma_start3A_248 = tpu.memref_slice %arg9[%dma_start3A_246, %dma_start3A_247] : memref<10048x16xf32, #tpu.memory_space<vmem_shared>> -> memref<10048x16xf32, #tpu.memory_space<vmem_shared>>
      tpu.enqueue_indirect_dma source(%dma_start3A_244 : memref<256x16xf32, #tpu.memory_space<vmem>>) target(%dma_start3A_248 : memref<10048x16xf32, #tpu.memory_space<vmem_shared>>) offsets(%dma_start3A_245 : memref<256xi32, #tpu.memory_space<vmem>>) semaphore(%arg11 : memref<!tpu.dma_semaphore, #tpu.memory_space<semaphore_mem>>) {add = true}
      %lt3A_249 = arith.constant 2 : i32
      %lt3A_250 = arith.cmpi slt, %while3A_197, %lt3A_249 : i32
      %add3A_251 = arith.constant 10 : i32
      %add3A_252 = arith.addi %while3A_197, %add3A_251 : i32
      %lt3A_253 = arith.cmpi slt, %add3A_252, %select_n3A : i32
      %and3A_254 = arith.andi %lt3A_250, %lt3A_253 : i1
      %convert_element_type3A = arith.extui %and3A_254 : i1 to i32
      %cond3A = arith.constant 0 : i32
      %cond3A_255 = arith.cmpi ne, %convert_element_type3A, %cond3A : i32
      scf.if %cond3A_255 {
        %add3A_265 = arith.constant 10 : i32
        %add3A_266 = arith.addi %while3A_197, %add3A_265 : i32
        %add3A_267 = arith.addi %sub3A, %add3A_266 : i32
        %mul3A_268 = arith.constant 256 : i32
        %mul3A_269 = arith.muli %add3A_267, %mul3A_268 : i32
        %jit3A_270 = arith.constant 12 : i32
        %eq3A_271 = arith.constant 0 : i32
        %eq3A_272 = arith.cmpi eq, %jit3A_270, %eq3A_271 : i32
        %jit3A_273 = arith.constant 1 : i32
        %select_n3A_274 = arith.select %eq3A_272, %jit3A_273, %jit3A_270 : i32
        %rem3A_275 = arith.remsi %add3A_266, %select_n3A_274 : i32
        %ne3A_276 = arith.constant 0 : i32
        %ne3A_277 = arith.cmpi ne, %rem3A_275, %ne3A_276 : i32
        %lt3A_278 = arith.constant 0 : i32
        %lt3A_279 = arith.cmpi slt, %rem3A_275, %lt3A_278 : i32
        %lt3A_280 = arith.constant 0 : i32
        %lt3A_281 = arith.cmpi slt, %select_n3A_274, %lt3A_280 : i32
        %ne3A_282 = arith.xori %lt3A_279, %lt3A_281 : i1
        %and3A_283 = arith.andi %ne3A_282, %ne3A_277 : i1
        %add3A_284 = arith.addi %rem3A_275, %select_n3A_274 : i32
        %select_n3A_285 = arith.select %and3A_283, %add3A_284, %rem3A_275 : i32
        %dma_start3A_286 = arith.constant 0 : i32
        %dma_start3A_287 = arith.constant 0 : i32
        %dma_start3A_288 = tpu.memref_slice %arg7[%select_n3A_285, %dma_start3A_286, %dma_start3A_287] : memref<12x256x16xf32, #tpu.memory_space<vmem>> -> memref<1x256x16xf32, #tpu.memory_space<vmem>>
        %dma_start3A_289 = tpu.memref_squeeze %dma_start3A_288 : memref<1x256x16xf32, #tpu.memory_space<vmem>> -> memref<256x16xf32, #tpu.memory_space<vmem>>
        %dma_start3A_290 = tpu.memref_slice %arg5[%mul3A_269] : memref<10240xi32, #tpu.memory_space<vmem>> -> memref<256xi32, #tpu.memory_space<vmem>>
        %dma_start3A_291 = arith.constant 0 : i32
        %dma_start3A_292 = arith.constant 0 : i32
        %dma_start3A_293 = tpu.memref_slice %arg2[%dma_start3A_291, %dma_start3A_292] : memref<10048x16xf32, #tpu.memory_space<hbm>> -> memref<10048x16xf32, #tpu.memory_space<hbm>>
        tpu.enqueue_indirect_dma source(%dma_start3A_293 : memref<10048x16xf32, #tpu.memory_space<hbm>>) target(%dma_start3A_289 : memref<256x16xf32, #tpu.memory_space<vmem>>) offsets(%dma_start3A_290 : memref<256xi32, #tpu.memory_space<vmem>>) semaphore(%arg10 : memref<!tpu.dma_semaphore, #tpu.memory_space<semaphore_mem>>)
      } else {
      }
      %ge3A = arith.constant 2 : i32
      %ge3A_256 = arith.cmpi sge, %while3A_197, %ge3A : i32
      %add3A_257 = arith.constant 10 : i32
      %add3A_258 = arith.addi %while3A_197, %add3A_257 : i32
      %lt3A_259 = arith.cmpi slt, %add3A_258, %select_n3A : i32
      %and3A_260 = arith.andi %ge3A_256, %lt3A_259 : i1
      %convert_element_type3A_261 = arith.extui %and3A_260 : i1 to i32
      %cond3A_262 = arith.constant 0 : i32
      %cond3A_263 = arith.cmpi ne, %convert_element_type3A_261, %cond3A_262 : i32
      scf.if %cond3A_263 {
        %sub3A_265 = arith.constant 2 : i32
        %sub3A_266 = arith.subi %while3A_197, %sub3A_265 : i32
        %jit3A_267 = arith.constant 12 : i32
        %eq3A_268 = arith.constant 0 : i32
        %eq3A_269 = arith.cmpi eq, %jit3A_267, %eq3A_268 : i32
        %jit3A_270 = arith.constant 1 : i32
        %select_n3A_271 = arith.select %eq3A_269, %jit3A_270, %jit3A_267 : i32
        %rem3A_272 = arith.remsi %sub3A_266, %select_n3A_271 : i32
        %ne3A_273 = arith.constant 0 : i32
        %ne3A_274 = arith.cmpi ne, %rem3A_272, %ne3A_273 : i32
        %lt3A_275 = arith.constant 0 : i32
        %lt3A_276 = arith.cmpi slt, %rem3A_272, %lt3A_275 : i32
        %lt3A_277 = arith.constant 0 : i32
        %lt3A_278 = arith.cmpi slt, %select_n3A_271, %lt3A_277 : i32
        %ne3A_279 = arith.xori %lt3A_276, %lt3A_278 : i1
        %and3A_280 = arith.andi %ne3A_279, %ne3A_274 : i1
        %add3A_281 = arith.addi %rem3A_272, %select_n3A_271 : i32
        %select_n3A_282 = arith.select %and3A_280, %add3A_281, %rem3A_272 : i32
        %add3A_283 = arith.addi %sub3A, %sub3A_266 : i32
        %mul3A_284 = arith.constant 256 : i32
        %mul3A_285 = arith.muli %add3A_283, %mul3A_284 : i32
        %dma_wait3A_286 = arith.constant 0 : i32
        %dma_wait3A_287 = arith.constant 0 : i32
        %dma_wait3A_288 = tpu.memref_slice %arg7[%select_n3A_282, %dma_wait3A_286, %dma_wait3A_287] : memref<12x256x16xf32, #tpu.memory_space<vmem>> -> memref<1x256x16xf32, #tpu.memory_space<vmem>>
        %dma_wait3A_289 = tpu.memref_squeeze %dma_wait3A_288 : memref<1x256x16xf32, #tpu.memory_space<vmem>> -> memref<256x16xf32, #tpu.memory_space<vmem>>
        %dma_wait3A_290 = tpu.memref_slice %arg6[%mul3A_285] : memref<10240xi32, #tpu.memory_space<vmem>> -> memref<256xi32, #tpu.memory_space<vmem>>
        %dma_wait3A_291 = arith.constant 0 : i32
        %dma_wait3A_292 = arith.constant 0 : i32
        %dma_wait3A_293 = tpu.memref_slice %arg9[%dma_wait3A_291, %dma_wait3A_292] : memref<10048x16xf32, #tpu.memory_space<vmem_shared>> -> memref<10048x16xf32, #tpu.memory_space<vmem_shared>>
        tpu.wait_indirect_dma semaphore(%arg11 : memref<!tpu.dma_semaphore, #tpu.memory_space<semaphore_mem>>) src(%dma_wait3A_289 : memref<256x16xf32, #tpu.memory_space<vmem>>) dst(%dma_wait3A_293 : memref<10048x16xf32, #tpu.memory_space<vmem_shared>>)
        %add3A_294 = arith.constant 10 : i32
        %add3A_295 = arith.addi %while3A_197, %add3A_294 : i32
        %add3A_296 = arith.addi %sub3A, %add3A_295 : i32
        %mul3A_297 = arith.constant 256 : i32
        %mul3A_298 = arith.muli %add3A_296, %mul3A_297 : i32
        %jit3A_299 = arith.constant 12 : i32
        %eq3A_300 = arith.constant 0 : i32
        %eq3A_301 = arith.cmpi eq, %jit3A_299, %eq3A_300 : i32
        %jit3A_302 = arith.constant 1 : i32
        %select_n3A_303 = arith.select %eq3A_301, %jit3A_302, %jit3A_299 : i32
        %rem3A_304 = arith.remsi %add3A_295, %select_n3A_303 : i32
        %ne3A_305 = arith.constant 0 : i32
        %ne3A_306 = arith.cmpi ne, %rem3A_304, %ne3A_305 : i32
        %lt3A_307 = arith.constant 0 : i32
        %lt3A_308 = arith.cmpi slt, %rem3A_304, %lt3A_307 : i32
        %lt3A_309 = arith.constant 0 : i32
        %lt3A_310 = arith.cmpi slt, %select_n3A_303, %lt3A_309 : i32
        %ne3A_311 = arith.xori %lt3A_308, %lt3A_310 : i1
        %and3A_312 = arith.andi %ne3A_311, %ne3A_306 : i1
        %add3A_313 = arith.addi %rem3A_304, %select_n3A_303 : i32
        %select_n3A_314 = arith.select %and3A_312, %add3A_313, %rem3A_304 : i32
        %dma_start3A_315 = arith.constant 0 : i32
        %dma_start3A_316 = arith.constant 0 : i32
        %dma_start3A_317 = tpu.memref_slice %arg7[%select_n3A_314, %dma_start3A_315, %dma_start3A_316] : memref<12x256x16xf32, #tpu.memory_space<vmem>> -> memref<1x256x16xf32, #tpu.memory_space<vmem>>
        %dma_start3A_318 = tpu.memref_squeeze %dma_start3A_317 : memref<1x256x16xf32, #tpu.memory_space<vmem>> -> memref<256x16xf32, #tpu.memory_space<vmem>>
        %dma_start3A_319 = tpu.memref_slice %arg5[%mul3A_298] : memref<10240xi32, #tpu.memory_space<vmem>> -> memref<256xi32, #tpu.memory_space<vmem>>
        %dma_start3A_320 = arith.constant 0 : i32
        %dma_start3A_321 = arith.constant 0 : i32
        %dma_start3A_322 = tpu.memref_slice %arg2[%dma_start3A_320, %dma_start3A_321] : memref<10048x16xf32, #tpu.memory_space<hbm>> -> memref<10048x16xf32, #tpu.memory_space<hbm>>
        tpu.enqueue_indirect_dma source(%dma_start3A_322 : memref<10048x16xf32, #tpu.memory_space<hbm>>) target(%dma_start3A_318 : memref<256x16xf32, #tpu.memory_space<vmem>>) offsets(%dma_start3A_319 : memref<256xi32, #tpu.memory_space<vmem>>) semaphore(%arg10 : memref<!tpu.dma_semaphore, #tpu.memory_space<semaphore_mem>>)
      } else {
      }
      %while3A_264 = arith.constant 0 : i32
      scf.yield %while3A_264 : i32
    }
    %sub3A_181 = arith.constant 12 : i32
    %sub3A_182 = arith.subi %select_n3A, %sub3A_181 : i32
    %while3A_183 = arith.constant 0 : i32
    %while3A_184 = arith.subi %select_n3A, %sub3A_182 : i32
    %while3A_185 = arith.addi %sub3A_182, %while3A_184 : i32
    %while3A_186 = arith.constant 1 : i32
    %while3A_187 = arith.divsi %while3A_184, %while3A_186 : i32
    %while3A_188 = arith.muli %while3A_187, %while3A_186 : i32
    %while3A_189 = arith.addi %sub3A_182, %while3A_188 : i32
    %while3A_190 = arith.constant 1 : i32
    %while3A_191 = scf.for %while3A_197 = %sub3A_182 to %while3A_189 step %while3A_190 iter_args(%while3A_198 = %while3A_183) -> (i32)  : i32 {
      %jit3A_199 = arith.constant 12 : i32
      %eq3A = arith.constant 0 : i32
      %eq3A_200 = arith.cmpi eq, %jit3A_199, %eq3A : i32
      %jit3A_201 = arith.constant 1 : i32
      %select_n3A_202 = arith.select %eq3A_200, %jit3A_201, %jit3A_199 : i32
      %rem3A = arith.remsi %while3A_197, %select_n3A_202 : i32
      %ne3A = arith.constant 0 : i32
      %ne3A_203 = arith.cmpi ne, %rem3A, %ne3A : i32
      %lt3A_204 = arith.constant 0 : i32
      %lt3A_205 = arith.cmpi slt, %rem3A, %lt3A_204 : i32
      %lt3A_206 = arith.constant 0 : i32
      %lt3A_207 = arith.cmpi slt, %select_n3A_202, %lt3A_206 : i32
      %ne3A_208 = arith.xori %lt3A_205, %lt3A_207 : i1
      %and3A = arith.andi %ne3A_208, %ne3A_203 : i1
      %add3A_209 = arith.addi %rem3A, %select_n3A_202 : i32
      %select_n3A_210 = arith.select %and3A, %add3A_209, %rem3A : i32
      %add3A_211 = arith.addi %sub3A, %while3A_197 : i32
      %mul3A_212 = arith.constant 256 : i32
      %mul3A_213 = arith.muli %add3A_211, %mul3A_212 : i32
      %dma_wait3A_214 = arith.constant 0 : i32
      %dma_wait3A_215 = arith.constant 0 : i32
      %dma_wait3A_216 = tpu.memref_slice %arg7[%select_n3A_210, %dma_wait3A_214, %dma_wait3A_215] : memref<12x256x16xf32, #tpu.memory_space<vmem>> -> memref<1x256x16xf32, #tpu.memory_space<vmem>>
      %dma_wait3A_217 = tpu.memref_squeeze %dma_wait3A_216 : memref<1x256x16xf32, #tpu.memory_space<vmem>> -> memref<256x16xf32, #tpu.memory_space<vmem>>
      %dma_wait3A_218 = tpu.memref_slice %arg6[%mul3A_213] : memref<10240xi32, #tpu.memory_space<vmem>> -> memref<256xi32, #tpu.memory_space<vmem>>
      %dma_wait3A_219 = arith.constant 0 : i32
      %dma_wait3A_220 = arith.constant 0 : i32
      %dma_wait3A_221 = tpu.memref_slice %arg9[%dma_wait3A_219, %dma_wait3A_220] : memref<10048x16xf32, #tpu.memory_space<vmem_shared>> -> memref<10048x16xf32, #tpu.memory_space<vmem_shared>>
      tpu.wait_indirect_dma semaphore(%arg11 : memref<!tpu.dma_semaphore, #tpu.memory_space<semaphore_mem>>) src(%dma_wait3A_217 : memref<256x16xf32, #tpu.memory_space<vmem>>) dst(%dma_wait3A_221 : memref<10048x16xf32, #tpu.memory_space<vmem_shared>>)
      %while3A_222 = arith.constant 0 : i32
      scf.yield %while3A_222 : i32
    }
    %while3A_192 = arith.constant 1 : i32
    %while3A_193 = scf.for %while3A_197 = %while3A_189 to %while3A_185 step %while3A_192 iter_args(%while3A_198 = %while3A_191) -> (i32)  : i32 {
      %jit3A_199 = arith.constant 12 : i32
      %eq3A = arith.constant 0 : i32
      %eq3A_200 = arith.cmpi eq, %jit3A_199, %eq3A : i32
      %jit3A_201 = arith.constant 1 : i32
      %select_n3A_202 = arith.select %eq3A_200, %jit3A_201, %jit3A_199 : i32
      %rem3A = arith.remsi %while3A_197, %select_n3A_202 : i32
      %ne3A = arith.constant 0 : i32
      %ne3A_203 = arith.cmpi ne, %rem3A, %ne3A : i32
      %lt3A_204 = arith.constant 0 : i32
      %lt3A_205 = arith.cmpi slt, %rem3A, %lt3A_204 : i32
      %lt3A_206 = arith.constant 0 : i32
      %lt3A_207 = arith.cmpi slt, %select_n3A_202, %lt3A_206 : i32
      %ne3A_208 = arith.xori %lt3A_205, %lt3A_207 : i1
      %and3A = arith.andi %ne3A_208, %ne3A_203 : i1
      %add3A_209 = arith.addi %rem3A, %select_n3A_202 : i32
      %select_n3A_210 = arith.select %and3A, %add3A_209, %rem3A : i32
      %add3A_211 = arith.addi %sub3A, %while3A_197 : i32
      %mul3A_212 = arith.constant 256 : i32
      %mul3A_213 = arith.muli %add3A_211, %mul3A_212 : i32
      %dma_wait3A_214 = arith.constant 0 : i32
      %dma_wait3A_215 = arith.constant 0 : i32
      %dma_wait3A_216 = tpu.memref_slice %arg7[%select_n3A_210, %dma_wait3A_214, %dma_wait3A_215] : memref<12x256x16xf32, #tpu.memory_space<vmem>> -> memref<1x256x16xf32, #tpu.memory_space<vmem>>
      %dma_wait3A_217 = tpu.memref_squeeze %dma_wait3A_216 : memref<1x256x16xf32, #tpu.memory_space<vmem>> -> memref<256x16xf32, #tpu.memory_space<vmem>>
      %dma_wait3A_218 = tpu.memref_slice %arg6[%mul3A_213] : memref<10240xi32, #tpu.memory_space<vmem>> -> memref<256xi32, #tpu.memory_space<vmem>>
      %dma_wait3A_219 = arith.constant 0 : i32
      %dma_wait3A_220 = arith.constant 0 : i32
      %dma_wait3A_221 = tpu.memref_slice %arg9[%dma_wait3A_219, %dma_wait3A_220] : memref<10048x16xf32, #tpu.memory_space<vmem_shared>> -> memref<10048x16xf32, #tpu.memory_space<vmem_shared>>
      tpu.wait_indirect_dma semaphore(%arg11 : memref<!tpu.dma_semaphore, #tpu.memory_space<semaphore_mem>>) src(%dma_wait3A_217 : memref<256x16xf32, #tpu.memory_space<vmem>>) dst(%dma_wait3A_221 : memref<10048x16xf32, #tpu.memory_space<vmem_shared>>)
      %while3A_222 = arith.constant 0 : i32
      scf.yield %while3A_222 : i32
    }
    %barrier3A_194 = arith.constant 0 : index
    tpu.barrier barrier_id(%barrier3A_194)
    %mul3A_195 = arith.constant 628 : i32
    %mul3A_196 = arith.muli %arg1, %mul3A_195 : i32
    "tpu.region"() ({
      %run_scoped3A = tpu.sem_alloc : memref<!tpu.dma_semaphore, #tpu.memory_space<semaphore_mem>>
      %dma_start3A_197 = arith.constant 0 : i32
      %dma_start3A_198 = tpu.memref_slice %arg4[%arg0, %mul3A_196, %dma_start3A_197] : memref<2x10048x16xf32, #tpu.memory_space<hbm>> -> memref<1x628x16xf32, #tpu.memory_space<hbm>>
      %dma_start3A_199 = tpu.memref_squeeze %dma_start3A_198 : memref<1x628x16xf32, #tpu.memory_space<hbm>> -> memref<628x16xf32, #tpu.memory_space<hbm>>
      %dma_start3A_200 = arith.constant 0 : i32
      %dma_start3A_201 = tpu.memref_slice %arg9[%mul3A_196, %dma_start3A_200] : memref<10048x16xf32, #tpu.memory_space<vmem_shared>> -> memref<628x16xf32, #tpu.memory_space<vmem_shared>>
      tpu.enqueue_dma source(%dma_start3A_201 : memref<628x16xf32, #tpu.memory_space<vmem_shared>>) target(%dma_start3A_199 : memref<628x16xf32, #tpu.memory_space<hbm>>) target_semaphore(%run_scoped3A : memref<!tpu.dma_semaphore, #tpu.memory_space<semaphore_mem>>)
      %dma_wait3A_202 = arith.constant 0 : i32
      %dma_wait3A_203 = tpu.memref_slice %arg4[%arg0, %mul3A_196, %dma_wait3A_202] : memref<2x10048x16xf32, #tpu.memory_space<hbm>> -> memref<1x628x16xf32, #tpu.memory_space<hbm>>
      %dma_wait3A_204 = tpu.memref_squeeze %dma_wait3A_203 : memref<1x628x16xf32, #tpu.memory_space<hbm>> -> memref<628x16xf32, #tpu.memory_space<hbm>>
      %dma_wait3A_205 = arith.constant 0 : i32
      %dma_wait3A_206 = tpu.memref_slice %arg9[%mul3A_196, %dma_wait3A_205] : memref<10048x16xf32, #tpu.memory_space<vmem_shared>> -> memref<628x16xf32, #tpu.memory_space<vmem_shared>>
      tpu.wait_dma2 semaphore(%run_scoped3A : memref<!tpu.dma_semaphore, #tpu.memory_space<semaphore_mem>>) src(%dma_wait3A_206 : memref<628x16xf32, #tpu.memory_space<vmem_shared>>) dst(%dma_wait3A_204 : memref<628x16xf32, #tpu.memory_space<hbm>>)
      tpu.yield
    }) : () -> ()
    return
  }
}

#map = affine_map<(d0, d1) -> (0, 0)>
#map1 = affine_map<(d0, d1) -> (0, 0, 0)>
module attributes {stable_mosaic.version = 14 : i64} {
  func.func @_sc_aggregate(%arg0: i32, %arg1: i32, %arg2: memref<10048x16xf32, #tpu.memory_space<hbm>>, %arg3: memref<2x320000xi32, #tpu.memory_space<hbm>>, %arg4: memref<2x10048x16xf32, #tpu.memory_space<hbm>>, %arg5: memref<10240xi32, #tpu.memory_space<vmem>>, %arg6: memref<10240xi32, #tpu.memory_space<vmem>>, %arg7: memref<12x256x16xf32, #tpu.memory_space<vmem>>, %arg8: memref<628x16xf32, #tpu.memory_space<vmem>>, %arg9: memref<10048x16xf32, #tpu.memory_space<vmem_shared>>, %arg10: memref<!tpu.dma_semaphore, #tpu.memory_space<semaphore_mem>>, %arg11: memref<!tpu.dma_semaphore, #tpu.memory_space<semaphore_mem>>, %arg12: memref<!tpu.dma_semaphore, #tpu.memory_space<semaphore_mem>>) attributes {dimension_semantics = [#tpu.dimension_semantics<core_parallel>, #tpu.dimension_semantics<subcore_parallel>], iteration_bounds = array<i64: 2, 16>, scalar_prefetch = 0 : i64, scratch_operands = 8 : i64, tpu.core_type = #tpu.core_type<sc_vector_subcore>, window_params = [{transform_indices = #map}, {transform_indices = #map}, {transform_indices = #map1}]} {
    %mul3A = arith.constant 2 : i32
    %mul3A_0 = arith.muli %arg1, %mul3A : i32
    %add3A = arith.addi %mul3A_0, %arg0 : i32
    %lt3A = arith.constant 2 : i32
    %lt3A_1 = arith.cmpi slt, %add3A, %lt3A : i32
    %jit3A = arith.constant 40 : i32
    %jit3A_2 = arith.constant 39 : i32
    %select_n3A = arith.select %lt3A_1, %jit3A, %jit3A_2 : i32
    %mul3A_3 = arith.constant 39 : i32
    %mul3A_4 = arith.muli %mul3A_3, %add3A : i32
    %min3A = arith.constant 2 : i32
    %min3A_5 = arith.minsi %add3A, %min3A : i32
    %add3A_6 = arith.addi %mul3A_4, %min3A_5 : i32
    %min3A_7 = arith.constant 1210 : i32
    %min3A_8 = arith.minsi %add3A_6, %min3A_7 : i32
    %sub3A = arith.subi %add3A_6, %min3A_8 : i32
    %broadcast_in_dim3A = arith.constant 0.000000e+00 : f32
    %broadcast_in_dim3A_9 = vector.broadcast %broadcast_in_dim3A : f32 to vector<16xf32>
    %scan3A = arith.constant 0 : i32
    %scan3A_10 = arith.constant 0 : i32
    %scan3A_11 = arith.constant 628 : i32
    %scan3A_12 = arith.addi %scan3A_10, %scan3A_11 : i32
    %scan3A_13 = arith.constant 1 : i32
    %scan3A_14 = scf.for %scan3A_197 = %scan3A_10 to %scan3A_12 step %scan3A_13 iter_args(%scan3A_198 = %scan3A) -> (i32)  : i32 {
      %swap3A = arith.index_cast %scan3A_197 : i32 to index
      %swap3A_199 = arith.constant 0 : index
      %swap3A_200 = tpu.vector_load %arg8[%swap3A, %swap3A_199] {strides = array<i32>} : memref<628x16xf32, #tpu.memory_space<vmem>>, vector<1x16xf32>,
      %swap3A_201 = vector.shape_cast %swap3A_200 : vector<1x16xf32> to vector<16xf32>
      %swap3A_202 = vector.shape_cast %broadcast_in_dim3A_9 : vector<16xf32> to vector<1x16xf32>
      tpu.vector_store %arg8[%swap3A, %swap3A_199], %swap3A_202 {strides = array<i32>} : memref<628x16xf32, #tpu.memory_space<vmem>>, vector<1x16xf32>,
      %scan3A_203 = arith.constant 0 : i32
      scf.yield %scan3A_203 : i32
    }
    %scan3A_15 = arith.constant 628 : i32
    %mul3A_16 = arith.constant 628 : i32
    %mul3A_17 = arith.muli %arg1, %mul3A_16 : i32
    "tpu.region"() ({
      %run_scoped3A = tpu.sem_alloc : memref<!tpu.dma_semaphore, #tpu.memory_space<semaphore_mem>>
      %dma_start3A_197 = arith.constant 0 : i32
      %dma_start3A_198 = tpu.memref_slice %arg9[%mul3A_17, %dma_start3A_197] : memref<10048x16xf32, #tpu.memory_space<vmem_shared>> -> memref<628x16xf32, #tpu.memory_space<vmem_shared>>
      %dma_start3A_199 = arith.constant 0 : i32
      %dma_start3A_200 = tpu.memref_slice %arg9[%mul3A_17, %dma_start3A_199] : memref<10048x16xf32, #tpu.memory_space<vmem_shared>> -> memref<628x16xf32, #tpu.memory_space<vmem_shared>>
      tpu.enqueue_dma source(%arg8 : memref<628x16xf32, #tpu.memory_space<vmem>>) target(%dma_start3A_200 : memref<628x16xf32, #tpu.memory_space<vmem_shared>>) target_semaphore(%run_scoped3A : memref<!tpu.dma_semaphore, #tpu.memory_space<semaphore_mem>>)
      %dma_wait3A_201 = arith.constant 0 : i32
      %dma_wait3A_202 = tpu.memref_slice %arg9[%mul3A_17, %dma_wait3A_201] : memref<10048x16xf32, #tpu.memory_space<vmem_shared>> -> memref<628x16xf32, #tpu.memory_space<vmem_shared>>
      %dma_wait3A_203 = arith.constant 0 : i32
      %dma_wait3A_204 = tpu.memref_slice %arg9[%mul3A_17, %dma_wait3A_203] : memref<10048x16xf32, #tpu.memory_space<vmem_shared>> -> memref<628x16xf32, #tpu.memory_space<vmem_shared>>
      tpu.wait_dma2 semaphore(%run_scoped3A : memref<!tpu.dma_semaphore, #tpu.memory_space<semaphore_mem>>) src(%arg8 : memref<628x16xf32, #tpu.memory_space<vmem>>) dst(%dma_wait3A_204 : memref<628x16xf32, #tpu.memory_space<vmem_shared>>)
      tpu.yield
    }) : () -> ()
    %mul3A_18 = arith.constant 256 : i32
    %mul3A_19 = arith.muli %min3A_8, %mul3A_18 : i32
    %mul3A_20 = arith.constant 256 : i32
    %mul3A_21 = arith.muli %min3A_8, %mul3A_20 : i32
    %dma_start3A = arith.constant 0 : i32
    %dma_start3A_22 = tpu.memref_slice %arg3[%dma_start3A, %mul3A_19] : memref<2x320000xi32, #tpu.memory_space<hbm>> -> memref<1x10240xi32, #tpu.memory_space<hbm>>
    %dma_start3A_23 = tpu.memref_squeeze %dma_start3A_22 : memref<1x10240xi32, #tpu.memory_space<hbm>> -> memref<10240xi32, #tpu.memory_space<hbm>>
    %dma_start3A_24 = tpu.memref_slice %arg3[%dma_start3A, %mul3A_19] : memref<2x320000xi32, #tpu.memory_space<hbm>> -> memref<1x10240xi32, #tpu.memory_space<hbm>>
    %dma_start3A_25 = tpu.memref_squeeze %dma_start3A_24 : memref<1x10240xi32, #tpu.memory_space<hbm>> -> memref<10240xi32, #tpu.memory_space<hbm>>
    tpu.enqueue_dma source(%dma_start3A_25 : memref<10240xi32, #tpu.memory_space<hbm>>) target(%arg5 : memref<10240xi32, #tpu.memory_space<vmem>>) target_semaphore(%arg12 : memref<!tpu.dma_semaphore, #tpu.memory_space<semaphore_mem>>)
    %dma_start3A_26 = arith.constant 1 : i32
    %dma_start3A_27 = tpu.memref_slice %arg3[%dma_start3A_26, %mul3A_21] : memref<2x320000xi32, #tpu.memory_space<hbm>> -> memref<1x10240xi32, #tpu.memory_space<hbm>>
    %dma_start3A_28 = tpu.memref_squeeze %dma_start3A_27 : memref<1x10240xi32, #tpu.memory_space<hbm>> -> memref<10240xi32, #tpu.memory_space<hbm>>
    %dma_start3A_29 = tpu.memref_slice %arg3[%dma_start3A_26, %mul3A_21] : memref<2x320000xi32, #tpu.memory_space<hbm>> -> memref<1x10240xi32, #tpu.memory_space<hbm>>
    %dma_start3A_30 = tpu.memref_squeeze %dma_start3A_29 : memref<1x10240xi32, #tpu.memory_space<hbm>> -> memref<10240xi32, #tpu.memory_space<hbm>>
    tpu.enqueue_dma source(%dma_start3A_30 : memref<10240xi32, #tpu.memory_space<hbm>>) target(%arg6 : memref<10240xi32, #tpu.memory_space<vmem>>) target_semaphore(%arg12 : memref<!tpu.dma_semaphore, #tpu.memory_space<semaphore_mem>>)
    %dma_wait3A = arith.constant 0 : i32
    %dma_wait3A_31 = tpu.memref_slice %arg3[%dma_wait3A, %mul3A_19] : memref<2x320000xi32, #tpu.memory_space<hbm>> -> memref<1x10240xi32, #tpu.memory_space<hbm>>
    %dma_wait3A_32 = tpu.memref_squeeze %dma_wait3A_31 : memref<1x10240xi32, #tpu.memory_space<hbm>> -> memref<10240xi32, #tpu.memory_space<hbm>>
    %dma_wait3A_33 = tpu.memref_slice %arg3[%dma_wait3A, %mul3A_19] : memref<2x320000xi32, #tpu.memory_space<hbm>> -> memref<1x10240xi32, #tpu.memory_space<hbm>>
    %dma_wait3A_34 = tpu.memref_squeeze %dma_wait3A_33 : memref<1x10240xi32, #tpu.memory_space<hbm>> -> memref<10240xi32, #tpu.memory_space<hbm>>
    tpu.wait_dma2 semaphore(%arg12 : memref<!tpu.dma_semaphore, #tpu.memory_space<semaphore_mem>>) src(%dma_wait3A_34 : memref<10240xi32, #tpu.memory_space<hbm>>) dst(%arg5 : memref<10240xi32, #tpu.memory_space<vmem>>)
    %dma_wait3A_35 = arith.constant 1 : i32
    %dma_wait3A_36 = tpu.memref_slice %arg3[%dma_wait3A_35, %mul3A_21] : memref<2x320000xi32, #tpu.memory_space<hbm>> -> memref<1x10240xi32, #tpu.memory_space<hbm>>
    %dma_wait3A_37 = tpu.memref_squeeze %dma_wait3A_36 : memref<1x10240xi32, #tpu.memory_space<hbm>> -> memref<10240xi32, #tpu.memory_space<hbm>>
    %dma_wait3A_38 = tpu.memref_slice %arg3[%dma_wait3A_35, %mul3A_21] : memref<2x320000xi32, #tpu.memory_space<hbm>> -> memref<1x10240xi32, #tpu.memory_space<hbm>>
    %dma_wait3A_39 = tpu.memref_squeeze %dma_wait3A_38 : memref<1x10240xi32, #tpu.memory_space<hbm>> -> memref<10240xi32, #tpu.memory_space<hbm>>
    tpu.wait_dma2 semaphore(%arg12 : memref<!tpu.dma_semaphore, #tpu.memory_space<semaphore_mem>>) src(%dma_wait3A_39 : memref<10240xi32, #tpu.memory_space<hbm>>) dst(%arg6 : memref<10240xi32, #tpu.memory_space<vmem>>)
    %barrier3A = arith.constant 0 : index
    tpu.barrier barrier_id(%barrier3A)
    %add3A_40 = arith.constant 0 : i32
    %add3A_41 = arith.addi %sub3A, %add3A_40 : i32
    %mul3A_42 = arith.constant 256 : i32
    %mul3A_43 = arith.muli %add3A_41, %mul3A_42 : i32
    %dma_start3A_44 = arith.constant 0 : i32
    %dma_start3A_45 = arith.constant 0 : i32
    %dma_start3A_46 = arith.constant 0 : i32
    %dma_start3A_47 = tpu.memref_slice %arg7[%dma_start3A_44, %dma_start3A_45, %dma_start3A_46] : memref<12x256x16xf32, #tpu.memory_space<vmem>> -> memref<1x256x16xf32, #tpu.memory_space<vmem>>
    %dma_start3A_48 = tpu.memref_squeeze %dma_start3A_47 : memref<1x256x16xf32, #tpu.memory_space<vmem>> -> memref<256x16xf32, #tpu.memory_space<vmem>>
    %dma_start3A_49 = tpu.memref_slice %arg5[%mul3A_43] : memref<10240xi32, #tpu.memory_space<vmem>> -> memref<256xi32, #tpu.memory_space<vmem>>
    %dma_start3A_50 = arith.constant 0 : i32
    %dma_start3A_51 = arith.constant 0 : i32
    %dma_start3A_52 = tpu.memref_slice %arg2[%dma_start3A_50, %dma_start3A_51] : memref<10048x16xf32, #tpu.memory_space<hbm>> -> memref<10048x16xf32, #tpu.memory_space<hbm>>
    tpu.enqueue_indirect_dma source(%dma_start3A_52 : memref<10048x16xf32, #tpu.memory_space<hbm>>) target(%dma_start3A_48 : memref<256x16xf32, #tpu.memory_space<vmem>>) offsets(%dma_start3A_49 : memref<256xi32, #tpu.memory_space<vmem>>) semaphore(%arg10 : memref<!tpu.dma_semaphore, #tpu.memory_space<semaphore_mem>>)
    %add3A_53 = arith.constant 1 : i32
    %add3A_54 = arith.addi %sub3A, %add3A_53 : i32
    %mul3A_55 = arith.constant 256 : i32
    %mul3A_56 = arith.muli %add3A_54, %mul3A_55 : i32
    %dma_start3A_57 = arith.constant 1 : i32
    %dma_start3A_58 = arith.constant 0 : i32
    %dma_start3A_59 = arith.constant 0 : i32
    %dma_start3A_60 = tpu.memref_slice %arg7[%dma_start3A_57, %dma_start3A_58, %dma_start3A_59] : memref<12x256x16xf32, #tpu.memory_space<vmem>> -> memref<1x256x16xf32, #tpu.memory_space<vmem>>
    %dma_start3A_61 = tpu.memref_squeeze %dma_start3A_60 : memref<1x256x16xf32, #tpu.memory_space<vmem>> -> memref<256x16xf32, #tpu.memory_space<vmem>>
    %dma_start3A_62 = tpu.memref_slice %arg5[%mul3A_56] : memref<10240xi32, #tpu.memory_space<vmem>> -> memref<256xi32, #tpu.memory_space<vmem>>
    %dma_start3A_63 = arith.constant 0 : i32
    %dma_start3A_64 = arith.constant 0 : i32
    %dma_start3A_65 = tpu.memref_slice %arg2[%dma_start3A_63, %dma_start3A_64] : memref<10048x16xf32, #tpu.memory_space<hbm>> -> memref<10048x16xf32, #tpu.memory_space<hbm>>
    tpu.enqueue_indirect_dma source(%dma_start3A_65 : memref<10048x16xf32, #tpu.memory_space<hbm>>) target(%dma_start3A_61 : memref<256x16xf32, #tpu.memory_space<vmem>>) offsets(%dma_start3A_62 : memref<256xi32, #tpu.memory_space<vmem>>) semaphore(%arg10 : memref<!tpu.dma_semaphore, #tpu.memory_space<semaphore_mem>>)
    %add3A_66 = arith.constant 2 : i32
    %add3A_67 = arith.addi %sub3A, %add3A_66 : i32
    %mul3A_68 = arith.constant 256 : i32
    %mul3A_69 = arith.muli %add3A_67, %mul3A_68 : i32
    %dma_start3A_70 = arith.constant 2 : i32
    %dma_start3A_71 = arith.constant 0 : i32
    %dma_start3A_72 = arith.constant 0 : i32
    %dma_start3A_73 = tpu.memref_slice %arg7[%dma_start3A_70, %dma_start3A_71, %dma_start3A_72] : memref<12x256x16xf32, #tpu.memory_space<vmem>> -> memref<1x256x16xf32, #tpu.memory_space<vmem>>
    %dma_start3A_74 = tpu.memref_squeeze %dma_start3A_73 : memref<1x256x16xf32, #tpu.memory_space<vmem>> -> memref<256x16xf32, #tpu.memory_space<vmem>>
    %dma_start3A_75 = tpu.memref_slice %arg5[%mul3A_69] : memref<10240xi32, #tpu.memory_space<vmem>> -> memref<256xi32, #tpu.memory_space<vmem>>
    %dma_start3A_76 = arith.constant 0 : i32
    %dma_start3A_77 = arith.constant 0 : i32
    %dma_start3A_78 = tpu.memref_slice %arg2[%dma_start3A_76, %dma_start3A_77] : memref<10048x16xf32, #tpu.memory_space<hbm>> -> memref<10048x16xf32, #tpu.memory_space<hbm>>
    tpu.enqueue_indirect_dma source(%dma_start3A_78 : memref<10048x16xf32, #tpu.memory_space<hbm>>) target(%dma_start3A_74 : memref<256x16xf32, #tpu.memory_space<vmem>>) offsets(%dma_start3A_75 : memref<256xi32, #tpu.memory_space<vmem>>) semaphore(%arg10 : memref<!tpu.dma_semaphore, #tpu.memory_space<semaphore_mem>>)
    %add3A_79 = arith.constant 3 : i32
    %add3A_80 = arith.addi %sub3A, %add3A_79 : i32
    %mul3A_81 = arith.constant 256 : i32
    %mul3A_82 = arith.muli %add3A_80, %mul3A_81 : i32
    %dma_start3A_83 = arith.constant 3 : i32
    %dma_start3A_84 = arith.constant 0 : i32
    %dma_start3A_85 = arith.constant 0 : i32
    %dma_start3A_86 = tpu.memref_slice %arg7[%dma_start3A_83, %dma_start3A_84, %dma_start3A_85] : memref<12x256x16xf32, #tpu.memory_space<vmem>> -> memref<1x256x16xf32, #tpu.memory_space<vmem>>
    %dma_start3A_87 = tpu.memref_squeeze %dma_start3A_86 : memref<1x256x16xf32, #tpu.memory_space<vmem>> -> memref<256x16xf32, #tpu.memory_space<vmem>>
    %dma_start3A_88 = tpu.memref_slice %arg5[%mul3A_82] : memref<10240xi32, #tpu.memory_space<vmem>> -> memref<256xi32, #tpu.memory_space<vmem>>
    %dma_start3A_89 = arith.constant 0 : i32
    %dma_start3A_90 = arith.constant 0 : i32
    %dma_start3A_91 = tpu.memref_slice %arg2[%dma_start3A_89, %dma_start3A_90] : memref<10048x16xf32, #tpu.memory_space<hbm>> -> memref<10048x16xf32, #tpu.memory_space<hbm>>
    tpu.enqueue_indirect_dma source(%dma_start3A_91 : memref<10048x16xf32, #tpu.memory_space<hbm>>) target(%dma_start3A_87 : memref<256x16xf32, #tpu.memory_space<vmem>>) offsets(%dma_start3A_88 : memref<256xi32, #tpu.memory_space<vmem>>) semaphore(%arg10 : memref<!tpu.dma_semaphore, #tpu.memory_space<semaphore_mem>>)
    %add3A_92 = arith.constant 4 : i32
    %add3A_93 = arith.addi %sub3A, %add3A_92 : i32
    %mul3A_94 = arith.constant 256 : i32
    %mul3A_95 = arith.muli %add3A_93, %mul3A_94 : i32
    %dma_start3A_96 = arith.constant 4 : i32
    %dma_start3A_97 = arith.constant 0 : i32
    %dma_start3A_98 = arith.constant 0 : i32
    %dma_start3A_99 = tpu.memref_slice %arg7[%dma_start3A_96, %dma_start3A_97, %dma_start3A_98] : memref<12x256x16xf32, #tpu.memory_space<vmem>> -> memref<1x256x16xf32, #tpu.memory_space<vmem>>
    %dma_start3A_100 = tpu.memref_squeeze %dma_start3A_99 : memref<1x256x16xf32, #tpu.memory_space<vmem>> -> memref<256x16xf32, #tpu.memory_space<vmem>>
    %dma_start3A_101 = tpu.memref_slice %arg5[%mul3A_95] : memref<10240xi32, #tpu.memory_space<vmem>> -> memref<256xi32, #tpu.memory_space<vmem>>
    %dma_start3A_102 = arith.constant 0 : i32
    %dma_start3A_103 = arith.constant 0 : i32
    %dma_start3A_104 = tpu.memref_slice %arg2[%dma_start3A_102, %dma_start3A_103] : memref<10048x16xf32, #tpu.memory_space<hbm>> -> memref<10048x16xf32, #tpu.memory_space<hbm>>
    tpu.enqueue_indirect_dma source(%dma_start3A_104 : memref<10048x16xf32, #tpu.memory_space<hbm>>) target(%dma_start3A_100 : memref<256x16xf32, #tpu.memory_space<vmem>>) offsets(%dma_start3A_101 : memref<256xi32, #tpu.memory_space<vmem>>) semaphore(%arg10 : memref<!tpu.dma_semaphore, #tpu.memory_space<semaphore_mem>>)
    %add3A_105 = arith.constant 5 : i32
    %add3A_106 = arith.addi %sub3A, %add3A_105 : i32
    %mul3A_107 = arith.constant 256 : i32
    %mul3A_108 = arith.muli %add3A_106, %mul3A_107 : i32
    %dma_start3A_109 = arith.constant 5 : i32
    %dma_start3A_110 = arith.constant 0 : i32
    %dma_start3A_111 = arith.constant 0 : i32
    %dma_start3A_112 = tpu.memref_slice %arg7[%dma_start3A_109, %dma_start3A_110, %dma_start3A_111] : memref<12x256x16xf32, #tpu.memory_space<vmem>> -> memref<1x256x16xf32, #tpu.memory_space<vmem>>
    %dma_start3A_113 = tpu.memref_squeeze %dma_start3A_112 : memref<1x256x16xf32, #tpu.memory_space<vmem>> -> memref<256x16xf32, #tpu.memory_space<vmem>>
    %dma_start3A_114 = tpu.memref_slice %arg5[%mul3A_108] : memref<10240xi32, #tpu.memory_space<vmem>> -> memref<256xi32, #tpu.memory_space<vmem>>
    %dma_start3A_115 = arith.constant 0 : i32
    %dma_start3A_116 = arith.constant 0 : i32
    %dma_start3A_117 = tpu.memref_slice %arg2[%dma_start3A_115, %dma_start3A_116] : memref<10048x16xf32, #tpu.memory_space<hbm>> -> memref<10048x16xf32, #tpu.memory_space<hbm>>
    tpu.enqueue_indirect_dma source(%dma_start3A_117 : memref<10048x16xf32, #tpu.memory_space<hbm>>) target(%dma_start3A_113 : memref<256x16xf32, #tpu.memory_space<vmem>>) offsets(%dma_start3A_114 : memref<256xi32, #tpu.memory_space<vmem>>) semaphore(%arg10 : memref<!tpu.dma_semaphore, #tpu.memory_space<semaphore_mem>>)
    %add3A_118 = arith.constant 6 : i32
    %add3A_119 = arith.addi %sub3A, %add3A_118 : i32
    %mul3A_120 = arith.constant 256 : i32
    %mul3A_121 = arith.muli %add3A_119, %mul3A_120 : i32
    %dma_start3A_122 = arith.constant 6 : i32
    %dma_start3A_123 = arith.constant 0 : i32
    %dma_start3A_124 = arith.constant 0 : i32
    %dma_start3A_125 = tpu.memref_slice %arg7[%dma_start3A_122, %dma_start3A_123, %dma_start3A_124] : memref<12x256x16xf32, #tpu.memory_space<vmem>> -> memref<1x256x16xf32, #tpu.memory_space<vmem>>
    %dma_start3A_126 = tpu.memref_squeeze %dma_start3A_125 : memref<1x256x16xf32, #tpu.memory_space<vmem>> -> memref<256x16xf32, #tpu.memory_space<vmem>>
    %dma_start3A_127 = tpu.memref_slice %arg5[%mul3A_121] : memref<10240xi32, #tpu.memory_space<vmem>> -> memref<256xi32, #tpu.memory_space<vmem>>
    %dma_start3A_128 = arith.constant 0 : i32
    %dma_start3A_129 = arith.constant 0 : i32
    %dma_start3A_130 = tpu.memref_slice %arg2[%dma_start3A_128, %dma_start3A_129] : memref<10048x16xf32, #tpu.memory_space<hbm>> -> memref<10048x16xf32, #tpu.memory_space<hbm>>
    tpu.enqueue_indirect_dma source(%dma_start3A_130 : memref<10048x16xf32, #tpu.memory_space<hbm>>) target(%dma_start3A_126 : memref<256x16xf32, #tpu.memory_space<vmem>>) offsets(%dma_start3A_127 : memref<256xi32, #tpu.memory_space<vmem>>) semaphore(%arg10 : memref<!tpu.dma_semaphore, #tpu.memory_space<semaphore_mem>>)
    %add3A_131 = arith.constant 7 : i32
    %add3A_132 = arith.addi %sub3A, %add3A_131 : i32
    %mul3A_133 = arith.constant 256 : i32
    %mul3A_134 = arith.muli %add3A_132, %mul3A_133 : i32
    %dma_start3A_135 = arith.constant 7 : i32
    %dma_start3A_136 = arith.constant 0 : i32
    %dma_start3A_137 = arith.constant 0 : i32
    %dma_start3A_138 = tpu.memref_slice %arg7[%dma_start3A_135, %dma_start3A_136, %dma_start3A_137] : memref<12x256x16xf32, #tpu.memory_space<vmem>> -> memref<1x256x16xf32, #tpu.memory_space<vmem>>
    %dma_start3A_139 = tpu.memref_squeeze %dma_start3A_138 : memref<1x256x16xf32, #tpu.memory_space<vmem>> -> memref<256x16xf32, #tpu.memory_space<vmem>>
    %dma_start3A_140 = tpu.memref_slice %arg5[%mul3A_134] : memref<10240xi32, #tpu.memory_space<vmem>> -> memref<256xi32, #tpu.memory_space<vmem>>
    %dma_start3A_141 = arith.constant 0 : i32
    %dma_start3A_142 = arith.constant 0 : i32
    %dma_start3A_143 = tpu.memref_slice %arg2[%dma_start3A_141, %dma_start3A_142] : memref<10048x16xf32, #tpu.memory_space<hbm>> -> memref<10048x16xf32, #tpu.memory_space<hbm>>
    tpu.enqueue_indirect_dma source(%dma_start3A_143 : memref<10048x16xf32, #tpu.memory_space<hbm>>) target(%dma_start3A_139 : memref<256x16xf32, #tpu.memory_space<vmem>>) offsets(%dma_start3A_140 : memref<256xi32, #tpu.memory_space<vmem>>) semaphore(%arg10 : memref<!tpu.dma_semaphore, #tpu.memory_space<semaphore_mem>>)
    %add3A_144 = arith.constant 8 : i32
    %add3A_145 = arith.addi %sub3A, %add3A_144 : i32
    %mul3A_146 = arith.constant 256 : i32
    %mul3A_147 = arith.muli %add3A_145, %mul3A_146 : i32
    %dma_start3A_148 = arith.constant 8 : i32
    %dma_start3A_149 = arith.constant 0 : i32
    %dma_start3A_150 = arith.constant 0 : i32
    %dma_start3A_151 = tpu.memref_slice %arg7[%dma_start3A_148, %dma_start3A_149, %dma_start3A_150] : memref<12x256x16xf32, #tpu.memory_space<vmem>> -> memref<1x256x16xf32, #tpu.memory_space<vmem>>
    %dma_start3A_152 = tpu.memref_squeeze %dma_start3A_151 : memref<1x256x16xf32, #tpu.memory_space<vmem>> -> memref<256x16xf32, #tpu.memory_space<vmem>>
    %dma_start3A_153 = tpu.memref_slice %arg5[%mul3A_147] : memref<10240xi32, #tpu.memory_space<vmem>> -> memref<256xi32, #tpu.memory_space<vmem>>
    %dma_start3A_154 = arith.constant 0 : i32
    %dma_start3A_155 = arith.constant 0 : i32
    %dma_start3A_156 = tpu.memref_slice %arg2[%dma_start3A_154, %dma_start3A_155] : memref<10048x16xf32, #tpu.memory_space<hbm>> -> memref<10048x16xf32, #tpu.memory_space<hbm>>
    tpu.enqueue_indirect_dma source(%dma_start3A_156 : memref<10048x16xf32, #tpu.memory_space<hbm>>) target(%dma_start3A_152 : memref<256x16xf32, #tpu.memory_space<vmem>>) offsets(%dma_start3A_153 : memref<256xi32, #tpu.memory_space<vmem>>) semaphore(%arg10 : memref<!tpu.dma_semaphore, #tpu.memory_space<semaphore_mem>>)
    %add3A_157 = arith.constant 9 : i32
    %add3A_158 = arith.addi %sub3A, %add3A_157 : i32
    %mul3A_159 = arith.constant 256 : i32
    %mul3A_160 = arith.muli %add3A_158, %mul3A_159 : i32
    %dma_start3A_161 = arith.constant 9 : i32
    %dma_start3A_162 = arith.constant 0 : i32
    %dma_start3A_163 = arith.constant 0 : i32
    %dma_start3A_164 = tpu.memref_slice %arg7[%dma_start3A_161, %dma_start3A_162, %dma_start3A_163] : memref<12x256x16xf32, #tpu.memory_space<vmem>> -> memref<1x256x16xf32, #tpu.memory_space<vmem>>
    %dma_start3A_165 = tpu.memref_squeeze %dma_start3A_164 : memref<1x256x16xf32, #tpu.memory_space<vmem>> -> memref<256x16xf32, #tpu.memory_space<vmem>>
    %dma_start3A_166 = tpu.memref_slice %arg5[%mul3A_160] : memref<10240xi32, #tpu.memory_space<vmem>> -> memref<256xi32, #tpu.memory_space<vmem>>
    %dma_start3A_167 = arith.constant 0 : i32
    %dma_start3A_168 = arith.constant 0 : i32
    %dma_start3A_169 = tpu.memref_slice %arg2[%dma_start3A_167, %dma_start3A_168] : memref<10048x16xf32, #tpu.memory_space<hbm>> -> memref<10048x16xf32, #tpu.memory_space<hbm>>
    tpu.enqueue_indirect_dma source(%dma_start3A_169 : memref<10048x16xf32, #tpu.memory_space<hbm>>) target(%dma_start3A_165 : memref<256x16xf32, #tpu.memory_space<vmem>>) offsets(%dma_start3A_166 : memref<256xi32, #tpu.memory_space<vmem>>) semaphore(%arg10 : memref<!tpu.dma_semaphore, #tpu.memory_space<semaphore_mem>>)
    %while3A = arith.constant 0 : i32
    %while3A_170 = arith.constant 0 : i32
    %while3A_171 = arith.subi %select_n3A, %while3A : i32
    %while3A_172 = arith.addi %while3A, %while3A_171 : i32
    %while3A_173 = arith.constant 1 : i32
    %while3A_174 = arith.divsi %while3A_171, %while3A_173 : i32
    %while3A_175 = arith.muli %while3A_174, %while3A_173 : i32
    %while3A_176 = arith.addi %while3A, %while3A_175 : i32
    %while3A_177 = arith.constant 1 : i32
    %while3A_178 = scf.for %while3A_197 = %while3A to %while3A_176 step %while3A_177 iter_args(%while3A_198 = %while3A_170) -> (i32)  : i32 {
      %add3A_199 = arith.addi %sub3A, %while3A_197 : i32
      %mul3A_200 = arith.constant 256 : i32
      %mul3A_201 = arith.muli %add3A_199, %mul3A_200 : i32
      %jit3A_202 = arith.constant 12 : i32
      %eq3A = arith.constant 0 : i32
      %eq3A_203 = arith.cmpi eq, %jit3A_202, %eq3A : i32
      %jit3A_204 = arith.constant 1 : i32
      %select_n3A_205 = arith.select %eq3A_203, %jit3A_204, %jit3A_202 : i32
      %rem3A = arith.remsi %while3A_197, %select_n3A_205 : i32
      %ne3A = arith.constant 0 : i32
      %ne3A_206 = arith.cmpi ne, %rem3A, %ne3A : i32
      %lt3A_207 = arith.constant 0 : i32
      %lt3A_208 = arith.cmpi slt, %rem3A, %lt3A_207 : i32
      %lt3A_209 = arith.constant 0 : i32
      %lt3A_210 = arith.cmpi slt, %select_n3A_205, %lt3A_209 : i32
      %ne3A_211 = arith.xori %lt3A_208, %lt3A_210 : i1
      %and3A = arith.andi %ne3A_211, %ne3A_206 : i1
      %add3A_212 = arith.addi %rem3A, %select_n3A_205 : i32
      %select_n3A_213 = arith.select %and3A, %add3A_212, %rem3A : i32
      %dma_wait3A_214 = arith.constant 0 : i32
      %dma_wait3A_215 = arith.constant 0 : i32
      %dma_wait3A_216 = tpu.memref_slice %arg7[%select_n3A_213, %dma_wait3A_214, %dma_wait3A_215] : memref<12x256x16xf32, #tpu.memory_space<vmem>> -> memref<1x256x16xf32, #tpu.memory_space<vmem>>
      %dma_wait3A_217 = tpu.memref_squeeze %dma_wait3A_216 : memref<1x256x16xf32, #tpu.memory_space<vmem>> -> memref<256x16xf32, #tpu.memory_space<vmem>>
      %dma_wait3A_218 = tpu.memref_slice %arg5[%mul3A_201] : memref<10240xi32, #tpu.memory_space<vmem>> -> memref<256xi32, #tpu.memory_space<vmem>>
      %dma_wait3A_219 = arith.constant 0 : i32
      %dma_wait3A_220 = arith.constant 0 : i32
      %dma_wait3A_221 = tpu.memref_slice %arg2[%dma_wait3A_219, %dma_wait3A_220] : memref<10048x16xf32, #tpu.memory_space<hbm>> -> memref<10048x16xf32, #tpu.memory_space<hbm>>
      tpu.wait_indirect_dma semaphore(%arg10 : memref<!tpu.dma_semaphore, #tpu.memory_space<semaphore_mem>>) src(%dma_wait3A_221 : memref<10048x16xf32, #tpu.memory_space<hbm>>) dst(%dma_wait3A_217 : memref<256x16xf32, #tpu.memory_space<vmem>>)
      %jit3A_222 = arith.constant 12 : i32
      %eq3A_223 = arith.constant 0 : i32
      %eq3A_224 = arith.cmpi eq, %jit3A_222, %eq3A_223 : i32
      %jit3A_225 = arith.constant 1 : i32
      %select_n3A_226 = arith.select %eq3A_224, %jit3A_225, %jit3A_222 : i32
      %rem3A_227 = arith.remsi %while3A_197, %select_n3A_226 : i32
      %ne3A_228 = arith.constant 0 : i32
      %ne3A_229 = arith.cmpi ne, %rem3A_227, %ne3A_228 : i32
      %lt3A_230 = arith.constant 0 : i32
      %lt3A_231 = arith.cmpi slt, %rem3A_227, %lt3A_230 : i32
      %lt3A_232 = arith.constant 0 : i32
      %lt3A_233 = arith.cmpi slt, %select_n3A_226, %lt3A_232 : i32
      %ne3A_234 = arith.xori %lt3A_231, %lt3A_233 : i1
      %and3A_235 = arith.andi %ne3A_234, %ne3A_229 : i1
      %add3A_236 = arith.addi %rem3A_227, %select_n3A_226 : i32
      %select_n3A_237 = arith.select %and3A_235, %add3A_236, %rem3A_227 : i32
      %add3A_238 = arith.addi %sub3A, %while3A_197 : i32
      %mul3A_239 = arith.constant 256 : i32
      %mul3A_240 = arith.muli %add3A_238, %mul3A_239 : i32
      %dma_start3A_241 = arith.constant 0 : i32
      %dma_start3A_242 = arith.constant 0 : i32
      %dma_start3A_243 = tpu.memref_slice %arg7[%select_n3A_237, %dma_start3A_241, %dma_start3A_242] : memref<12x256x16xf32, #tpu.memory_space<vmem>> -> memref<1x256x16xf32, #tpu.memory_space<vmem>>
      %dma_start3A_244 = tpu.memref_squeeze %dma_start3A_243 : memref<1x256x16xf32, #tpu.memory_space<vmem>> -> memref<256x16xf32, #tpu.memory_space<vmem>>
      %dma_start3A_245 = tpu.memref_slice %arg6[%mul3A_240] : memref<10240xi32, #tpu.memory_space<vmem>> -> memref<256xi32, #tpu.memory_space<vmem>>
      %dma_start3A_246 = arith.constant 0 : i32
      %dma_start3A_247 = arith.constant 0 : i32
      %dma_start3A_248 = tpu.memref_slice %arg9[%dma_start3A_246, %dma_start3A_247] : memref<10048x16xf32, #tpu.memory_space<vmem_shared>> -> memref<10048x16xf32, #tpu.memory_space<vmem_shared>>
      tpu.enqueue_indirect_dma source(%dma_start3A_244 : memref<256x16xf32, #tpu.memory_space<vmem>>) target(%dma_start3A_248 : memref<10048x16xf32, #tpu.memory_space<vmem_shared>>) offsets(%dma_start3A_245 : memref<256xi32, #tpu.memory_space<vmem>>) semaphore(%arg11 : memref<!tpu.dma_semaphore, #tpu.memory_space<semaphore_mem>>) {add = true}
      %lt3A_249 = arith.constant 2 : i32
      %lt3A_250 = arith.cmpi slt, %while3A_197, %lt3A_249 : i32
      %add3A_251 = arith.constant 10 : i32
      %add3A_252 = arith.addi %while3A_197, %add3A_251 : i32
      %lt3A_253 = arith.cmpi slt, %add3A_252, %select_n3A : i32
      %and3A_254 = arith.andi %lt3A_250, %lt3A_253 : i1
      %convert_element_type3A = arith.extui %and3A_254 : i1 to i32
      %cond3A = arith.constant 0 : i32
      %cond3A_255 = arith.cmpi ne, %convert_element_type3A, %cond3A : i32
      scf.if %cond3A_255 {
        %add3A_265 = arith.constant 10 : i32
        %add3A_266 = arith.addi %while3A_197, %add3A_265 : i32
        %add3A_267 = arith.addi %sub3A, %add3A_266 : i32
        %mul3A_268 = arith.constant 256 : i32
        %mul3A_269 = arith.muli %add3A_267, %mul3A_268 : i32
        %jit3A_270 = arith.constant 12 : i32
        %eq3A_271 = arith.constant 0 : i32
        %eq3A_272 = arith.cmpi eq, %jit3A_270, %eq3A_271 : i32
        %jit3A_273 = arith.constant 1 : i32
        %select_n3A_274 = arith.select %eq3A_272, %jit3A_273, %jit3A_270 : i32
        %rem3A_275 = arith.remsi %add3A_266, %select_n3A_274 : i32
        %ne3A_276 = arith.constant 0 : i32
        %ne3A_277 = arith.cmpi ne, %rem3A_275, %ne3A_276 : i32
        %lt3A_278 = arith.constant 0 : i32
        %lt3A_279 = arith.cmpi slt, %rem3A_275, %lt3A_278 : i32
        %lt3A_280 = arith.constant 0 : i32
        %lt3A_281 = arith.cmpi slt, %select_n3A_274, %lt3A_280 : i32
        %ne3A_282 = arith.xori %lt3A_279, %lt3A_281 : i1
        %and3A_283 = arith.andi %ne3A_282, %ne3A_277 : i1
        %add3A_284 = arith.addi %rem3A_275, %select_n3A_274 : i32
        %select_n3A_285 = arith.select %and3A_283, %add3A_284, %rem3A_275 : i32
        %dma_start3A_286 = arith.constant 0 : i32
        %dma_start3A_287 = arith.constant 0 : i32
        %dma_start3A_288 = tpu.memref_slice %arg7[%select_n3A_285, %dma_start3A_286, %dma_start3A_287] : memref<12x256x16xf32, #tpu.memory_space<vmem>> -> memref<1x256x16xf32, #tpu.memory_space<vmem>>
        %dma_start3A_289 = tpu.memref_squeeze %dma_start3A_288 : memref<1x256x16xf32, #tpu.memory_space<vmem>> -> memref<256x16xf32, #tpu.memory_space<vmem>>
        %dma_start3A_290 = tpu.memref_slice %arg5[%mul3A_269] : memref<10240xi32, #tpu.memory_space<vmem>> -> memref<256xi32, #tpu.memory_space<vmem>>
        %dma_start3A_291 = arith.constant 0 : i32
        %dma_start3A_292 = arith.constant 0 : i32
        %dma_start3A_293 = tpu.memref_slice %arg2[%dma_start3A_291, %dma_start3A_292] : memref<10048x16xf32, #tpu.memory_space<hbm>> -> memref<10048x16xf32, #tpu.memory_space<hbm>>
        tpu.enqueue_indirect_dma source(%dma_start3A_293 : memref<10048x16xf32, #tpu.memory_space<hbm>>) target(%dma_start3A_289 : memref<256x16xf32, #tpu.memory_space<vmem>>) offsets(%dma_start3A_290 : memref<256xi32, #tpu.memory_space<vmem>>) semaphore(%arg10 : memref<!tpu.dma_semaphore, #tpu.memory_space<semaphore_mem>>)
      } else {
      }
      %ge3A = arith.constant 2 : i32
      %ge3A_256 = arith.cmpi sge, %while3A_197, %ge3A : i32
      %add3A_257 = arith.constant 10 : i32
      %add3A_258 = arith.addi %while3A_197, %add3A_257 : i32
      %lt3A_259 = arith.cmpi slt, %add3A_258, %select_n3A : i32
      %and3A_260 = arith.andi %ge3A_256, %lt3A_259 : i1
      %convert_element_type3A_261 = arith.extui %and3A_260 : i1 to i32
      %cond3A_262 = arith.constant 0 : i32
      %cond3A_263 = arith.cmpi ne, %convert_element_type3A_261, %cond3A_262 : i32
      scf.if %cond3A_263 {
        %sub3A_265 = arith.constant 2 : i32
        %sub3A_266 = arith.subi %while3A_197, %sub3A_265 : i32
        %jit3A_267 = arith.constant 12 : i32
        %eq3A_268 = arith.constant 0 : i32
        %eq3A_269 = arith.cmpi eq, %jit3A_267, %eq3A_268 : i32
        %jit3A_270 = arith.constant 1 : i32
        %select_n3A_271 = arith.select %eq3A_269, %jit3A_270, %jit3A_267 : i32
        %rem3A_272 = arith.remsi %sub3A_266, %select_n3A_271 : i32
        %ne3A_273 = arith.constant 0 : i32
        %ne3A_274 = arith.cmpi ne, %rem3A_272, %ne3A_273 : i32
        %lt3A_275 = arith.constant 0 : i32
        %lt3A_276 = arith.cmpi slt, %rem3A_272, %lt3A_275 : i32
        %lt3A_277 = arith.constant 0 : i32
        %lt3A_278 = arith.cmpi slt, %select_n3A_271, %lt3A_277 : i32
        %ne3A_279 = arith.xori %lt3A_276, %lt3A_278 : i1
        %and3A_280 = arith.andi %ne3A_279, %ne3A_274 : i1
        %add3A_281 = arith.addi %rem3A_272, %select_n3A_271 : i32
        %select_n3A_282 = arith.select %and3A_280, %add3A_281, %rem3A_272 : i32
        %add3A_283 = arith.addi %sub3A, %sub3A_266 : i32
        %mul3A_284 = arith.constant 256 : i32
        %mul3A_285 = arith.muli %add3A_283, %mul3A_284 : i32
        %dma_wait3A_286 = arith.constant 0 : i32
        %dma_wait3A_287 = arith.constant 0 : i32
        %dma_wait3A_288 = tpu.memref_slice %arg7[%select_n3A_282, %dma_wait3A_286, %dma_wait3A_287] : memref<12x256x16xf32, #tpu.memory_space<vmem>> -> memref<1x256x16xf32, #tpu.memory_space<vmem>>
        %dma_wait3A_289 = tpu.memref_squeeze %dma_wait3A_288 : memref<1x256x16xf32, #tpu.memory_space<vmem>> -> memref<256x16xf32, #tpu.memory_space<vmem>>
        %dma_wait3A_290 = tpu.memref_slice %arg6[%mul3A_285] : memref<10240xi32, #tpu.memory_space<vmem>> -> memref<256xi32, #tpu.memory_space<vmem>>
        %dma_wait3A_291 = arith.constant 0 : i32
        %dma_wait3A_292 = arith.constant 0 : i32
        %dma_wait3A_293 = tpu.memref_slice %arg9[%dma_wait3A_291, %dma_wait3A_292] : memref<10048x16xf32, #tpu.memory_space<vmem_shared>> -> memref<10048x16xf32, #tpu.memory_space<vmem_shared>>
        tpu.wait_indirect_dma semaphore(%arg11 : memref<!tpu.dma_semaphore, #tpu.memory_space<semaphore_mem>>) src(%dma_wait3A_289 : memref<256x16xf32, #tpu.memory_space<vmem>>) dst(%dma_wait3A_293 : memref<10048x16xf32, #tpu.memory_space<vmem_shared>>)
        %add3A_294 = arith.constant 10 : i32
        %add3A_295 = arith.addi %while3A_197, %add3A_294 : i32
        %add3A_296 = arith.addi %sub3A, %add3A_295 : i32
        %mul3A_297 = arith.constant 256 : i32
        %mul3A_298 = arith.muli %add3A_296, %mul3A_297 : i32
        %jit3A_299 = arith.constant 12 : i32
        %eq3A_300 = arith.constant 0 : i32
        %eq3A_301 = arith.cmpi eq, %jit3A_299, %eq3A_300 : i32
        %jit3A_302 = arith.constant 1 : i32
        %select_n3A_303 = arith.select %eq3A_301, %jit3A_302, %jit3A_299 : i32
        %rem3A_304 = arith.remsi %add3A_295, %select_n3A_303 : i32
        %ne3A_305 = arith.constant 0 : i32
        %ne3A_306 = arith.cmpi ne, %rem3A_304, %ne3A_305 : i32
        %lt3A_307 = arith.constant 0 : i32
        %lt3A_308 = arith.cmpi slt, %rem3A_304, %lt3A_307 : i32
        %lt3A_309 = arith.constant 0 : i32
        %lt3A_310 = arith.cmpi slt, %select_n3A_303, %lt3A_309 : i32
        %ne3A_311 = arith.xori %lt3A_308, %lt3A_310 : i1
        %and3A_312 = arith.andi %ne3A_311, %ne3A_306 : i1
        %add3A_313 = arith.addi %rem3A_304, %select_n3A_303 : i32
        %select_n3A_314 = arith.select %and3A_312, %add3A_313, %rem3A_304 : i32
        %dma_start3A_315 = arith.constant 0 : i32
        %dma_start3A_316 = arith.constant 0 : i32
        %dma_start3A_317 = tpu.memref_slice %arg7[%select_n3A_314, %dma_start3A_315, %dma_start3A_316] : memref<12x256x16xf32, #tpu.memory_space<vmem>> -> memref<1x256x16xf32, #tpu.memory_space<vmem>>
        %dma_start3A_318 = tpu.memref_squeeze %dma_start3A_317 : memref<1x256x16xf32, #tpu.memory_space<vmem>> -> memref<256x16xf32, #tpu.memory_space<vmem>>
        %dma_start3A_319 = tpu.memref_slice %arg5[%mul3A_298] : memref<10240xi32, #tpu.memory_space<vmem>> -> memref<256xi32, #tpu.memory_space<vmem>>
        %dma_start3A_320 = arith.constant 0 : i32
        %dma_start3A_321 = arith.constant 0 : i32
        %dma_start3A_322 = tpu.memref_slice %arg2[%dma_start3A_320, %dma_start3A_321] : memref<10048x16xf32, #tpu.memory_space<hbm>> -> memref<10048x16xf32, #tpu.memory_space<hbm>>
        tpu.enqueue_indirect_dma source(%dma_start3A_322 : memref<10048x16xf32, #tpu.memory_space<hbm>>) target(%dma_start3A_318 : memref<256x16xf32, #tpu.memory_space<vmem>>) offsets(%dma_start3A_319 : memref<256xi32, #tpu.memory_space<vmem>>) semaphore(%arg10 : memref<!tpu.dma_semaphore, #tpu.memory_space<semaphore_mem>>)
      } else {
      }
      %while3A_264 = arith.constant 0 : i32
      scf.yield %while3A_264 : i32
    }
    %while3A_179 = arith.constant 1 : i32
    %while3A_180 = scf.for %while3A_197 = %while3A_176 to %while3A_172 step %while3A_179 iter_args(%while3A_198 = %while3A_178) -> (i32)  : i32 {
      %add3A_199 = arith.addi %sub3A, %while3A_197 : i32
      %mul3A_200 = arith.constant 256 : i32
      %mul3A_201 = arith.muli %add3A_199, %mul3A_200 : i32
      %jit3A_202 = arith.constant 12 : i32
      %eq3A = arith.constant 0 : i32
      %eq3A_203 = arith.cmpi eq, %jit3A_202, %eq3A : i32
      %jit3A_204 = arith.constant 1 : i32
      %select_n3A_205 = arith.select %eq3A_203, %jit3A_204, %jit3A_202 : i32
      %rem3A = arith.remsi %while3A_197, %select_n3A_205 : i32
      %ne3A = arith.constant 0 : i32
      %ne3A_206 = arith.cmpi ne, %rem3A, %ne3A : i32
      %lt3A_207 = arith.constant 0 : i32
      %lt3A_208 = arith.cmpi slt, %rem3A, %lt3A_207 : i32
      %lt3A_209 = arith.constant 0 : i32
      %lt3A_210 = arith.cmpi slt, %select_n3A_205, %lt3A_209 : i32
      %ne3A_211 = arith.xori %lt3A_208, %lt3A_210 : i1
      %and3A = arith.andi %ne3A_211, %ne3A_206 : i1
      %add3A_212 = arith.addi %rem3A, %select_n3A_205 : i32
      %select_n3A_213 = arith.select %and3A, %add3A_212, %rem3A : i32
      %dma_wait3A_214 = arith.constant 0 : i32
      %dma_wait3A_215 = arith.constant 0 : i32
      %dma_wait3A_216 = tpu.memref_slice %arg7[%select_n3A_213, %dma_wait3A_214, %dma_wait3A_215] : memref<12x256x16xf32, #tpu.memory_space<vmem>> -> memref<1x256x16xf32, #tpu.memory_space<vmem>>
      %dma_wait3A_217 = tpu.memref_squeeze %dma_wait3A_216 : memref<1x256x16xf32, #tpu.memory_space<vmem>> -> memref<256x16xf32, #tpu.memory_space<vmem>>
      %dma_wait3A_218 = tpu.memref_slice %arg5[%mul3A_201] : memref<10240xi32, #tpu.memory_space<vmem>> -> memref<256xi32, #tpu.memory_space<vmem>>
      %dma_wait3A_219 = arith.constant 0 : i32
      %dma_wait3A_220 = arith.constant 0 : i32
      %dma_wait3A_221 = tpu.memref_slice %arg2[%dma_wait3A_219, %dma_wait3A_220] : memref<10048x16xf32, #tpu.memory_space<hbm>> -> memref<10048x16xf32, #tpu.memory_space<hbm>>
      tpu.wait_indirect_dma semaphore(%arg10 : memref<!tpu.dma_semaphore, #tpu.memory_space<semaphore_mem>>) src(%dma_wait3A_221 : memref<10048x16xf32, #tpu.memory_space<hbm>>) dst(%dma_wait3A_217 : memref<256x16xf32, #tpu.memory_space<vmem>>)
      %jit3A_222 = arith.constant 12 : i32
      %eq3A_223 = arith.constant 0 : i32
      %eq3A_224 = arith.cmpi eq, %jit3A_222, %eq3A_223 : i32
      %jit3A_225 = arith.constant 1 : i32
      %select_n3A_226 = arith.select %eq3A_224, %jit3A_225, %jit3A_222 : i32
      %rem3A_227 = arith.remsi %while3A_197, %select_n3A_226 : i32
      %ne3A_228 = arith.constant 0 : i32
      %ne3A_229 = arith.cmpi ne, %rem3A_227, %ne3A_228 : i32
      %lt3A_230 = arith.constant 0 : i32
      %lt3A_231 = arith.cmpi slt, %rem3A_227, %lt3A_230 : i32
      %lt3A_232 = arith.constant 0 : i32
      %lt3A_233 = arith.cmpi slt, %select_n3A_226, %lt3A_232 : i32
      %ne3A_234 = arith.xori %lt3A_231, %lt3A_233 : i1
      %and3A_235 = arith.andi %ne3A_234, %ne3A_229 : i1
      %add3A_236 = arith.addi %rem3A_227, %select_n3A_226 : i32
      %select_n3A_237 = arith.select %and3A_235, %add3A_236, %rem3A_227 : i32
      %add3A_238 = arith.addi %sub3A, %while3A_197 : i32
      %mul3A_239 = arith.constant 256 : i32
      %mul3A_240 = arith.muli %add3A_238, %mul3A_239 : i32
      %dma_start3A_241 = arith.constant 0 : i32
      %dma_start3A_242 = arith.constant 0 : i32
      %dma_start3A_243 = tpu.memref_slice %arg7[%select_n3A_237, %dma_start3A_241, %dma_start3A_242] : memref<12x256x16xf32, #tpu.memory_space<vmem>> -> memref<1x256x16xf32, #tpu.memory_space<vmem>>
      %dma_start3A_244 = tpu.memref_squeeze %dma_start3A_243 : memref<1x256x16xf32, #tpu.memory_space<vmem>> -> memref<256x16xf32, #tpu.memory_space<vmem>>
      %dma_start3A_245 = tpu.memref_slice %arg6[%mul3A_240] : memref<10240xi32, #tpu.memory_space<vmem>> -> memref<256xi32, #tpu.memory_space<vmem>>
      %dma_start3A_246 = arith.constant 0 : i32
      %dma_start3A_247 = arith.constant 0 : i32
      %dma_start3A_248 = tpu.memref_slice %arg9[%dma_start3A_246, %dma_start3A_247] : memref<10048x16xf32, #tpu.memory_space<vmem_shared>> -> memref<10048x16xf32, #tpu.memory_space<vmem_shared>>
      tpu.enqueue_indirect_dma source(%dma_start3A_244 : memref<256x16xf32, #tpu.memory_space<vmem>>) target(%dma_start3A_248 : memref<10048x16xf32, #tpu.memory_space<vmem_shared>>) offsets(%dma_start3A_245 : memref<256xi32, #tpu.memory_space<vmem>>) semaphore(%arg11 : memref<!tpu.dma_semaphore, #tpu.memory_space<semaphore_mem>>) {add = true}
      %lt3A_249 = arith.constant 2 : i32
      %lt3A_250 = arith.cmpi slt, %while3A_197, %lt3A_249 : i32
      %add3A_251 = arith.constant 10 : i32
      %add3A_252 = arith.addi %while3A_197, %add3A_251 : i32
      %lt3A_253 = arith.cmpi slt, %add3A_252, %select_n3A : i32
      %and3A_254 = arith.andi %lt3A_250, %lt3A_253 : i1
      %convert_element_type3A = arith.extui %and3A_254 : i1 to i32
      %cond3A = arith.constant 0 : i32
      %cond3A_255 = arith.cmpi ne, %convert_element_type3A, %cond3A : i32
      scf.if %cond3A_255 {
        %add3A_265 = arith.constant 10 : i32
        %add3A_266 = arith.addi %while3A_197, %add3A_265 : i32
        %add3A_267 = arith.addi %sub3A, %add3A_266 : i32
        %mul3A_268 = arith.constant 256 : i32
        %mul3A_269 = arith.muli %add3A_267, %mul3A_268 : i32
        %jit3A_270 = arith.constant 12 : i32
        %eq3A_271 = arith.constant 0 : i32
        %eq3A_272 = arith.cmpi eq, %jit3A_270, %eq3A_271 : i32
        %jit3A_273 = arith.constant 1 : i32
        %select_n3A_274 = arith.select %eq3A_272, %jit3A_273, %jit3A_270 : i32
        %rem3A_275 = arith.remsi %add3A_266, %select_n3A_274 : i32
        %ne3A_276 = arith.constant 0 : i32
        %ne3A_277 = arith.cmpi ne, %rem3A_275, %ne3A_276 : i32
        %lt3A_278 = arith.constant 0 : i32
        %lt3A_279 = arith.cmpi slt, %rem3A_275, %lt3A_278 : i32
        %lt3A_280 = arith.constant 0 : i32
        %lt3A_281 = arith.cmpi slt, %select_n3A_274, %lt3A_280 : i32
        %ne3A_282 = arith.xori %lt3A_279, %lt3A_281 : i1
        %and3A_283 = arith.andi %ne3A_282, %ne3A_277 : i1
        %add3A_284 = arith.addi %rem3A_275, %select_n3A_274 : i32
        %select_n3A_285 = arith.select %and3A_283, %add3A_284, %rem3A_275 : i32
        %dma_start3A_286 = arith.constant 0 : i32
        %dma_start3A_287 = arith.constant 0 : i32
        %dma_start3A_288 = tpu.memref_slice %arg7[%select_n3A_285, %dma_start3A_286, %dma_start3A_287] : memref<12x256x16xf32, #tpu.memory_space<vmem>> -> memref<1x256x16xf32, #tpu.memory_space<vmem>>
        %dma_start3A_289 = tpu.memref_squeeze %dma_start3A_288 : memref<1x256x16xf32, #tpu.memory_space<vmem>> -> memref<256x16xf32, #tpu.memory_space<vmem>>
        %dma_start3A_290 = tpu.memref_slice %arg5[%mul3A_269] : memref<10240xi32, #tpu.memory_space<vmem>> -> memref<256xi32, #tpu.memory_space<vmem>>
        %dma_start3A_291 = arith.constant 0 : i32
        %dma_start3A_292 = arith.constant 0 : i32
        %dma_start3A_293 = tpu.memref_slice %arg2[%dma_start3A_291, %dma_start3A_292] : memref<10048x16xf32, #tpu.memory_space<hbm>> -> memref<10048x16xf32, #tpu.memory_space<hbm>>
        tpu.enqueue_indirect_dma source(%dma_start3A_293 : memref<10048x16xf32, #tpu.memory_space<hbm>>) target(%dma_start3A_289 : memref<256x16xf32, #tpu.memory_space<vmem>>) offsets(%dma_start3A_290 : memref<256xi32, #tpu.memory_space<vmem>>) semaphore(%arg10 : memref<!tpu.dma_semaphore, #tpu.memory_space<semaphore_mem>>)
      } else {
      }
      %ge3A = arith.constant 2 : i32
      %ge3A_256 = arith.cmpi sge, %while3A_197, %ge3A : i32
      %add3A_257 = arith.constant 10 : i32
      %add3A_258 = arith.addi %while3A_197, %add3A_257 : i32
      %lt3A_259 = arith.cmpi slt, %add3A_258, %select_n3A : i32
      %and3A_260 = arith.andi %ge3A_256, %lt3A_259 : i1
      %convert_element_type3A_261 = arith.extui %and3A_260 : i1 to i32
      %cond3A_262 = arith.constant 0 : i32
      %cond3A_263 = arith.cmpi ne, %convert_element_type3A_261, %cond3A_262 : i32
      scf.if %cond3A_263 {
        %sub3A_265 = arith.constant 2 : i32
        %sub3A_266 = arith.subi %while3A_197, %sub3A_265 : i32
        %jit3A_267 = arith.constant 12 : i32
        %eq3A_268 = arith.constant 0 : i32
        %eq3A_269 = arith.cmpi eq, %jit3A_267, %eq3A_268 : i32
        %jit3A_270 = arith.constant 1 : i32
        %select_n3A_271 = arith.select %eq3A_269, %jit3A_270, %jit3A_267 : i32
        %rem3A_272 = arith.remsi %sub3A_266, %select_n3A_271 : i32
        %ne3A_273 = arith.constant 0 : i32
        %ne3A_274 = arith.cmpi ne, %rem3A_272, %ne3A_273 : i32
        %lt3A_275 = arith.constant 0 : i32
        %lt3A_276 = arith.cmpi slt, %rem3A_272, %lt3A_275 : i32
        %lt3A_277 = arith.constant 0 : i32
        %lt3A_278 = arith.cmpi slt, %select_n3A_271, %lt3A_277 : i32
        %ne3A_279 = arith.xori %lt3A_276, %lt3A_278 : i1
        %and3A_280 = arith.andi %ne3A_279, %ne3A_274 : i1
        %add3A_281 = arith.addi %rem3A_272, %select_n3A_271 : i32
        %select_n3A_282 = arith.select %and3A_280, %add3A_281, %rem3A_272 : i32
        %add3A_283 = arith.addi %sub3A, %sub3A_266 : i32
        %mul3A_284 = arith.constant 256 : i32
        %mul3A_285 = arith.muli %add3A_283, %mul3A_284 : i32
        %dma_wait3A_286 = arith.constant 0 : i32
        %dma_wait3A_287 = arith.constant 0 : i32
        %dma_wait3A_288 = tpu.memref_slice %arg7[%select_n3A_282, %dma_wait3A_286, %dma_wait3A_287] : memref<12x256x16xf32, #tpu.memory_space<vmem>> -> memref<1x256x16xf32, #tpu.memory_space<vmem>>
        %dma_wait3A_289 = tpu.memref_squeeze %dma_wait3A_288 : memref<1x256x16xf32, #tpu.memory_space<vmem>> -> memref<256x16xf32, #tpu.memory_space<vmem>>
        %dma_wait3A_290 = tpu.memref_slice %arg6[%mul3A_285] : memref<10240xi32, #tpu.memory_space<vmem>> -> memref<256xi32, #tpu.memory_space<vmem>>
        %dma_wait3A_291 = arith.constant 0 : i32
        %dma_wait3A_292 = arith.constant 0 : i32
        %dma_wait3A_293 = tpu.memref_slice %arg9[%dma_wait3A_291, %dma_wait3A_292] : memref<10048x16xf32, #tpu.memory_space<vmem_shared>> -> memref<10048x16xf32, #tpu.memory_space<vmem_shared>>
        tpu.wait_indirect_dma semaphore(%arg11 : memref<!tpu.dma_semaphore, #tpu.memory_space<semaphore_mem>>) src(%dma_wait3A_289 : memref<256x16xf32, #tpu.memory_space<vmem>>) dst(%dma_wait3A_293 : memref<10048x16xf32, #tpu.memory_space<vmem_shared>>)
        %add3A_294 = arith.constant 10 : i32
        %add3A_295 = arith.addi %while3A_197, %add3A_294 : i32
        %add3A_296 = arith.addi %sub3A, %add3A_295 : i32
        %mul3A_297 = arith.constant 256 : i32
        %mul3A_298 = arith.muli %add3A_296, %mul3A_297 : i32
        %jit3A_299 = arith.constant 12 : i32
        %eq3A_300 = arith.constant 0 : i32
        %eq3A_301 = arith.cmpi eq, %jit3A_299, %eq3A_300 : i32
        %jit3A_302 = arith.constant 1 : i32
        %select_n3A_303 = arith.select %eq3A_301, %jit3A_302, %jit3A_299 : i32
        %rem3A_304 = arith.remsi %add3A_295, %select_n3A_303 : i32
        %ne3A_305 = arith.constant 0 : i32
        %ne3A_306 = arith.cmpi ne, %rem3A_304, %ne3A_305 : i32
        %lt3A_307 = arith.constant 0 : i32
        %lt3A_308 = arith.cmpi slt, %rem3A_304, %lt3A_307 : i32
        %lt3A_309 = arith.constant 0 : i32
        %lt3A_310 = arith.cmpi slt, %select_n3A_303, %lt3A_309 : i32
        %ne3A_311 = arith.xori %lt3A_308, %lt3A_310 : i1
        %and3A_312 = arith.andi %ne3A_311, %ne3A_306 : i1
        %add3A_313 = arith.addi %rem3A_304, %select_n3A_303 : i32
        %select_n3A_314 = arith.select %and3A_312, %add3A_313, %rem3A_304 : i32
        %dma_start3A_315 = arith.constant 0 : i32
        %dma_start3A_316 = arith.constant 0 : i32
        %dma_start3A_317 = tpu.memref_slice %arg7[%select_n3A_314, %dma_start3A_315, %dma_start3A_316] : memref<12x256x16xf32, #tpu.memory_space<vmem>> -> memref<1x256x16xf32, #tpu.memory_space<vmem>>
        %dma_start3A_318 = tpu.memref_squeeze %dma_start3A_317 : memref<1x256x16xf32, #tpu.memory_space<vmem>> -> memref<256x16xf32, #tpu.memory_space<vmem>>
        %dma_start3A_319 = tpu.memref_slice %arg5[%mul3A_298] : memref<10240xi32, #tpu.memory_space<vmem>> -> memref<256xi32, #tpu.memory_space<vmem>>
        %dma_start3A_320 = arith.constant 0 : i32
        %dma_start3A_321 = arith.constant 0 : i32
        %dma_start3A_322 = tpu.memref_slice %arg2[%dma_start3A_320, %dma_start3A_321] : memref<10048x16xf32, #tpu.memory_space<hbm>> -> memref<10048x16xf32, #tpu.memory_space<hbm>>
        tpu.enqueue_indirect_dma source(%dma_start3A_322 : memref<10048x16xf32, #tpu.memory_space<hbm>>) target(%dma_start3A_318 : memref<256x16xf32, #tpu.memory_space<vmem>>) offsets(%dma_start3A_319 : memref<256xi32, #tpu.memory_space<vmem>>) semaphore(%arg10 : memref<!tpu.dma_semaphore, #tpu.memory_space<semaphore_mem>>)
      } else {
      }
      %while3A_264 = arith.constant 0 : i32
      scf.yield %while3A_264 : i32
    }
    %sub3A_181 = arith.constant 12 : i32
    %sub3A_182 = arith.subi %select_n3A, %sub3A_181 : i32
    %while3A_183 = arith.constant 0 : i32
    %while3A_184 = arith.subi %select_n3A, %sub3A_182 : i32
    %while3A_185 = arith.addi %sub3A_182, %while3A_184 : i32
    %while3A_186 = arith.constant 1 : i32
    %while3A_187 = arith.divsi %while3A_184, %while3A_186 : i32
    %while3A_188 = arith.muli %while3A_187, %while3A_186 : i32
    %while3A_189 = arith.addi %sub3A_182, %while3A_188 : i32
    %while3A_190 = arith.constant 1 : i32
    %while3A_191 = scf.for %while3A_197 = %sub3A_182 to %while3A_189 step %while3A_190 iter_args(%while3A_198 = %while3A_183) -> (i32)  : i32 {
      %jit3A_199 = arith.constant 12 : i32
      %eq3A = arith.constant 0 : i32
      %eq3A_200 = arith.cmpi eq, %jit3A_199, %eq3A : i32
      %jit3A_201 = arith.constant 1 : i32
      %select_n3A_202 = arith.select %eq3A_200, %jit3A_201, %jit3A_199 : i32
      %rem3A = arith.remsi %while3A_197, %select_n3A_202 : i32
      %ne3A = arith.constant 0 : i32
      %ne3A_203 = arith.cmpi ne, %rem3A, %ne3A : i32
      %lt3A_204 = arith.constant 0 : i32
      %lt3A_205 = arith.cmpi slt, %rem3A, %lt3A_204 : i32
      %lt3A_206 = arith.constant 0 : i32
      %lt3A_207 = arith.cmpi slt, %select_n3A_202, %lt3A_206 : i32
      %ne3A_208 = arith.xori %lt3A_205, %lt3A_207 : i1
      %and3A = arith.andi %ne3A_208, %ne3A_203 : i1
      %add3A_209 = arith.addi %rem3A, %select_n3A_202 : i32
      %select_n3A_210 = arith.select %and3A, %add3A_209, %rem3A : i32
      %add3A_211 = arith.addi %sub3A, %while3A_197 : i32
      %mul3A_212 = arith.constant 256 : i32
      %mul3A_213 = arith.muli %add3A_211, %mul3A_212 : i32
      %dma_wait3A_214 = arith.constant 0 : i32
      %dma_wait3A_215 = arith.constant 0 : i32
      %dma_wait3A_216 = tpu.memref_slice %arg7[%select_n3A_210, %dma_wait3A_214, %dma_wait3A_215] : memref<12x256x16xf32, #tpu.memory_space<vmem>> -> memref<1x256x16xf32, #tpu.memory_space<vmem>>
      %dma_wait3A_217 = tpu.memref_squeeze %dma_wait3A_216 : memref<1x256x16xf32, #tpu.memory_space<vmem>> -> memref<256x16xf32, #tpu.memory_space<vmem>>
      %dma_wait3A_218 = tpu.memref_slice %arg6[%mul3A_213] : memref<10240xi32, #tpu.memory_space<vmem>> -> memref<256xi32, #tpu.memory_space<vmem>>
      %dma_wait3A_219 = arith.constant 0 : i32
      %dma_wait3A_220 = arith.constant 0 : i32
      %dma_wait3A_221 = tpu.memref_slice %arg9[%dma_wait3A_219, %dma_wait3A_220] : memref<10048x16xf32, #tpu.memory_space<vmem_shared>> -> memref<10048x16xf32, #tpu.memory_space<vmem_shared>>
      tpu.wait_indirect_dma semaphore(%arg11 : memref<!tpu.dma_semaphore, #tpu.memory_space<semaphore_mem>>) src(%dma_wait3A_217 : memref<256x16xf32, #tpu.memory_space<vmem>>) dst(%dma_wait3A_221 : memref<10048x16xf32, #tpu.memory_space<vmem_shared>>)
      %while3A_222 = arith.constant 0 : i32
      scf.yield %while3A_222 : i32
    }
    %while3A_192 = arith.constant 1 : i32
    %while3A_193 = scf.for %while3A_197 = %while3A_189 to %while3A_185 step %while3A_192 iter_args(%while3A_198 = %while3A_191) -> (i32)  : i32 {
      %jit3A_199 = arith.constant 12 : i32
      %eq3A = arith.constant 0 : i32
      %eq3A_200 = arith.cmpi eq, %jit3A_199, %eq3A : i32
      %jit3A_201 = arith.constant 1 : i32
      %select_n3A_202 = arith.select %eq3A_200, %jit3A_201, %jit3A_199 : i32
      %rem3A = arith.remsi %while3A_197, %select_n3A_202 : i32
      %ne3A = arith.constant 0 : i32
      %ne3A_203 = arith.cmpi ne, %rem3A, %ne3A : i32
      %lt3A_204 = arith.constant 0 : i32
      %lt3A_205 = arith.cmpi slt, %rem3A, %lt3A_204 : i32
      %lt3A_206 = arith.constant 0 : i32
      %lt3A_207 = arith.cmpi slt, %select_n3A_202, %lt3A_206 : i32
      %ne3A_208 = arith.xori %lt3A_205, %lt3A_207 : i1
      %and3A = arith.andi %ne3A_208, %ne3A_203 : i1
      %add3A_209 = arith.addi %rem3A, %select_n3A_202 : i32
      %select_n3A_210 = arith.select %and3A, %add3A_209, %rem3A : i32
      %add3A_211 = arith.addi %sub3A, %while3A_197 : i32
      %mul3A_212 = arith.constant 256 : i32
      %mul3A_213 = arith.muli %add3A_211, %mul3A_212 : i32
      %dma_wait3A_214 = arith.constant 0 : i32
      %dma_wait3A_215 = arith.constant 0 : i32
      %dma_wait3A_216 = tpu.memref_slice %arg7[%select_n3A_210, %dma_wait3A_214, %dma_wait3A_215] : memref<12x256x16xf32, #tpu.memory_space<vmem>> -> memref<1x256x16xf32, #tpu.memory_space<vmem>>
      %dma_wait3A_217 = tpu.memref_squeeze %dma_wait3A_216 : memref<1x256x16xf32, #tpu.memory_space<vmem>> -> memref<256x16xf32, #tpu.memory_space<vmem>>
      %dma_wait3A_218 = tpu.memref_slice %arg6[%mul3A_213] : memref<10240xi32, #tpu.memory_space<vmem>> -> memref<256xi32, #tpu.memory_space<vmem>>
      %dma_wait3A_219 = arith.constant 0 : i32
      %dma_wait3A_220 = arith.constant 0 : i32
      %dma_wait3A_221 = tpu.memref_slice %arg9[%dma_wait3A_219, %dma_wait3A_220] : memref<10048x16xf32, #tpu.memory_space<vmem_shared>> -> memref<10048x16xf32, #tpu.memory_space<vmem_shared>>
      tpu.wait_indirect_dma semaphore(%arg11 : memref<!tpu.dma_semaphore, #tpu.memory_space<semaphore_mem>>) src(%dma_wait3A_217 : memref<256x16xf32, #tpu.memory_space<vmem>>) dst(%dma_wait3A_221 : memref<10048x16xf32, #tpu.memory_space<vmem_shared>>)
      %while3A_222 = arith.constant 0 : i32
      scf.yield %while3A_222 : i32
    }
    %barrier3A_194 = arith.constant 0 : index
    tpu.barrier barrier_id(%barrier3A_194)
    %mul3A_195 = arith.constant 628 : i32
    %mul3A_196 = arith.muli %arg1, %mul3A_195 : i32
    "tpu.region"() ({
      %run_scoped3A = tpu.sem_alloc : memref<!tpu.dma_semaphore, #tpu.memory_space<semaphore_mem>>
      %dma_start3A_197 = arith.constant 0 : i32
      %dma_start3A_198 = tpu.memref_slice %arg4[%arg0, %mul3A_196, %dma_start3A_197] : memref<2x10048x16xf32, #tpu.memory_space<hbm>> -> memref<1x628x16xf32, #tpu.memory_space<hbm>>
      %dma_start3A_199 = tpu.memref_squeeze %dma_start3A_198 : memref<1x628x16xf32, #tpu.memory_space<hbm>> -> memref<628x16xf32, #tpu.memory_space<hbm>>
      %dma_start3A_200 = arith.constant 0 : i32
      %dma_start3A_201 = tpu.memref_slice %arg9[%mul3A_196, %dma_start3A_200] : memref<10048x16xf32, #tpu.memory_space<vmem_shared>> -> memref<628x16xf32, #tpu.memory_space<vmem_shared>>
      tpu.enqueue_dma source(%dma_start3A_201 : memref<628x16xf32, #tpu.memory_space<vmem_shared>>) target(%dma_start3A_199 : memref<628x16xf32, #tpu.memory_space<hbm>>) target_semaphore(%run_scoped3A : memref<!tpu.dma_semaphore, #tpu.memory_space<semaphore_mem>>)
      %dma_wait3A_202 = arith.constant 0 : i32
      %dma_wait3A_203 = tpu.memref_slice %arg4[%arg0, %mul3A_196, %dma_wait3A_202] : memref<2x10048x16xf32, #tpu.memory_space<hbm>> -> memref<1x628x16xf32, #tpu.memory_space<hbm>>
      %dma_wait3A_204 = tpu.memref_squeeze %dma_wait3A_203 : memref<1x628x16xf32, #tpu.memory_space<hbm>> -> memref<628x16xf32, #tpu.memory_space<hbm>>
      %dma_wait3A_205 = arith.constant 0 : i32
      %dma_wait3A_206 = tpu.memref_slice %arg9[%mul3A_196, %dma_wait3A_205] : memref<10048x16xf32, #tpu.memory_space<vmem_shared>> -> memref<628x16xf32, #tpu.memory_space<vmem_shared>>
      tpu.wait_dma2 semaphore(%run_scoped3A : memref<!tpu.dma_semaphore, #tpu.memory_space<semaphore_mem>>) src(%dma_wait3A_206 : memref<628x16xf32, #tpu.memory_space<vmem_shared>>) dst(%dma_wait3A_204 : memref<628x16xf32, #tpu.memory_space<hbm>>)
      tpu.yield
    }) : () -> ()
    return
  }
}

#map = affine_map<(d0, d1) -> (0, 0)>
#map1 = affine_map<(d0, d1) -> (0, 0, 0)>
module attributes {stable_mosaic.version = 14 : i64} {
  func.func @_sc_degree(%arg0: i32, %arg1: i32, %arg2: memref<2x320000xi32, #tpu.memory_space<hbm>>, %arg3: memref<2x10048x16xf32, #tpu.memory_space<hbm>>, %arg4: memref<10240xi32, #tpu.memory_space<vmem>>, %arg5: memref<256x16xf32, #tpu.memory_space<vmem>>, %arg6: memref<628x16xf32, #tpu.memory_space<vmem>>, %arg7: memref<10048x16xf32, #tpu.memory_space<vmem_shared>>, %arg8: memref<!tpu.dma_semaphore, #tpu.memory_space<semaphore_mem>>) attributes {dimension_semantics = [#tpu.dimension_semantics<core_parallel>, #tpu.dimension_semantics<subcore_parallel>], iteration_bounds = array<i64: 2, 16>, scalar_prefetch = 0 : i64, scratch_operands = 5 : i64, tpu.core_type = #tpu.core_type<sc_vector_subcore>, window_params = [{transform_indices = #map}, {transform_indices = #map1}]} {
    %mul3A = arith.constant 2 : i32
    %mul3A_0 = arith.muli %arg1, %mul3A : i32
    %add3A = arith.addi %mul3A_0, %arg0 : i32
    %lt3A = arith.constant 2 : i32
    %lt3A_1 = arith.cmpi slt, %add3A, %lt3A : i32
    %jit3A = arith.constant 40 : i32
    %jit3A_2 = arith.constant 39 : i32
    %select_n3A = arith.select %lt3A_1, %jit3A, %jit3A_2 : i32
    %mul3A_3 = arith.constant 39 : i32
    %mul3A_4 = arith.muli %mul3A_3, %add3A : i32
    %min3A = arith.constant 2 : i32
    %min3A_5 = arith.minsi %add3A, %min3A : i32
    %add3A_6 = arith.addi %mul3A_4, %min3A_5 : i32
    %min3A_7 = arith.constant 1210 : i32
    %min3A_8 = arith.minsi %add3A_6, %min3A_7 : i32
    %sub3A = arith.subi %add3A_6, %min3A_8 : i32
    %broadcast_in_dim3A = arith.constant 0.000000e+00 : f32
    %broadcast_in_dim3A_9 = vector.broadcast %broadcast_in_dim3A : f32 to vector<16xf32>
    %scan3A = arith.constant 0 : i32
    %scan3A_10 = arith.constant 0 : i32
    %scan3A_11 = arith.constant 628 : i32
    %scan3A_12 = arith.addi %scan3A_10, %scan3A_11 : i32
    %scan3A_13 = arith.constant 1 : i32
    %scan3A_14 = scf.for %scan3A_63 = %scan3A_10 to %scan3A_12 step %scan3A_13 iter_args(%scan3A_64 = %scan3A) -> (i32)  : i32 {
      %swap3A = arith.index_cast %scan3A_63 : i32 to index
      %swap3A_65 = arith.constant 0 : index
      %swap3A_66 = tpu.vector_load %arg6[%swap3A, %swap3A_65] {strides = array<i32>} : memref<628x16xf32, #tpu.memory_space<vmem>>, vector<1x16xf32>,
      %swap3A_67 = vector.shape_cast %swap3A_66 : vector<1x16xf32> to vector<16xf32>
      %swap3A_68 = vector.shape_cast %broadcast_in_dim3A_9 : vector<16xf32> to vector<1x16xf32>
      tpu.vector_store %arg6[%swap3A, %swap3A_65], %swap3A_68 {strides = array<i32>} : memref<628x16xf32, #tpu.memory_space<vmem>>, vector<1x16xf32>,
      %scan3A_69 = arith.constant 0 : i32
      scf.yield %scan3A_69 : i32
    }
    %scan3A_15 = arith.constant 628 : i32
    %broadcast_in_dim3A_16 = arith.constant 1.000000e+00 : f32
    %broadcast_in_dim3A_17 = vector.broadcast %broadcast_in_dim3A_16 : f32 to vector<16xf32>
    %scan3A_18 = arith.constant 0 : i32
    %scan3A_19 = arith.constant 0 : i32
    %scan3A_20 = arith.constant 256 : i32
    %scan3A_21 = arith.addi %scan3A_19, %scan3A_20 : i32
    %scan3A_22 = arith.constant 1 : i32
    %scan3A_23 = scf.for %scan3A_63 = %scan3A_19 to %scan3A_21 step %scan3A_22 iter_args(%scan3A_64 = %scan3A_18) -> (i32)  : i32 {
      %swap3A = arith.index_cast %scan3A_63 : i32 to index
      %swap3A_65 = arith.constant 0 : index
      %swap3A_66 = tpu.vector_load %arg5[%swap3A, %swap3A_65] {strides = array<i32>} : memref<256x16xf32, #tpu.memory_space<vmem>>, vector<1x16xf32>,
      %swap3A_67 = vector.shape_cast %swap3A_66 : vector<1x16xf32> to vector<16xf32>
      %swap3A_68 = vector.shape_cast %broadcast_in_dim3A_17 : vector<16xf32> to vector<1x16xf32>
      tpu.vector_store %arg5[%swap3A, %swap3A_65], %swap3A_68 {strides = array<i32>} : memref<256x16xf32, #tpu.memory_space<vmem>>, vector<1x16xf32>,
      %scan3A_69 = arith.constant 0 : i32
      scf.yield %scan3A_69 : i32
    }
    %scan3A_24 = arith.constant 256 : i32
    %mul3A_25 = arith.constant 628 : i32
    %mul3A_26 = arith.muli %arg1, %mul3A_25 : i32
    "tpu.region"() ({
      %run_scoped3A = tpu.sem_alloc : memref<!tpu.dma_semaphore, #tpu.memory_space<semaphore_mem>>
      %dma_start3A_63 = arith.constant 0 : i32
      %dma_start3A_64 = tpu.memref_slice %arg7[%mul3A_26, %dma_start3A_63] : memref<10048x16xf32, #tpu.memory_space<vmem_shared>> -> memref<628x16xf32, #tpu.memory_space<vmem_shared>>
      %dma_start3A_65 = arith.constant 0 : i32
      %dma_start3A_66 = tpu.memref_slice %arg7[%mul3A_26, %dma_start3A_65] : memref<10048x16xf32, #tpu.memory_space<vmem_shared>> -> memref<628x16xf32, #tpu.memory_space<vmem_shared>>
      tpu.enqueue_dma source(%arg6 : memref<628x16xf32, #tpu.memory_space<vmem>>) target(%dma_start3A_66 : memref<628x16xf32, #tpu.memory_space<vmem_shared>>) target_semaphore(%run_scoped3A : memref<!tpu.dma_semaphore, #tpu.memory_space<semaphore_mem>>)
      %dma_wait3A_67 = arith.constant 0 : i32
      %dma_wait3A_68 = tpu.memref_slice %arg7[%mul3A_26, %dma_wait3A_67] : memref<10048x16xf32, #tpu.memory_space<vmem_shared>> -> memref<628x16xf32, #tpu.memory_space<vmem_shared>>
      %dma_wait3A_69 = arith.constant 0 : i32
      %dma_wait3A_70 = tpu.memref_slice %arg7[%mul3A_26, %dma_wait3A_69] : memref<10048x16xf32, #tpu.memory_space<vmem_shared>> -> memref<628x16xf32, #tpu.memory_space<vmem_shared>>
      tpu.wait_dma2 semaphore(%run_scoped3A : memref<!tpu.dma_semaphore, #tpu.memory_space<semaphore_mem>>) src(%arg6 : memref<628x16xf32, #tpu.memory_space<vmem>>) dst(%dma_wait3A_70 : memref<628x16xf32, #tpu.memory_space<vmem_shared>>)
      tpu.yield
    }) : () -> ()
    %mul3A_27 = arith.constant 256 : i32
    %mul3A_28 = arith.muli %min3A_8, %mul3A_27 : i32
    %dma_start3A = arith.constant 1 : i32
    %dma_start3A_29 = tpu.memref_slice %arg2[%dma_start3A, %mul3A_28] : memref<2x320000xi32, #tpu.memory_space<hbm>> -> memref<1x10240xi32, #tpu.memory_space<hbm>>
    %dma_start3A_30 = tpu.memref_squeeze %dma_start3A_29 : memref<1x10240xi32, #tpu.memory_space<hbm>> -> memref<10240xi32, #tpu.memory_space<hbm>>
    %dma_start3A_31 = tpu.memref_slice %arg2[%dma_start3A, %mul3A_28] : memref<2x320000xi32, #tpu.memory_space<hbm>> -> memref<1x10240xi32, #tpu.memory_space<hbm>>
    %dma_start3A_32 = tpu.memref_squeeze %dma_start3A_31 : memref<1x10240xi32, #tpu.memory_space<hbm>> -> memref<10240xi32, #tpu.memory_space<hbm>>
    tpu.enqueue_dma source(%dma_start3A_32 : memref<10240xi32, #tpu.memory_space<hbm>>) target(%arg4 : memref<10240xi32, #tpu.memory_space<vmem>>) target_semaphore(%arg8 : memref<!tpu.dma_semaphore, #tpu.memory_space<semaphore_mem>>)
    %dma_wait3A = arith.constant 1 : i32
    %dma_wait3A_33 = tpu.memref_slice %arg2[%dma_wait3A, %mul3A_28] : memref<2x320000xi32, #tpu.memory_space<hbm>> -> memref<1x10240xi32, #tpu.memory_space<hbm>>
    %dma_wait3A_34 = tpu.memref_squeeze %dma_wait3A_33 : memref<1x10240xi32, #tpu.memory_space<hbm>> -> memref<10240xi32, #tpu.memory_space<hbm>>
    %dma_wait3A_35 = tpu.memref_slice %arg2[%dma_wait3A, %mul3A_28] : memref<2x320000xi32, #tpu.memory_space<hbm>> -> memref<1x10240xi32, #tpu.memory_space<hbm>>
    %dma_wait3A_36 = tpu.memref_squeeze %dma_wait3A_35 : memref<1x10240xi32, #tpu.memory_space<hbm>> -> memref<10240xi32, #tpu.memory_space<hbm>>
    tpu.wait_dma2 semaphore(%arg8 : memref<!tpu.dma_semaphore, #tpu.memory_space<semaphore_mem>>) src(%dma_wait3A_36 : memref<10240xi32, #tpu.memory_space<hbm>>) dst(%arg4 : memref<10240xi32, #tpu.memory_space<vmem>>)
    %barrier3A = arith.constant 0 : index
    tpu.barrier barrier_id(%barrier3A)
    %while3A = arith.constant 0 : i32
    %while3A_37 = arith.constant 0 : i32
    %while3A_38 = arith.subi %select_n3A, %while3A : i32
    %while3A_39 = arith.addi %while3A, %while3A_38 : i32
    %while3A_40 = arith.constant 1 : i32
    %while3A_41 = arith.divsi %while3A_38, %while3A_40 : i32
    %while3A_42 = arith.muli %while3A_41, %while3A_40 : i32
    %while3A_43 = arith.addi %while3A, %while3A_42 : i32
    %while3A_44 = arith.constant 1 : i32
    %while3A_45 = scf.for %while3A_63 = %while3A to %while3A_43 step %while3A_44 iter_args(%while3A_64 = %while3A_37) -> (i32)  : i32 {
      %add3A_65 = arith.addi %sub3A, %while3A_63 : i32
      %mul3A_66 = arith.constant 256 : i32
      %mul3A_67 = arith.muli %add3A_65, %mul3A_66 : i32
      %dma_start3A_68 = tpu.memref_slice %arg4[%mul3A_67] : memref<10240xi32, #tpu.memory_space<vmem>> -> memref<256xi32, #tpu.memory_space<vmem>>
      %dma_start3A_69 = arith.constant 0 : i32
      %dma_start3A_70 = arith.constant 0 : i32
      %dma_start3A_71 = tpu.memref_slice %arg7[%dma_start3A_69, %dma_start3A_70] : memref<10048x16xf32, #tpu.memory_space<vmem_shared>> -> memref<10048x16xf32, #tpu.memory_space<vmem_shared>>
      tpu.enqueue_indirect_dma source(%arg5 : memref<256x16xf32, #tpu.memory_space<vmem>>) target(%dma_start3A_71 : memref<10048x16xf32, #tpu.memory_space<vmem_shared>>) offsets(%dma_start3A_68 : memref<256xi32, #tpu.memory_space<vmem>>) semaphore(%arg8 : memref<!tpu.dma_semaphore, #tpu.memory_space<semaphore_mem>>) {add = true}
      %while3A_72 = arith.constant 0 : i32
      scf.yield %while3A_72 : i32
    }
    %while3A_46 = arith.constant 1 : i32
    %while3A_47 = scf.for %while3A_63 = %while3A_43 to %while3A_39 step %while3A_46 iter_args(%while3A_64 = %while3A_45) -> (i32)  : i32 {
      %add3A_65 = arith.addi %sub3A, %while3A_63 : i32
      %mul3A_66 = arith.constant 256 : i32
      %mul3A_67 = arith.muli %add3A_65, %mul3A_66 : i32
      %dma_start3A_68 = tpu.memref_slice %arg4[%mul3A_67] : memref<10240xi32, #tpu.memory_space<vmem>> -> memref<256xi32, #tpu.memory_space<vmem>>
      %dma_start3A_69 = arith.constant 0 : i32
      %dma_start3A_70 = arith.constant 0 : i32
      %dma_start3A_71 = tpu.memref_slice %arg7[%dma_start3A_69, %dma_start3A_70] : memref<10048x16xf32, #tpu.memory_space<vmem_shared>> -> memref<10048x16xf32, #tpu.memory_space<vmem_shared>>
      tpu.enqueue_indirect_dma source(%arg5 : memref<256x16xf32, #tpu.memory_space<vmem>>) target(%dma_start3A_71 : memref<10048x16xf32, #tpu.memory_space<vmem_shared>>) offsets(%dma_start3A_68 : memref<256xi32, #tpu.memory_space<vmem>>) semaphore(%arg8 : memref<!tpu.dma_semaphore, #tpu.memory_space<semaphore_mem>>) {add = true}
      %while3A_72 = arith.constant 0 : i32
      scf.yield %while3A_72 : i32
    }
    %while3A_48 = arith.constant 0 : i32
    %while3A_49 = arith.constant 0 : i32
    %while3A_50 = arith.subi %select_n3A, %while3A_48 : i32
    %while3A_51 = arith.addi %while3A_48, %while3A_50 : i32
    %while3A_52 = arith.constant 1 : i32
    %while3A_53 = arith.divsi %while3A_50, %while3A_52 : i32
    %while3A_54 = arith.muli %while3A_53, %while3A_52 : i32
    %while3A_55 = arith.addi %while3A_48, %while3A_54 : i32
    %while3A_56 = arith.constant 1 : i32
    %while3A_57 = scf.for %while3A_63 = %while3A_48 to %while3A_55 step %while3A_56 iter_args(%while3A_64 = %while3A_49) -> (i32)  : i32 {
      %add3A_65 = arith.addi %sub3A, %while3A_63 : i32
      %mul3A_66 = arith.constant 256 : i32
      %mul3A_67 = arith.muli %add3A_65, %mul3A_66 : i32
      %dma_wait3A_68 = tpu.memref_slice %arg4[%mul3A_67] : memref<10240xi32, #tpu.memory_space<vmem>> -> memref<256xi32, #tpu.memory_space<vmem>>
      %dma_wait3A_69 = arith.constant 0 : i32
      %dma_wait3A_70 = arith.constant 0 : i32
      %dma_wait3A_71 = tpu.memref_slice %arg7[%dma_wait3A_69, %dma_wait3A_70] : memref<10048x16xf32, #tpu.memory_space<vmem_shared>> -> memref<10048x16xf32, #tpu.memory_space<vmem_shared>>
      tpu.wait_indirect_dma semaphore(%arg8 : memref<!tpu.dma_semaphore, #tpu.memory_space<semaphore_mem>>) src(%arg5 : memref<256x16xf32, #tpu.memory_space<vmem>>) dst(%dma_wait3A_71 : memref<10048x16xf32, #tpu.memory_space<vmem_shared>>)
      %while3A_72 = arith.constant 0 : i32
      scf.yield %while3A_72 : i32
    }
    %while3A_58 = arith.constant 1 : i32
    %while3A_59 = scf.for %while3A_63 = %while3A_55 to %while3A_51 step %while3A_58 iter_args(%while3A_64 = %while3A_57) -> (i32)  : i32 {
      %add3A_65 = arith.addi %sub3A, %while3A_63 : i32
      %mul3A_66 = arith.constant 256 : i32
      %mul3A_67 = arith.muli %add3A_65, %mul3A_66 : i32
      %dma_wait3A_68 = tpu.memref_slice %arg4[%mul3A_67] : memref<10240xi32, #tpu.memory_space<vmem>> -> memref<256xi32, #tpu.memory_space<vmem>>
      %dma_wait3A_69 = arith.constant 0 : i32
      %dma_wait3A_70 = arith.constant 0 : i32
      %dma_wait3A_71 = tpu.memref_slice %arg7[%dma_wait3A_69, %dma_wait3A_70] : memref<10048x16xf32, #tpu.memory_space<vmem_shared>> -> memref<10048x16xf32, #tpu.memory_space<vmem_shared>>
      tpu.wait_indirect_dma semaphore(%arg8 : memref<!tpu.dma_semaphore, #tpu.memory_space<semaphore_mem>>) src(%arg5 : memref<256x16xf32, #tpu.memory_space<vmem>>) dst(%dma_wait3A_71 : memref<10048x16xf32, #tpu.memory_space<vmem_shared>>)
      %while3A_72 = arith.constant 0 : i32
      scf.yield %while3A_72 : i32
    }
    %barrier3A_60 = arith.constant 0 : index
    tpu.barrier barrier_id(%barrier3A_60)
    %mul3A_61 = arith.constant 628 : i32
    %mul3A_62 = arith.muli %arg1, %mul3A_61 : i32
    "tpu.region"() ({
      %run_scoped3A = tpu.sem_alloc : memref<!tpu.dma_semaphore, #tpu.memory_space<semaphore_mem>>
      %dma_start3A_63 = arith.constant 0 : i32
      %dma_start3A_64 = tpu.memref_slice %arg3[%arg0, %mul3A_62, %dma_start3A_63] : memref<2x10048x16xf32, #tpu.memory_space<hbm>> -> memref<1x628x16xf32, #tpu.memory_space<hbm>>
      %dma_start3A_65 = tpu.memref_squeeze %dma_start3A_64 : memref<1x628x16xf32, #tpu.memory_space<hbm>> -> memref<628x16xf32, #tpu.memory_space<hbm>>
      %dma_start3A_66 = arith.constant 0 : i32
      %dma_start3A_67 = tpu.memref_slice %arg7[%mul3A_62, %dma_start3A_66] : memref<10048x16xf32, #tpu.memory_space<vmem_shared>> -> memref<628x16xf32, #tpu.memory_space<vmem_shared>>
      tpu.enqueue_dma source(%dma_start3A_67 : memref<628x16xf32, #tpu.memory_space<vmem_shared>>) target(%dma_start3A_65 : memref<628x16xf32, #tpu.memory_space<hbm>>) target_semaphore(%run_scoped3A : memref<!tpu.dma_semaphore, #tpu.memory_space<semaphore_mem>>)
      %dma_wait3A_68 = arith.constant 0 : i32
      %dma_wait3A_69 = tpu.memref_slice %arg3[%arg0, %mul3A_62, %dma_wait3A_68] : memref<2x10048x16xf32, #tpu.memory_space<hbm>> -> memref<1x628x16xf32, #tpu.memory_space<hbm>>
      %dma_wait3A_70 = tpu.memref_squeeze %dma_wait3A_69 : memref<1x628x16xf32, #tpu.memory_space<hbm>> -> memref<628x16xf32, #tpu.memory_space<hbm>>
      %dma_wait3A_71 = arith.constant 0 : i32
      %dma_wait3A_72 = tpu.memref_slice %arg7[%mul3A_62, %dma_wait3A_71] : memref<10048x16xf32, #tpu.memory_space<vmem_shared>> -> memref<628x16xf32, #tpu.memory_space<vmem_shared>>
      tpu.wait_dma2 semaphore(%run_scoped3A : memref<!tpu.dma_semaphore, #tpu.memory_space<semaphore_mem>>) src(%dma_wait3A_72 : memref<628x16xf32, #tpu.memory_space<vmem_shared>>) dst(%dma_wait3A_70 : memref<628x16xf32, #tpu.memory_space<hbm>>)
      tpu.yield
    }) : () -> ()
    return
  }
}

module attributes {stable_mosaic.version = 14 : i64} {
  func.func @_tc0_body(%arg0: i32, %arg1: memref<1256x1024xf32, #tpu.memory_space<vmem>>, %arg2: memref<1024x128xf32, #tpu.memory_space<vmem>>, %arg3: memref<1256x128xf32, #tpu.memory_space<vmem>>) attributes {dimension_semantics = [#tpu.dimension_semantics<arbitrary>], iteration_bounds = array<i64: 1>, scalar_prefetch = 0 : i64, scratch_operands = 0 : i64, tpu.core_type = #tpu.core_type<tc>, window_params = [{transform_indices = @transform_0, window_bounds = array<i64: 1256, 1024>}, {pipeline_mode = #tpu.pipeline_mode<synchronous>, transform_indices = @transform_1, window_bounds = array<i64: 1024, 128>}, {transform_indices = @transform_2, window_bounds = array<i64: 1256, 128>}]} {
    %get3A = arith.constant 0 : index
    %get3A_0 = arith.constant 0 : index
    %get3A_1 = vector.load %arg1[%get3A, %get3A_0] : memref<1256x1024xf32, #tpu.memory_space<vmem>>, vector<1256x1024xf32>
    %get3A_2 = arith.constant 0 : index
    %get3A_3 = arith.constant 0 : index
    %get3A_4 = vector.load %arg2[%get3A_2, %get3A_3] : memref<1024x128xf32, #tpu.memory_space<vmem>>, vector<1024x128xf32>
    %dot_general3A = arith.constant dense<0.000000e+00> : vector<1256x128xf32>
    %dot_general3A_5 = tpu.matmul %get3A_1, %get3A_4, %dot_general3A {dimension_numbers = #tpu.dot_dimension_numbers<[1], [0], [0], [1], [0, 0, 1, 1], [], []>, precision = #tpu.contract_precision<fp32>, transpose_lhs_hint = false} : vector<1256x1024xf32>, vector<1024x128xf32>, vector<1256x128xf32> -> vector<1256x128xf32>
    %swap3A = arith.constant 0 : index
    %swap3A_6 = arith.constant 0 : index
    %swap3A_7 = vector.load %arg3[%swap3A, %swap3A_6] : memref<1256x128xf32, #tpu.memory_space<vmem>>, vector<1256x128xf32>
    tpu.vector_store %arg3[%swap3A, %swap3A_6], %dot_general3A_5 {strides = array<i32>} : memref<1256x128xf32, #tpu.memory_space<vmem>>, vector<1256x128xf32>,
    return
  }
  func.func @transform_0(%arg0: i32) -> (i32, i32) {
    %c0_i32 = arith.constant 0 : i32
    %c0_i32_0 = arith.constant 0 : i32
    return %arg0, %c0_i32 : i32, i32
  }
  func.func @transform_1(%arg0: i32) -> (i32, i32) {
    %c0_i32 = arith.constant 0 : i32
    %c0_i32_0 = arith.constant 0 : i32
    %c0_i32_1 = arith.constant 0 : i32
    return %c0_i32, %c0_i32_0 : i32, i32
  }
  func.func @transform_2(%arg0: i32) -> (i32, i32) {
    %c0_i32 = arith.constant 0 : i32
    %c0_i32_0 = arith.constant 0 : i32
    return %arg0, %c0_i32 : i32, i32
  }
}

module attributes {stable_mosaic.version = 14 : i64} {
  func.func @_tc1_body(%arg0: i32, %arg1: memref<1256x128xf32, #tpu.memory_space<vmem>>, %arg2: memref<2x1256x128xf32, #tpu.memory_space<vmem>>, %arg3: memref<1256x128xf32, #tpu.memory_space<vmem>>, %arg4: memref<1256x128xf32, #tpu.memory_space<vmem>>) attributes {dimension_semantics = [#tpu.dimension_semantics<arbitrary>], iteration_bounds = array<i64: 1>, scalar_prefetch = 0 : i64, scratch_operands = 0 : i64, tpu.core_type = #tpu.core_type<tc>, window_params = [{transform_indices = @transform_0, window_bounds = array<i64: 1256, 128>}, {transform_indices = @transform_1, window_bounds = array<i64: 2, 1256, 128>}, {transform_indices = @transform_2, window_bounds = array<i64: 1256, 128>}, {transform_indices = @transform_3, window_bounds = array<i64: 1256, 128>}]} {
    %get3A = arith.constant 0 : index
    %get3A_0 = arith.constant 0 : index
    %get3A_1 = arith.constant 0 : index
    %get3A_2 = vector.load %arg2[%get3A, %get3A_0, %get3A_1] : memref<2x1256x128xf32, #tpu.memory_space<vmem>>, vector<1x1256x128xf32>
    %get3A_3 = vector.shape_cast %get3A_2 : vector<1x1256x128xf32> to vector<1256x128xf32>
    %add3A = arith.constant 1.000000e+00 : f32
    %add3A_4 = vector.broadcast %add3A : f32 to vector<1256x128xf32>
    %add3A_5 = arith.addf %add3A_4, %get3A_3 : vector<1256x128xf32>
    %get3A_6 = arith.constant 1 : index
    %get3A_7 = arith.constant 0 : index
    %get3A_8 = arith.constant 0 : index
    %get3A_9 = vector.load %arg2[%get3A_6, %get3A_7, %get3A_8] : memref<2x1256x128xf32, #tpu.memory_space<vmem>>, vector<1x1256x128xf32>
    %get3A_10 = vector.shape_cast %get3A_9 : vector<1x1256x128xf32> to vector<1256x128xf32>
    %add3A_11 = arith.addf %add3A_5, %get3A_10 : vector<1256x128xf32>
    %rsqrt3A = math.rsqrt %add3A_11 : vector<1256x128xf32>
    %get3A_12 = arith.constant 0 : index
    %get3A_13 = arith.constant 0 : index
    %get3A_14 = vector.load %arg1[%get3A_12, %get3A_13] : memref<1256x128xf32, #tpu.memory_space<vmem>>, vector<1256x128xf32>
    %mul3A = arith.mulf %get3A_14, %rsqrt3A : vector<1256x128xf32>
    %swap3A = arith.constant 0 : index
    %swap3A_15 = arith.constant 0 : index
    %swap3A_16 = vector.load %arg3[%swap3A, %swap3A_15] : memref<1256x128xf32, #tpu.memory_space<vmem>>, vector<1256x128xf32>
    tpu.vector_store %arg3[%swap3A, %swap3A_15], %mul3A {strides = array<i32>} : memref<1256x128xf32, #tpu.memory_space<vmem>>, vector<1256x128xf32>,
    %swap3A_17 = arith.constant 0 : index
    %swap3A_18 = arith.constant 0 : index
    %swap3A_19 = vector.load %arg4[%swap3A_17, %swap3A_18] : memref<1256x128xf32, #tpu.memory_space<vmem>>, vector<1256x128xf32>
    tpu.vector_store %arg4[%swap3A_17, %swap3A_18], %rsqrt3A {strides = array<i32>} : memref<1256x128xf32, #tpu.memory_space<vmem>>, vector<1256x128xf32>,
    return
  }
  func.func @transform_0(%arg0: i32) -> (i32, i32) {
    %c0_i32 = arith.constant 0 : i32
    %c0_i32_0 = arith.constant 0 : i32
    return %arg0, %c0_i32 : i32, i32
  }
  func.func @transform_1(%arg0: i32) -> (i32, i32, i32) {
    %c0_i32 = arith.constant 0 : i32
    %c0_i32_0 = arith.constant 0 : i32
    %c0_i32_1 = arith.constant 0 : i32
    return %c0_i32, %arg0, %c0_i32_0 : i32, i32, i32
  }
  func.func @transform_2(%arg0: i32) -> (i32, i32) {
    %c0_i32 = arith.constant 0 : i32
    %c0_i32_0 = arith.constant 0 : i32
    return %arg0, %c0_i32 : i32, i32
  }
  func.func @transform_3(%arg0: i32) -> (i32, i32) {
    %c0_i32 = arith.constant 0 : i32
    %c0_i32_0 = arith.constant 0 : i32
    return %arg0, %c0_i32 : i32, i32
  }
}

module attributes {stable_mosaic.version = 14 : i64} {
  func.func @_tc2_body(%arg0: i32, %arg1: memref<2x1256x128xf32, #tpu.memory_space<vmem>>, %arg2: memref<1256x128xf32, #tpu.memory_space<vmem>>, %arg3: memref<1256x128xf32, #tpu.memory_space<vmem>>, %arg4: memref<1x128xf32, #tpu.memory_space<vmem>>, %arg5: memref<128x128xf32, #tpu.memory_space<vmem>>, %arg6: memref<1256x128xf32, #tpu.memory_space<vmem>>) attributes {dimension_semantics = [#tpu.dimension_semantics<arbitrary>], iteration_bounds = array<i64: 1>, scalar_prefetch = 0 : i64, scratch_operands = 0 : i64, tpu.core_type = #tpu.core_type<tc>, window_params = [{transform_indices = @transform_0, window_bounds = array<i64: 2, 1256, 128>}, {transform_indices = @transform_1, window_bounds = array<i64: 1256, 128>}, {transform_indices = @transform_2, window_bounds = array<i64: 1256, 128>}, {pipeline_mode = #tpu.pipeline_mode<synchronous>, transform_indices = @transform_3, window_bounds = array<i64: 1, 128>}, {pipeline_mode = #tpu.pipeline_mode<synchronous>, transform_indices = @transform_4, window_bounds = array<i64: 128, 128>}, {transform_indices = @transform_5, window_bounds = array<i64: 1256, 128>}]} {
    %get3A = arith.constant 0 : index
    %get3A_0 = arith.constant 0 : index
    %get3A_1 = vector.load %arg3[%get3A, %get3A_0] : memref<1256x128xf32, #tpu.memory_space<vmem>>, vector<1256x128xf32>
    %get3A_2 = arith.constant 0 : index
    %get3A_3 = arith.constant 0 : index
    %get3A_4 = arith.constant 0 : index
    %get3A_5 = vector.load %arg1[%get3A_2, %get3A_3, %get3A_4] : memref<2x1256x128xf32, #tpu.memory_space<vmem>>, vector<1x1256x128xf32>
    %get3A_6 = vector.shape_cast %get3A_5 : vector<1x1256x128xf32> to vector<1256x128xf32>
    %get3A_7 = arith.constant 1 : index
    %get3A_8 = arith.constant 0 : index
    %get3A_9 = arith.constant 0 : index
    %get3A_10 = vector.load %arg1[%get3A_7, %get3A_8, %get3A_9] : memref<2x1256x128xf32, #tpu.memory_space<vmem>>, vector<1x1256x128xf32>
    %get3A_11 = vector.shape_cast %get3A_10 : vector<1x1256x128xf32> to vector<1256x128xf32>
    %add3A = arith.addf %get3A_6, %get3A_11 : vector<1256x128xf32>
    %get3A_12 = arith.constant 0 : index
    %get3A_13 = arith.constant 0 : index
    %get3A_14 = vector.load %arg2[%get3A_12, %get3A_13] : memref<1256x128xf32, #tpu.memory_space<vmem>>, vector<1256x128xf32>
    %add3A_15 = arith.addf %add3A, %get3A_14 : vector<1256x128xf32>
    %mul3A = arith.mulf %get3A_1, %add3A_15 : vector<1256x128xf32>
    %get3A_16 = arith.constant 0 : index
    %get3A_17 = arith.constant 0 : index
    %get3A_18 = vector.load %arg4[%get3A_16, %get3A_17] : memref<1x128xf32, #tpu.memory_space<vmem>>, vector<1x128xf32>
    %add3A_19 = vector.broadcast %get3A_18 : vector<1x128xf32> to vector<1256x128xf32>
    %add3A_20 = arith.addf %mul3A, %add3A_19 : vector<1256x128xf32>
    %max3A = arith.constant 0.000000e+00 : f32
    %max3A_21 = vector.broadcast %max3A : f32 to vector<1256x128xf32>
    %max3A_22 = arith.maximumf %add3A_20, %max3A_21 : vector<1256x128xf32>
    %get3A_23 = arith.constant 0 : index
    %get3A_24 = arith.constant 0 : index
    %get3A_25 = vector.load %arg5[%get3A_23, %get3A_24] : memref<128x128xf32, #tpu.memory_space<vmem>>, vector<128x128xf32>
    %dot_general3A = arith.constant dense<0.000000e+00> : vector<1256x128xf32>
    %dot_general3A_26 = tpu.matmul %max3A_22, %get3A_25, %dot_general3A {dimension_numbers = #tpu.dot_dimension_numbers<[1], [0], [0], [1], [0, 0, 1, 1], [], []>, precision = #tpu.contract_precision<fp32>, transpose_lhs_hint = false} : vector<1256x128xf32>, vector<128x128xf32>, vector<1256x128xf32> -> vector<1256x128xf32>
    %mul3A_27 = arith.mulf %dot_general3A_26, %get3A_1 : vector<1256x128xf32>
    %swap3A = arith.constant 0 : index
    %swap3A_28 = arith.constant 0 : index
    %swap3A_29 = vector.load %arg6[%swap3A, %swap3A_28] : memref<1256x128xf32, #tpu.memory_space<vmem>>, vector<1256x128xf32>
    tpu.vector_store %arg6[%swap3A, %swap3A_28], %mul3A_27 {strides = array<i32>} : memref<1256x128xf32, #tpu.memory_space<vmem>>, vector<1256x128xf32>,
    return
  }
  func.func @transform_0(%arg0: i32) -> (i32, i32, i32) {
    %c0_i32 = arith.constant 0 : i32
    %c0_i32_0 = arith.constant 0 : i32
    %c0_i32_1 = arith.constant 0 : i32
    return %c0_i32, %arg0, %c0_i32_0 : i32, i32, i32
  }
  func.func @transform_1(%arg0: i32) -> (i32, i32) {
    %c0_i32 = arith.constant 0 : i32
    %c0_i32_0 = arith.constant 0 : i32
    return %arg0, %c0_i32 : i32, i32
  }
  func.func @transform_2(%arg0: i32) -> (i32, i32) {
    %c0_i32 = arith.constant 0 : i32
    %c0_i32_0 = arith.constant 0 : i32
    return %arg0, %c0_i32 : i32, i32
  }
  func.func @transform_3(%arg0: i32) -> (i32, i32) {
    %c0_i32 = arith.constant 0 : i32
    %c0_i32_0 = arith.constant 0 : i32
    %c0_i32_1 = arith.constant 0 : i32
    return %c0_i32, %c0_i32_0 : i32, i32
  }
  func.func @transform_4(%arg0: i32) -> (i32, i32) {
    %c0_i32 = arith.constant 0 : i32
    %c0_i32_0 = arith.constant 0 : i32
    %c0_i32_1 = arith.constant 0 : i32
    return %c0_i32, %c0_i32_0 : i32, i32
  }
  func.func @transform_5(%arg0: i32) -> (i32, i32) {
    %c0_i32 = arith.constant 0 : i32
    %c0_i32_0 = arith.constant 0 : i32
    return %arg0, %c0_i32 : i32, i32
  }
}

module attributes {stable_mosaic.version = 14 : i64} {
  func.func @_tc3_body(%arg0: i32, %arg1: memref<2x1256x128xf32, #tpu.memory_space<vmem>>, %arg2: memref<1256x128xf32, #tpu.memory_space<vmem>>, %arg3: memref<1256x128xf32, #tpu.memory_space<vmem>>, %arg4: memref<1x128xf32, #tpu.memory_space<vmem>>, %arg5: memref<8x1256xi32, #tpu.memory_space<vmem>>, %arg6: memref<128x16xf32, #tpu.memory_space<vmem>>, %arg7: memref<16x100xf32, #tpu.memory_space<vmem>>, %arg8: memref<1x100xf32, #tpu.memory_space<vmem>>, %arg9: memref<100x10xf32, #tpu.memory_space<vmem>>, %arg10: memref<1x10xf32, #tpu.memory_space<vmem>>, %arg11: memref<64x10xf32, #tpu.memory_space<vmem>>) attributes {dimension_semantics = [#tpu.dimension_semantics<arbitrary>], iteration_bounds = array<i64: 1>, scalar_prefetch = 0 : i64, scratch_operands = 0 : i64, tpu.core_type = #tpu.core_type<tc>, window_params = [{transform_indices = @transform_0, window_bounds = array<i64: 2, 1256, 128>}, {transform_indices = @transform_1, window_bounds = array<i64: 1256, 128>}, {transform_indices = @transform_2, window_bounds = array<i64: 1256, 128>}, {pipeline_mode = #tpu.pipeline_mode<synchronous>, transform_indices = @transform_3, window_bounds = array<i64: 1, 128>}, {pipeline_mode = #tpu.pipeline_mode<synchronous>, transform_indices = @transform_4, window_bounds = array<i64: 8, 1256>}, {pipeline_mode = #tpu.pipeline_mode<synchronous>, transform_indices = @transform_5, window_bounds = array<i64: 128, 16>}, {pipeline_mode = #tpu.pipeline_mode<synchronous>, transform_indices = @transform_6, window_bounds = array<i64: 16, 100>}, {pipeline_mode = #tpu.pipeline_mode<synchronous>, transform_indices = @transform_7, window_bounds = array<i64: 1, 100>}, {pipeline_mode = #tpu.pipeline_mode<synchronous>, transform_indices = @transform_8, window_bounds = array<i64: 100, 10>}, {pipeline_mode = #tpu.pipeline_mode<synchronous>, transform_indices = @transform_9, window_bounds = array<i64: 1, 10>}, {pipeline_mode = #tpu.pipeline_mode<synchronous>, transform_indices = @transform_10, window_bounds = array<i64: 64, 10>}]} {
    %get3A = arith.constant 0 : index
    %get3A_0 = arith.constant 0 : index
    %get3A_1 = vector.load %arg3[%get3A, %get3A_0] : memref<1256x128xf32, #tpu.memory_space<vmem>>, vector<1256x128xf32>
    %get3A_2 = arith.constant 0 : index
    %get3A_3 = arith.constant 0 : index
    %get3A_4 = arith.constant 0 : index
    %get3A_5 = vector.load %arg1[%get3A_2, %get3A_3, %get3A_4] : memref<2x1256x128xf32, #tpu.memory_space<vmem>>, vector<1x1256x128xf32>
    %get3A_6 = vector.shape_cast %get3A_5 : vector<1x1256x128xf32> to vector<1256x128xf32>
    %get3A_7 = arith.constant 1 : index
    %get3A_8 = arith.constant 0 : index
    %get3A_9 = arith.constant 0 : index
    %get3A_10 = vector.load %arg1[%get3A_7, %get3A_8, %get3A_9] : memref<2x1256x128xf32, #tpu.memory_space<vmem>>, vector<1x1256x128xf32>
    %get3A_11 = vector.shape_cast %get3A_10 : vector<1x1256x128xf32> to vector<1256x128xf32>
    %add3A = arith.addf %get3A_6, %get3A_11 : vector<1256x128xf32>
    %get3A_12 = arith.constant 0 : index
    %get3A_13 = arith.constant 0 : index
    %get3A_14 = vector.load %arg2[%get3A_12, %get3A_13] : memref<1256x128xf32, #tpu.memory_space<vmem>>, vector<1256x128xf32>
    %add3A_15 = arith.addf %add3A, %get3A_14 : vector<1256x128xf32>
    %mul3A = arith.mulf %get3A_1, %add3A_15 : vector<1256x128xf32>
    %get3A_16 = arith.constant 0 : index
    %get3A_17 = arith.constant 0 : index
    %get3A_18 = vector.load %arg4[%get3A_16, %get3A_17] : memref<1x128xf32, #tpu.memory_space<vmem>>, vector<1x128xf32>
    %add3A_19 = vector.broadcast %get3A_18 : vector<1x128xf32> to vector<1256x128xf32>
    %add3A_20 = arith.addf %mul3A, %add3A_19 : vector<1256x128xf32>
    %max3A = arith.constant 0.000000e+00 : f32
    %max3A_21 = vector.broadcast %max3A : f32 to vector<1256x128xf32>
    %max3A_22 = arith.maximumf %add3A_20, %max3A_21 : vector<1256x128xf32>
    %iota3A = tpu.iota {dimensions = array<i32: 1>} : vector<1256x128xi32>
    %iota3A_23 = tpu.iota {dimensions = array<i32: 0>} : vector<1256x128xi32>
    %mul3A_24 = arith.constant 8 : i32
    %mul3A_25 = vector.broadcast %mul3A_24 : i32 to vector<1256x128xi32>
    %mul3A_26 = arith.muli %iota3A_23, %mul3A_25 : vector<1256x128xi32>
    %jit3A = arith.constant 16 : i32
    %div3A = vector.broadcast %jit3A : i32 to vector<1256x128xi32>
    %div3A_27 = arith.divsi %iota3A, %div3A : vector<1256x128xi32>
    %sign3A = arith.constant 0 : i32
    %sign3A_28 = vector.broadcast %sign3A : i32 to vector<1256x128xi32>
    %sign3A_29 = arith.cmpi sgt, %iota3A, %sign3A_28 : vector<1256x128xi32>
    %sign3A_30 = arith.extui %sign3A_29 : vector<1256x128xi1> to vector<1256x128xi32>
    %sign3A_31 = arith.constant 0 : i32
    %sign3A_32 = vector.broadcast %sign3A_31 : i32 to vector<1256x128xi32>
    %sign3A_33 = arith.cmpi slt, %iota3A, %sign3A_32 : vector<1256x128xi32>
    %sign3A_34 = arith.extui %sign3A_33 : vector<1256x128xi1> to vector<1256x128xi32>
    %sign3A_35 = arith.subi %sign3A_30, %sign3A_34 : vector<1256x128xi32>
    %sign3A_36 = arith.constant 0 : i32
    %sign3A_37 = arith.cmpi sgt, %jit3A, %sign3A_36 : i32
    %sign3A_38 = arith.extui %sign3A_37 : i1 to i32
    %sign3A_39 = arith.constant 0 : i32
    %sign3A_40 = arith.cmpi slt, %jit3A, %sign3A_39 : i32
    %sign3A_41 = arith.extui %sign3A_40 : i1 to i32
    %sign3A_42 = arith.subi %sign3A_38, %sign3A_41 : i32
    %ne3A = vector.broadcast %sign3A_42 : i32 to vector<1256x128xi32>
    %ne3A_43 = arith.cmpi ne, %sign3A_35, %ne3A : vector<1256x128xi32>
    %rem3A = vector.broadcast %jit3A : i32 to vector<1256x128xi32>
    %rem3A_44 = arith.remsi %iota3A, %rem3A : vector<1256x128xi32>
    %ne3A_45 = arith.constant 0 : i32
    %ne3A_46 = vector.broadcast %ne3A_45 : i32 to vector<1256x128xi32>
    %ne3A_47 = arith.cmpi ne, %rem3A_44, %ne3A_46 : vector<1256x128xi32>
    %and3A = arith.andi %ne3A_43, %ne3A_47 : vector<1256x128xi1>
    %sub3A = arith.constant 1 : i32
    %sub3A_48 = vector.broadcast %sub3A : i32 to vector<1256x128xi32>
    %sub3A_49 = arith.subi %div3A_27, %sub3A_48 : vector<1256x128xi32>
    %select_n3A = arith.select %and3A, %sub3A_49, %div3A_27 : vector<1256x128xi1>, vector<1256x128xi32>
    %add3A_50 = arith.addi %mul3A_26, %select_n3A : vector<1256x128xi32>
    %lt3A = arith.constant 10000 : i32
    %lt3A_51 = vector.broadcast %lt3A : i32 to vector<1256x128xi32>
    %lt3A_52 = arith.cmpi slt, %add3A_50, %lt3A_51 : vector<1256x128xi32>
    %jit3A_53 = arith.constant 0.000000e+00 : f32
    %broadcast_in_dim3A = vector.broadcast %jit3A_53 : f32 to vector<1256x128xf32>
    %select_n3A_54 = arith.select %lt3A_52, %max3A_22, %broadcast_in_dim3A : vector<1256x128xi1>, vector<1256x128xf32>
    %iota3A_55 = tpu.iota {dimensions = array<i32: 0>} : vector<64x1256xi32>
    %iota3A_56 = tpu.iota {dimensions = array<i32: 1>} : vector<64x128xi32>
    %jit3A_57 = arith.constant 16 : i32
    %div3A_58 = vector.broadcast %jit3A_57 : i32 to vector<64x128xi32>
    %div3A_59 = arith.divsi %iota3A_56, %div3A_58 : vector<64x128xi32>
    %sign3A_60 = arith.constant 0 : i32
    %sign3A_61 = vector.broadcast %sign3A_60 : i32 to vector<64x128xi32>
    %sign3A_62 = arith.cmpi sgt, %iota3A_56, %sign3A_61 : vector<64x128xi32>
    %sign3A_63 = arith.extui %sign3A_62 : vector<64x128xi1> to vector<64x128xi32>
    %sign3A_64 = arith.constant 0 : i32
    %sign3A_65 = vector.broadcast %sign3A_64 : i32 to vector<64x128xi32>
    %sign3A_66 = arith.cmpi slt, %iota3A_56, %sign3A_65 : vector<64x128xi32>
    %sign3A_67 = arith.extui %sign3A_66 : vector<64x128xi1> to vector<64x128xi32>
    %sign3A_68 = arith.subi %sign3A_63, %sign3A_67 : vector<64x128xi32>
    %sign3A_69 = arith.constant 0 : i32
    %sign3A_70 = arith.cmpi sgt, %jit3A_57, %sign3A_69 : i32
    %sign3A_71 = arith.extui %sign3A_70 : i1 to i32
    %sign3A_72 = arith.constant 0 : i32
    %sign3A_73 = arith.cmpi slt, %jit3A_57, %sign3A_72 : i32
    %sign3A_74 = arith.extui %sign3A_73 : i1 to i32
    %sign3A_75 = arith.subi %sign3A_71, %sign3A_74 : i32
    %ne3A_76 = vector.broadcast %sign3A_75 : i32 to vector<64x128xi32>
    %ne3A_77 = arith.cmpi ne, %sign3A_68, %ne3A_76 : vector<64x128xi32>
    %rem3A_78 = vector.broadcast %jit3A_57 : i32 to vector<64x128xi32>
    %rem3A_79 = arith.remsi %iota3A_56, %rem3A_78 : vector<64x128xi32>
    %ne3A_80 = arith.constant 0 : i32
    %ne3A_81 = vector.broadcast %ne3A_80 : i32 to vector<64x128xi32>
    %ne3A_82 = arith.cmpi ne, %rem3A_79, %ne3A_81 : vector<64x128xi32>
    %and3A_83 = arith.andi %ne3A_77, %ne3A_82 : vector<64x128xi1>
    %sub3A_84 = arith.constant 1 : i32
    %sub3A_85 = vector.broadcast %sub3A_84 : i32 to vector<64x128xi32>
    %sub3A_86 = arith.subi %div3A_59, %sub3A_85 : vector<64x128xi32>
    %select_n3A_87 = arith.select %and3A_83, %sub3A_86, %div3A_59 : vector<64x128xi1>, vector<64x128xi32>
    %broadcast_in_dim3A_88 = arith.constant 0.000000e+00 : f32
    %broadcast_in_dim3A_89 = vector.broadcast %broadcast_in_dim3A_88 : f32 to vector<64x128xf32>
    %get3A_90 = arith.constant 0 : index
    %get3A_91 = arith.constant 0 : index
    %get3A_92 = vector.load %arg5[%get3A_90, %get3A_91] : memref<8x1256xi32, #tpu.memory_space<vmem>>, vector<1x1256xi32>
    %get3A_93 = vector.shape_cast %get3A_92 : vector<1x1256xi32> to vector<1256xi32>
    %reshape3A = vector.shape_cast %get3A_93 : vector<1256xi32> to vector<1x1256xi32>
    %eq3A = vector.broadcast %reshape3A : vector<1x1256xi32> to vector<64x1256xi32>
    %eq3A_94 = arith.cmpi eq, %eq3A, %iota3A_55 : vector<64x1256xi32>
    %convert_element_type3A = arith.extui %eq3A_94 : vector<64x1256xi1> to vector<64x1256xi32>
    %convert_element_type3A_95 = arith.sitofp %convert_element_type3A : vector<64x1256xi32> to vector<64x1256xf32>
    %dot_general3A = arith.constant dense<0.000000e+00> : vector<64x128xf32>
    %dot_general3A_96 = tpu.matmul %convert_element_type3A_95, %select_n3A_54, %dot_general3A {dimension_numbers = #tpu.dot_dimension_numbers<[1], [0], [0], [1], [0, 0, 1, 1], [], []>, precision = #tpu.contract_precision<fp32>, transpose_lhs_hint = false} : vector<64x1256xf32>, vector<1256x128xf32>, vector<64x128xf32> -> vector<64x128xf32>
    %eq3A_97 = arith.constant 0 : i32
    %eq3A_98 = vector.broadcast %eq3A_97 : i32 to vector<64x128xi32>
    %eq3A_99 = arith.cmpi eq, %select_n3A_87, %eq3A_98 : vector<64x128xi32>
    %jit3A_100 = arith.constant 0.000000e+00 : f32
    %broadcast_in_dim3A_101 = vector.broadcast %jit3A_100 : f32 to vector<64x128xf32>
    %select_n3A_102 = arith.select %eq3A_99, %dot_general3A_96, %broadcast_in_dim3A_101 : vector<64x128xi1>, vector<64x128xf32>
    %add3A_103 = arith.addf %broadcast_in_dim3A_89, %select_n3A_102 : vector<64x128xf32>
    %get3A_104 = arith.constant 1 : index
    %get3A_105 = arith.constant 0 : index
    %get3A_106 = vector.load %arg5[%get3A_104, %get3A_105] : memref<8x1256xi32, #tpu.memory_space<vmem>>, vector<1x1256xi32>
    %get3A_107 = vector.shape_cast %get3A_106 : vector<1x1256xi32> to vector<1256xi32>
    %reshape3A_108 = vector.shape_cast %get3A_107 : vector<1256xi32> to vector<1x1256xi32>
    %eq3A_109 = vector.broadcast %reshape3A_108 : vector<1x1256xi32> to vector<64x1256xi32>
    %eq3A_110 = arith.cmpi eq, %eq3A_109, %iota3A_55 : vector<64x1256xi32>
    %convert_element_type3A_111 = arith.extui %eq3A_110 : vector<64x1256xi1> to vector<64x1256xi32>
    %convert_element_type3A_112 = arith.sitofp %convert_element_type3A_111 : vector<64x1256xi32> to vector<64x1256xf32>
    %dot_general3A_113 = arith.constant dense<0.000000e+00> : vector<64x128xf32>
    %dot_general3A_114 = tpu.matmul %convert_element_type3A_112, %select_n3A_54, %dot_general3A_113 {dimension_numbers = #tpu.dot_dimension_numbers<[1], [0], [0], [1], [0, 0, 1, 1], [], []>, precision = #tpu.contract_precision<fp32>, transpose_lhs_hint = false} : vector<64x1256xf32>, vector<1256x128xf32>, vector<64x128xf32> -> vector<64x128xf32>
    %eq3A_115 = arith.constant 1 : i32
    %eq3A_116 = vector.broadcast %eq3A_115 : i32 to vector<64x128xi32>
    %eq3A_117 = arith.cmpi eq, %select_n3A_87, %eq3A_116 : vector<64x128xi32>
    %jit3A_118 = arith.constant 0.000000e+00 : f32
    %broadcast_in_dim3A_119 = vector.broadcast %jit3A_118 : f32 to vector<64x128xf32>
    %select_n3A_120 = arith.select %eq3A_117, %dot_general3A_114, %broadcast_in_dim3A_119 : vector<64x128xi1>, vector<64x128xf32>
    %add3A_121 = arith.addf %add3A_103, %select_n3A_120 : vector<64x128xf32>
    %get3A_122 = arith.constant 2 : index
    %get3A_123 = arith.constant 0 : index
    %get3A_124 = vector.load %arg5[%get3A_122, %get3A_123] : memref<8x1256xi32, #tpu.memory_space<vmem>>, vector<1x1256xi32>
    %get3A_125 = vector.shape_cast %get3A_124 : vector<1x1256xi32> to vector<1256xi32>
    %reshape3A_126 = vector.shape_cast %get3A_125 : vector<1256xi32> to vector<1x1256xi32>
    %eq3A_127 = vector.broadcast %reshape3A_126 : vector<1x1256xi32> to vector<64x1256xi32>
    %eq3A_128 = arith.cmpi eq, %eq3A_127, %iota3A_55 : vector<64x1256xi32>
    %convert_element_type3A_129 = arith.extui %eq3A_128 : vector<64x1256xi1> to vector<64x1256xi32>
    %convert_element_type3A_130 = arith.sitofp %convert_element_type3A_129 : vector<64x1256xi32> to vector<64x1256xf32>
    %dot_general3A_131 = arith.constant dense<0.000000e+00> : vector<64x128xf32>
    %dot_general3A_132 = tpu.matmul %convert_element_type3A_130, %select_n3A_54, %dot_general3A_131 {dimension_numbers = #tpu.dot_dimension_numbers<[1], [0], [0], [1], [0, 0, 1, 1], [], []>, precision = #tpu.contract_precision<fp32>, transpose_lhs_hint = false} : vector<64x1256xf32>, vector<1256x128xf32>, vector<64x128xf32> -> vector<64x128xf32>
    %eq3A_133 = arith.constant 2 : i32
    %eq3A_134 = vector.broadcast %eq3A_133 : i32 to vector<64x128xi32>
    %eq3A_135 = arith.cmpi eq, %select_n3A_87, %eq3A_134 : vector<64x128xi32>
    %jit3A_136 = arith.constant 0.000000e+00 : f32
    %broadcast_in_dim3A_137 = vector.broadcast %jit3A_136 : f32 to vector<64x128xf32>
    %select_n3A_138 = arith.select %eq3A_135, %dot_general3A_132, %broadcast_in_dim3A_137 : vector<64x128xi1>, vector<64x128xf32>
    %add3A_139 = arith.addf %add3A_121, %select_n3A_138 : vector<64x128xf32>
    %get3A_140 = arith.constant 3 : index
    %get3A_141 = arith.constant 0 : index
    %get3A_142 = vector.load %arg5[%get3A_140, %get3A_141] : memref<8x1256xi32, #tpu.memory_space<vmem>>, vector<1x1256xi32>
    %get3A_143 = vector.shape_cast %get3A_142 : vector<1x1256xi32> to vector<1256xi32>
    %reshape3A_144 = vector.shape_cast %get3A_143 : vector<1256xi32> to vector<1x1256xi32>
    %eq3A_145 = vector.broadcast %reshape3A_144 : vector<1x1256xi32> to vector<64x1256xi32>
    %eq3A_146 = arith.cmpi eq, %eq3A_145, %iota3A_55 : vector<64x1256xi32>
    %convert_element_type3A_147 = arith.extui %eq3A_146 : vector<64x1256xi1> to vector<64x1256xi32>
    %convert_element_type3A_148 = arith.sitofp %convert_element_type3A_147 : vector<64x1256xi32> to vector<64x1256xf32>
    %dot_general3A_149 = arith.constant dense<0.000000e+00> : vector<64x128xf32>
    %dot_general3A_150 = tpu.matmul %convert_element_type3A_148, %select_n3A_54, %dot_general3A_149 {dimension_numbers = #tpu.dot_dimension_numbers<[1], [0], [0], [1], [0, 0, 1, 1], [], []>, precision = #tpu.contract_precision<fp32>, transpose_lhs_hint = false} : vector<64x1256xf32>, vector<1256x128xf32>, vector<64x128xf32> -> vector<64x128xf32>
    %eq3A_151 = arith.constant 3 : i32
    %eq3A_152 = vector.broadcast %eq3A_151 : i32 to vector<64x128xi32>
    %eq3A_153 = arith.cmpi eq, %select_n3A_87, %eq3A_152 : vector<64x128xi32>
    %jit3A_154 = arith.constant 0.000000e+00 : f32
    %broadcast_in_dim3A_155 = vector.broadcast %jit3A_154 : f32 to vector<64x128xf32>
    %select_n3A_156 = arith.select %eq3A_153, %dot_general3A_150, %broadcast_in_dim3A_155 : vector<64x128xi1>, vector<64x128xf32>
    %add3A_157 = arith.addf %add3A_139, %select_n3A_156 : vector<64x128xf32>
    %get3A_158 = arith.constant 4 : index
    %get3A_159 = arith.constant 0 : index
    %get3A_160 = vector.load %arg5[%get3A_158, %get3A_159] : memref<8x1256xi32, #tpu.memory_space<vmem>>, vector<1x1256xi32>
    %get3A_161 = vector.shape_cast %get3A_160 : vector<1x1256xi32> to vector<1256xi32>
    %reshape3A_162 = vector.shape_cast %get3A_161 : vector<1256xi32> to vector<1x1256xi32>
    %eq3A_163 = vector.broadcast %reshape3A_162 : vector<1x1256xi32> to vector<64x1256xi32>
    %eq3A_164 = arith.cmpi eq, %eq3A_163, %iota3A_55 : vector<64x1256xi32>
    %convert_element_type3A_165 = arith.extui %eq3A_164 : vector<64x1256xi1> to vector<64x1256xi32>
    %convert_element_type3A_166 = arith.sitofp %convert_element_type3A_165 : vector<64x1256xi32> to vector<64x1256xf32>
    %dot_general3A_167 = arith.constant dense<0.000000e+00> : vector<64x128xf32>
    %dot_general3A_168 = tpu.matmul %convert_element_type3A_166, %select_n3A_54, %dot_general3A_167 {dimension_numbers = #tpu.dot_dimension_numbers<[1], [0], [0], [1], [0, 0, 1, 1], [], []>, precision = #tpu.contract_precision<fp32>, transpose_lhs_hint = false} : vector<64x1256xf32>, vector<1256x128xf32>, vector<64x128xf32> -> vector<64x128xf32>
    %eq3A_169 = arith.constant 4 : i32
    %eq3A_170 = vector.broadcast %eq3A_169 : i32 to vector<64x128xi32>
    %eq3A_171 = arith.cmpi eq, %select_n3A_87, %eq3A_170 : vector<64x128xi32>
    %jit3A_172 = arith.constant 0.000000e+00 : f32
    %broadcast_in_dim3A_173 = vector.broadcast %jit3A_172 : f32 to vector<64x128xf32>
    %select_n3A_174 = arith.select %eq3A_171, %dot_general3A_168, %broadcast_in_dim3A_173 : vector<64x128xi1>, vector<64x128xf32>
    %add3A_175 = arith.addf %add3A_157, %select_n3A_174 : vector<64x128xf32>
    %get3A_176 = arith.constant 5 : index
    %get3A_177 = arith.constant 0 : index
    %get3A_178 = vector.load %arg5[%get3A_176, %get3A_177] : memref<8x1256xi32, #tpu.memory_space<vmem>>, vector<1x1256xi32>
    %get3A_179 = vector.shape_cast %get3A_178 : vector<1x1256xi32> to vector<1256xi32>
    %reshape3A_180 = vector.shape_cast %get3A_179 : vector<1256xi32> to vector<1x1256xi32>
    %eq3A_181 = vector.broadcast %reshape3A_180 : vector<1x1256xi32> to vector<64x1256xi32>
    %eq3A_182 = arith.cmpi eq, %eq3A_181, %iota3A_55 : vector<64x1256xi32>
    %convert_element_type3A_183 = arith.extui %eq3A_182 : vector<64x1256xi1> to vector<64x1256xi32>
    %convert_element_type3A_184 = arith.sitofp %convert_element_type3A_183 : vector<64x1256xi32> to vector<64x1256xf32>
    %dot_general3A_185 = arith.constant dense<0.000000e+00> : vector<64x128xf32>
    %dot_general3A_186 = tpu.matmul %convert_element_type3A_184, %select_n3A_54, %dot_general3A_185 {dimension_numbers = #tpu.dot_dimension_numbers<[1], [0], [0], [1], [0, 0, 1, 1], [], []>, precision = #tpu.contract_precision<fp32>, transpose_lhs_hint = false} : vector<64x1256xf32>, vector<1256x128xf32>, vector<64x128xf32> -> vector<64x128xf32>
    %eq3A_187 = arith.constant 5 : i32
    %eq3A_188 = vector.broadcast %eq3A_187 : i32 to vector<64x128xi32>
    %eq3A_189 = arith.cmpi eq, %select_n3A_87, %eq3A_188 : vector<64x128xi32>
    %jit3A_190 = arith.constant 0.000000e+00 : f32
    %broadcast_in_dim3A_191 = vector.broadcast %jit3A_190 : f32 to vector<64x128xf32>
    %select_n3A_192 = arith.select %eq3A_189, %dot_general3A_186, %broadcast_in_dim3A_191 : vector<64x128xi1>, vector<64x128xf32>
    %add3A_193 = arith.addf %add3A_175, %select_n3A_192 : vector<64x128xf32>
    %get3A_194 = arith.constant 6 : index
    %get3A_195 = arith.constant 0 : index
    %get3A_196 = vector.load %arg5[%get3A_194, %get3A_195] : memref<8x1256xi32, #tpu.memory_space<vmem>>, vector<1x1256xi32>
    %get3A_197 = vector.shape_cast %get3A_196 : vector<1x1256xi32> to vector<1256xi32>
    %reshape3A_198 = vector.shape_cast %get3A_197 : vector<1256xi32> to vector<1x1256xi32>
    %eq3A_199 = vector.broadcast %reshape3A_198 : vector<1x1256xi32> to vector<64x1256xi32>
    %eq3A_200 = arith.cmpi eq, %eq3A_199, %iota3A_55 : vector<64x1256xi32>
    %convert_element_type3A_201 = arith.extui %eq3A_200 : vector<64x1256xi1> to vector<64x1256xi32>
    %convert_element_type3A_202 = arith.sitofp %convert_element_type3A_201 : vector<64x1256xi32> to vector<64x1256xf32>
    %dot_general3A_203 = arith.constant dense<0.000000e+00> : vector<64x128xf32>
    %dot_general3A_204 = tpu.matmul %convert_element_type3A_202, %select_n3A_54, %dot_general3A_203 {dimension_numbers = #tpu.dot_dimension_numbers<[1], [0], [0], [1], [0, 0, 1, 1], [], []>, precision = #tpu.contract_precision<fp32>, transpose_lhs_hint = false} : vector<64x1256xf32>, vector<1256x128xf32>, vector<64x128xf32> -> vector<64x128xf32>
    %eq3A_205 = arith.constant 6 : i32
    %eq3A_206 = vector.broadcast %eq3A_205 : i32 to vector<64x128xi32>
    %eq3A_207 = arith.cmpi eq, %select_n3A_87, %eq3A_206 : vector<64x128xi32>
    %jit3A_208 = arith.constant 0.000000e+00 : f32
    %broadcast_in_dim3A_209 = vector.broadcast %jit3A_208 : f32 to vector<64x128xf32>
    %select_n3A_210 = arith.select %eq3A_207, %dot_general3A_204, %broadcast_in_dim3A_209 : vector<64x128xi1>, vector<64x128xf32>
    %add3A_211 = arith.addf %add3A_193, %select_n3A_210 : vector<64x128xf32>
    %get3A_212 = arith.constant 7 : index
    %get3A_213 = arith.constant 0 : index
    %get3A_214 = vector.load %arg5[%get3A_212, %get3A_213] : memref<8x1256xi32, #tpu.memory_space<vmem>>, vector<1x1256xi32>
    %get3A_215 = vector.shape_cast %get3A_214 : vector<1x1256xi32> to vector<1256xi32>
    %reshape3A_216 = vector.shape_cast %get3A_215 : vector<1256xi32> to vector<1x1256xi32>
    %eq3A_217 = vector.broadcast %reshape3A_216 : vector<1x1256xi32> to vector<64x1256xi32>
    %eq3A_218 = arith.cmpi eq, %eq3A_217, %iota3A_55 : vector<64x1256xi32>
    %convert_element_type3A_219 = arith.extui %eq3A_218 : vector<64x1256xi1> to vector<64x1256xi32>
    %convert_element_type3A_220 = arith.sitofp %convert_element_type3A_219 : vector<64x1256xi32> to vector<64x1256xf32>
    %dot_general3A_221 = arith.constant dense<0.000000e+00> : vector<64x128xf32>
    %dot_general3A_222 = tpu.matmul %convert_element_type3A_220, %select_n3A_54, %dot_general3A_221 {dimension_numbers = #tpu.dot_dimension_numbers<[1], [0], [0], [1], [0, 0, 1, 1], [], []>, precision = #tpu.contract_precision<fp32>, transpose_lhs_hint = false} : vector<64x1256xf32>, vector<1256x128xf32>, vector<64x128xf32> -> vector<64x128xf32>
    %eq3A_223 = arith.constant 7 : i32
    %eq3A_224 = vector.broadcast %eq3A_223 : i32 to vector<64x128xi32>
    %eq3A_225 = arith.cmpi eq, %select_n3A_87, %eq3A_224 : vector<64x128xi32>
    %jit3A_226 = arith.constant 0.000000e+00 : f32
    %broadcast_in_dim3A_227 = vector.broadcast %jit3A_226 : f32 to vector<64x128xf32>
    %select_n3A_228 = arith.select %eq3A_225, %dot_general3A_222, %broadcast_in_dim3A_227 : vector<64x128xi1>, vector<64x128xf32>
    %add3A_229 = arith.addf %add3A_211, %select_n3A_228 : vector<64x128xf32>
    %get3A_230 = arith.constant 0 : index
    %get3A_231 = arith.constant 0 : index
    %get3A_232 = vector.load %arg6[%get3A_230, %get3A_231] : memref<128x16xf32, #tpu.memory_space<vmem>>, vector<128x16xf32>
    %dot_general3A_233 = arith.constant dense<0.000000e+00> : vector<64x16xf32>
    %dot_general3A_234 = tpu.matmul %add3A_229, %get3A_232, %dot_general3A_233 {dimension_numbers = #tpu.dot_dimension_numbers<[1], [0], [0], [1], [0, 0, 1, 1], [], []>, precision = #tpu.contract_precision<fp32>, transpose_lhs_hint = false} : vector<64x128xf32>, vector<128x16xf32>, vector<64x16xf32> -> vector<64x16xf32>
    %max3A_235 = arith.constant 0.000000e+00 : f32
    %max3A_236 = vector.broadcast %max3A_235 : f32 to vector<64x16xf32>
    %max3A_237 = arith.maximumf %dot_general3A_234, %max3A_236 : vector<64x16xf32>
    %get3A_238 = arith.constant 0 : index
    %get3A_239 = arith.constant 0 : index
    %get3A_240 = vector.load %arg7[%get3A_238, %get3A_239] : memref<16x100xf32, #tpu.memory_space<vmem>>, vector<16x100xf32>
    %dot_general3A_241 = arith.constant dense<0.000000e+00> : vector<64x100xf32>
    %dot_general3A_242 = tpu.matmul %max3A_237, %get3A_240, %dot_general3A_241 {dimension_numbers = #tpu.dot_dimension_numbers<[1], [0], [0], [1], [0, 0, 1, 1], [], []>, precision = #tpu.contract_precision<fp32>, transpose_lhs_hint = false} : vector<64x16xf32>, vector<16x100xf32>, vector<64x100xf32> -> vector<64x100xf32>
    %get3A_243 = arith.constant 0 : index
    %get3A_244 = arith.constant 0 : index
    %get3A_245 = vector.load %arg8[%get3A_243, %get3A_244] : memref<1x100xf32, #tpu.memory_space<vmem>>, vector<1x100xf32>
    %add3A_246 = vector.broadcast %get3A_245 : vector<1x100xf32> to vector<64x100xf32>
    %add3A_247 = arith.addf %dot_general3A_242, %add3A_246 : vector<64x100xf32>
    %max3A_248 = arith.constant 0.000000e+00 : f32
    %max3A_249 = vector.broadcast %max3A_248 : f32 to vector<64x100xf32>
    %max3A_250 = arith.maximumf %add3A_247, %max3A_249 : vector<64x100xf32>
    %get3A_251 = arith.constant 0 : index
    %get3A_252 = arith.constant 0 : index
    %get3A_253 = vector.load %arg9[%get3A_251, %get3A_252] : memref<100x10xf32, #tpu.memory_space<vmem>>, vector<100x10xf32>
    %dot_general3A_254 = arith.constant dense<0.000000e+00> : vector<64x10xf32>
    %dot_general3A_255 = tpu.matmul %max3A_250, %get3A_253, %dot_general3A_254 {dimension_numbers = #tpu.dot_dimension_numbers<[1], [0], [0], [1], [0, 0, 1, 1], [], []>, precision = #tpu.contract_precision<fp32>, transpose_lhs_hint = false} : vector<64x100xf32>, vector<100x10xf32>, vector<64x10xf32> -> vector<64x10xf32>
    %get3A_256 = arith.constant 0 : index
    %get3A_257 = arith.constant 0 : index
    %get3A_258 = vector.load %arg10[%get3A_256, %get3A_257] : memref<1x10xf32, #tpu.memory_space<vmem>>, vector<1x10xf32>
    %add3A_259 = vector.broadcast %get3A_258 : vector<1x10xf32> to vector<64x10xf32>
    %add3A_260 = arith.addf %dot_general3A_255, %add3A_259 : vector<64x10xf32>
    %swap3A = arith.constant 0 : index
    %swap3A_261 = arith.constant 0 : index
    %swap3A_262 = vector.load %arg11[%swap3A, %swap3A_261] : memref<64x10xf32, #tpu.memory_space<vmem>>, vector<64x10xf32>
    tpu.vector_store %arg11[%swap3A, %swap3A_261], %add3A_260 {strides = array<i32>} : memref<64x10xf32, #tpu.memory_space<vmem>>, vector<64x10xf32>,
    return
  }
  func.func @transform_0(%arg0: i32) -> (i32, i32, i32) {
    %c0_i32 = arith.constant 0 : i32
    %c0_i32_0 = arith.constant 0 : i32
    %c0_i32_1 = arith.constant 0 : i32
    return %c0_i32, %arg0, %c0_i32_0 : i32, i32, i32
  }
  func.func @transform_1(%arg0: i32) -> (i32, i32) {
    %c0_i32 = arith.constant 0 : i32
    %c0_i32_0 = arith.constant 0 : i32
    return %arg0, %c0_i32 : i32, i32
  }
  func.func @transform_2(%arg0: i32) -> (i32, i32) {
    %c0_i32 = arith.constant 0 : i32
    %c0_i32_0 = arith.constant 0 : i32
    return %arg0, %c0_i32 : i32, i32
  }
  func.func @transform_3(%arg0: i32) -> (i32, i32) {
    %c0_i32 = arith.constant 0 : i32
    %c0_i32_0 = arith.constant 0 : i32
    %c0_i32_1 = arith.constant 0 : i32
    return %c0_i32, %c0_i32_0 : i32, i32
  }
  func.func @transform_4(%arg0: i32) -> (i32, i32) {
    %c0_i32 = arith.constant 0 : i32
    %c0_i32_0 = arith.constant 0 : i32
    %c0_i32_1 = arith.constant 0 : i32
    return %c0_i32, %c0_i32_0 : i32, i32
  }
  func.func @transform_5(%arg0: i32) -> (i32, i32) {
    %c0_i32 = arith.constant 0 : i32
    %c0_i32_0 = arith.constant 0 : i32
    %c0_i32_1 = arith.constant 0 : i32
    return %c0_i32, %c0_i32_0 : i32, i32
  }
  func.func @transform_6(%arg0: i32) -> (i32, i32) {
    %c0_i32 = arith.constant 0 : i32
    %c0_i32_0 = arith.constant 0 : i32
    %c0_i32_1 = arith.constant 0 : i32
    return %c0_i32, %c0_i32_0 : i32, i32
  }
  func.func @transform_7(%arg0: i32) -> (i32, i32) {
    %c0_i32 = arith.constant 0 : i32
    %c0_i32_0 = arith.constant 0 : i32
    %c0_i32_1 = arith.constant 0 : i32
    return %c0_i32, %c0_i32_0 : i32, i32
  }
  func.func @transform_8(%arg0: i32) -> (i32, i32) {
    %c0_i32 = arith.constant 0 : i32
    %c0_i32_0 = arith.constant 0 : i32
    %c0_i32_1 = arith.constant 0 : i32
    return %c0_i32, %c0_i32_0 : i32, i32
  }
  func.func @transform_9(%arg0: i32) -> (i32, i32) {
    %c0_i32 = arith.constant 0 : i32
    %c0_i32_0 = arith.constant 0 : i32
    %c0_i32_1 = arith.constant 0 : i32
    return %c0_i32, %c0_i32_0 : i32, i32
  }
  func.func @transform_10(%arg0: i32) -> (i32, i32) {
    %c0_i32 = arith.constant 0 : i32
    %c0_i32_0 = arith.constant 0 : i32
    %c0_i32_1 = arith.constant 0 : i32
    return %c0_i32, %c0_i32_0 : i32, i32
  }
}

</mosaic_0001>

<sc_bundles>
// kernel: kernel.12.cloned.1.call-start
scs
__scs_entry_jumppad:
0x0: {  	(pc) =	sbr.rel $0x88, $3  }
0x1: {  	(tag) =	ssettag $0x0;
	lr =	simm.s32 $0x1  }
0x2: {  	[smem:$0x3F96] =	sst lr;
	_ =	strace $0xD0000000  }
0x3: {  	_ = 	snop  }
0x4: {  	_ = 	snop  }
0x5: {  	_ = 	snop  }
0x6: {  	_ = 	snop  }
0x7: {  	_ = 	snop  }
__scs_overlays_trampoline_lowered:
0x8: {  	[smem:$0x3FA5] =	sst s0  }
0x9: {  	[smem:$0x3FA6] =	sst s1  }
0xa: {  	[smem:$0x3FA7] =	sst s2  }
0xb: {  	[smem:$0x3FA8] =	sst s3  }
0xc: {  	[smem:$0x3FA9] =	sst s4  }
0xd: {  	[smem:$0x3FAA] =	sst s5  }
0xe: {  	[smem:$0x3FAB] =	sst s6  }
0xf: {  	[smem:$0x3FAC] =	sst s7  }
0x10: {  	[smem:$0x3FAD] =	sst s8  }
0x11: {  	[smem:$0x3FAE] =	sst s9;
	s0 =	simm.s32 @!p0 $0x0  }
0x12: {  	s1 =	sld [smem:$0x3F94];
	s0 =	simm.s32 @p0 $0x1  }
0x13: {  	[smem:$0x3FAF] =	sst s0;
	s0 =	simm.s32 @!p1 $0x0  }
0x14: {  	s2 =	sld [smem:$0x3F93];
	s0 =	simm.s32 @p1 $0x1  }
0x15: {  	[smem:$0x3FB0] =	sst s0;
	s0 =	simm.s32 @!p2 $0x0  }
0x16: {  	s3 =	sld [smem:$0x3FDB];
	s0 =	simm.s32 @p2 $0x1  }
0x17: {  	s4 =	simm.s32 $0x1BF5;
	[smem:$0x3FB2] =	sst s0  }
0x18: {  	s0 =	sld [smem:$0x3F95];
	_ =	swait.ge [sflag:s4], $0x0  }
0x19: {  	s7 =	sld [smem:$0x3F96]  }
0x1a: {  	s8 =	sadd.s32 $0xFFFFE003, lr  }
0x1b: {  	s9 =	sadd.s32 $0xFFFFFEF7, lr;
	s5 =	simm.s32 $0xFFFFFFFF;
	p2 =	slt.u32 s8, $0xFFFFF086  }
0x1c: {  	p1 =	slt.u32 s9, $0xF7A;
	s5 =	simm.s32 @!p2 $0x0  }
0x1d: {  	s5 =	simm.s32 @p1 $0x1;
	p0 =	seq.s32 s7, s2  }
0x1e: {  	s7 =	smul.u32 @!p0 $0xF7A, s2;
	p2 =	seq.s32 @!p0 s5, $0x0  }
0x1f: {  	s9 =	smul.u32 $0xF7A, s1;
	s8 =	simm.s32 @!p0 $0x1BF5;
	p2 =	por !p2, p0  }
0x20: {  	[sflag:s8] =	ssyncset.s32 @!p0 $0xFFFFF086;
	s6 =	sadd.s32 @!p0 s3, s7;
	s7 =	simm.s32 @!p0 $0x108  }
0x21: {  	s3 =	sadd.s32 s3, s9;
	s6 =	sadd.s32 @!p0 $0x88, s6;
	s7 =	simm.s32 @p2 $0x1082  }
0x22: {  	[simem:s7], [sflag:s8] =	dma.local @!p0 [hbm:s6], $0xF7A  }
0x23: {  	s9 =	sor.u32 $0xD0000000, s2;
	s6 =	simm.s32 $0x108;
	_ =	swait.ge @!p0 [sflag:s8], $0x0  }
0x24: {  	s3 =	sadd.s32 $0x88, s3;
	s6 =	simm.s32 @!p1 $0x1082;
	[sflag:s4] =	ssyncset.s32 $0xFFFFF086  }
0x25: {  	[simem:s6], [sflag:s4] =	dma.local [hbm:s3], $0xF7A  }
0x26: {  	[smem:$0x3F96] =	sst s1;
	(tag) =	ssettag s2;
	_ =	strace s9  }
0x27: {  	s1 =	sld [smem:$0x3FA6]  }
0x28: {  	s2 =	sld [smem:$0x3FA7]  }
0x29: {  	s4 =	sld [smem:$0x3FA9]  }
0x2a: {  	p0 =	seq.s32 s5, $0x0;
	s5 =	sld [smem:$0x3FAA]  }
0x2b: {  	s6 =	sld [smem:$0x3FAB]  }
0x2c: {  	s7 =	sld [smem:$0x3FAC]  }
0x2d: {  	s3 =	simm.s32 $0x108;
	s8 =	sld [smem:$0x3FAD]  }
0x2e: {  	s3 =	simm.s32 @!p0 $0x1082;
	s9 =	sld [smem:$0x3FAE]  }
0x2f: {  	lr =	sadd.s32 s0, s3;
	s0 =	sld [smem:$0x3FA5]  }
0x30: {  	s3 =	sld [smem:$0x3FA8]  }
0x31: {  	[smem:$0x3FB1] =	sst s10  }
0x32: {  	s10 =	sld [smem:$0x3FAF];
	_ =	sdelay $0x3  }
0x33: {  	p0 =	seq.s32 s10, $0x1;
	s10 =	sld [smem:$0x3FB1];
	_ =	sdelay $0x3  }
0x34: {  	[smem:$0x3FB1] =	sst s10  }
0x35: {  	s10 =	sld [smem:$0x3FB0];
	_ =	sdelay $0x3  }
0x36: {  	p1 =	seq.s32 s10, $0x1;
	s10 =	sld [smem:$0x3FB1];
	_ =	sdelay $0x3  }
0x37: {  	[smem:$0x3FB1] =	sst s10  }
0x38: {  	s10 =	sld [smem:$0x3FB2]  }
0x39: {  	_ = 	snop;
	(pc) =	sbr.ind lr, $3  }
0x3a: {  	_ = 	snop  }
0x3b: {  	_ = 	snop  }
0x3c: {  	p2 =	seq.s32 s10, $0x1;
	s10 =	sld [smem:$0x3FB1]  }
0x3d: {  	_ =	shalt  }
0x3e: {  	_ =	shalt  }
0x3f: {  	_ =	shalt  }
0x40: {  	_ =	shalt  }
0x41: {  	_ =	shalt  }
0x42: {  	_ =	shalt  }
0x43: {  	_ =	shalt  }
0x44: {  	_ =	shalt  }
0x45: {  	_ =	shalt  }
0x46: {  	_ =	shalt  }
0x47: {  	_ =	shalt  }
0x48: {  	_ =	shalt  }
0x49: {  	_ =	shalt  }
0x4a: {  	_ =	shalt  }
0x4b: {  	_ =	shalt  }
0x4c: {  	_ =	shalt  }
0x4d: {  	_ =	shalt  }
0x4e: {  	_ =	shalt  }
0x4f: {  	_ =	shalt  }
0x50: {  	_ =	shalt  }
0x51: {  	_ =	shalt  }
0x52: {  	_ =	shalt  }
0x53: {  	_ =	shalt  }
0x54: {  	_ =	shalt  }
0x55: {  	_ =	shalt  }
0x56: {  	_ =	shalt  }
0x57: {  	_ =	shalt  }
0x58: {  	_ =	shalt  }
0x59: {  	_ =	shalt  }
0x5a: {  	_ =	shalt  }
0x5b: {  	_ =	shalt  }
0x5c: {  	_ =	shalt  }
0x5d: {  	_ =	shalt  }
0x5e: {  	_ =	shalt  }
0x5f: {  	_ =	shalt  }
0x60: {  	_ =	shalt  }
0x61: {  	_ =	shalt  }
0x62: {  	_ =	shalt  }
0x63: {  	_ =	shalt  }
0x64: {  	_ =	shalt  }
0x65: {  	_ =	shalt  }
0x66: {  	_ =	shalt  }
0x67: {  	_ =	shalt  }
0x68: {  	_ =	shalt  }
0x69: {  	_ =	shalt  }
0x6a: {  	_ =	shalt  }
0x6b: {  	_ =	shalt  }
0x6c: {  	_ =	shalt  }
0x6d: {  	_ =	shalt  }
0x6e: {  	_ =	shalt  }
0x6f: {  	_ =	shalt  }
0x70: {  	_ =	shalt  }
0x71: {  	_ =	shalt  }
0x72: {  	_ =	shalt  }
0x73: {  	_ =	shalt  }
0x74: {  	_ =	shalt  }
0x75: {  	_ =	shalt  }
0x76: {  	_ =	shalt  }
0x77: {  	_ =	shalt  }
0x78: {  	_ =	shalt  }
0x79: {  	_ =	shalt  }
0x7a: {  	_ =	shalt  }
0x7b: {  	_ =	shalt  }
0x7c: {  	_ =	shalt  }
0x7d: {  	_ =	shalt  }
0x7e: {  	_ =	shalt  }
0x7f: {  	_ =	shalt  }
0x80: {  	_ =	shalt  }
0x81: {  	_ =	shalt  }
0x82: {  	_ =	shalt  }
0x83: {  	_ =	shalt  }
0x84: {  	_ =	shalt  }
0x85: {  	_ =	shalt  }
0x86: {  	_ =	shalt  }
0x87: {  	_ =	shalt  }
.Lfunc_end0:
.L_simem_size_0:
called_computation.1_lowered:
.L_overlay_start_0:
0x88: {  	s2 =	sld [smem:$0x3FD9]  }
0x89: {  	s3 =	sld [smem:$0x3FFE];
	_ =	sdelay $0x1  }
0x8a: {  	s1 =	srdreg.scid  }
0x8b: {  	s0 =	sand.u32 $0x1, s1  }
0x8c: {  	s16 =	sshll.u32 s0, $0xA;
	s2 =	sadd.s32 s3, s2  }
0x8d: {  	s2 =	sadd.s32 s2, s16  }
0x8e: {  	[smem:$0x3FBD] =	sst s2  }
0x8f: {  	_ = 	snop  }
0x90: {  	(tm) =	ssettm $0x1  }
0x91: {  	s17 =	sld [smem:$0x3FFB];
	_ =	sdelay $0x3  }
0x92: {  	_ =	strace s17  }
0x93: {  	s2 =	sld [smem:$0x3FFC];
	_ =	sdelay $0x3  }
0x94: {  	_ =	strace s2  }
0x95: {  	s2 =	sld [smem:$0x3FFD];
	_ =	sdelay $0x3  }
0x96: {  	_ =	strace s2  }
0x97: {  	_ =	strace $0x8FFFFFFF  }
0x98: {  	s18 =	sld [smem:$0x3FDB];
	_ =	sdelay $0x1  }
0x99: {  	s19 =	simm.s32 $_scs_section_size  }
0x9a: {  	s4 =	simm.s32 $_size__tile_overlayer_lowered;
	s5 =	simm.s32 $_tile_overlayer_lowered  }
0x9b: {  	s22 =	simm.s32 $0x1BFF;
	s21 =	sshll.u32 s5, $0x1;
	s2 =	sadd.s32 s19, s18  }
0x9c: {  	s6 =	simm.s32 $0x0;
	s20 =	sshll.u32 s4, $0x1;
	s4 =	sadd.s32 s21, s2  }
0x9d: {  	[timem:s6], [sflag:s22] =	dma.local [hbm:s4], s20  }
0x9e: {  	_ =	swait.ge [sflag:s22], s20  }
0x9f: {  	s3 =	ssub.s32 $0x0, s20;
	[sflag:s22] =	ssyncset.done $0x0  }
0xa0: {  	[sflag:s22] =	ssyncadd.s32 s3;
	_ =	sdelay $0x1  }
0xa1: {  	s23 =	simm.s32 $0x1B8B  }
0xa2: {  	_ =	swait.ge [sflag:s23], $0x1  }
0xa3: {  	[sflag:s23] =	ssyncset.done $0x0  }
0xa4: {  	s25 =	simm.s32 $0x1B8E;
	s24 =	sld [smem:$0x3FFE];
	[sflag:s23] =	ssyncadd.s32 $0xFFFFFFFF  }
0xa5: {  	s26 =	simm.s32 $execute0_lowered;
	[smem:$0x3FD2] =	sst s25  }
0xa6: {  	s4 =	sshll.u32 s26, $0x1;
	_ =	strace $0x80000049;
	[dreg:$0x1] =	wrdreg $0xFFFFFFFF  }
0xa7: {  	s28 =	simm.s32 $_size_execute0_lowered;
	s2 =	sadd.s32 s2, s4;
	[dreg:$0x0] =	wrdreg $0x0  }
0xa8: {  	s4 =	sshll.u32 s28, $0x1;
	[dreg:$0x2] =	wrdreg s2  }
0xa9: {  	[dreg:$0x3] =	wrdreg s4  }
0xaa: {  	[dreg:$0x4] =	wrdreg $0xC0  }
0xab: {  	_ =	task [dreg:s6], $0x5FFFF  }
0xac: {  	[dreg:$0x1] =	wrdreg $0xFFFFFFFF  }
0xad: {  	[dreg:$0x0] =	wrdreg $0x60  }
0xae: {  	[dreg:$0x2] =	wrdreg s24  }
0xaf: {  	[dreg:$0x3] =	wrdreg $0x137400  }
0xb0: {  	[dreg:$0x4] =	wrdreg $0x9  }
0xb1: {  	_ =	task.clear_ibuf [dreg:s6], $0x5FFFF;
	_ =	strace $0x90000049  }
0xb2: {  	s29 =	simm.s32 $0x9;
	_ =	strace $0x8000004B  }
0xb3: {  	_ =	swait.ge [sflag:s29], $0x1  }
0xb4: {  	[sflag:s29] =	ssyncadd.s32 $0xFFFFFFFF  }
0xb5: {  	_ =	strace $0x9000004B  }
0xb6: {  	_ =	sfence  }
0xb7: {  	s30 =	sld [smem:$0x0];
	_ =	sdelay $0x2  }
0xb8: {  	s31 =	sshll.u32 s1, $0xD;
	s1 =	sshrl.u32 s1, $0x2  }
0xb9: {  	s3 =	sand.u32 $0x4000, s31;
	s1 =	sadd.s32 s1, s30  }
0xba: {  	s0 =	sor.u32 s3, s0;
	s1 =	sshll.u32 s1, $0x11  }
0xbb: {  	s0 =	sor.u32 s1, s0  }
0xbc: {  	s0 =	sadd.s32 $0x8F2B, s0  }
0xbd: {  	[sflag:s0] =	ssyncadd.remote.s32 $0x1  }
0xbe: {  	_ =	sfence.sel $0xFFFF  }
0xbf: {  	[dreg:$0x0] =	wrdreg $0xFFFFFFFF;
	(pc) =	sbr.abs _section_cstart, $3  }
0xc0: {  	[dreg:$0x1] =	wrdreg $0xFFFFFFFF  }
0xc1: {  	_ =	task.clear_ibuf [dreg:s6], $0x2FFFF;
	_ =	strace $0x9FFFFFFF  }
0xc2: {  	(tm) =	ssettm $0x7FFFFFFF  }
0xc3: {  	_ =	shalt  }
tec
execute0_lowered:
.L_overlay_start_1:
0x0: {  	(tag) =	ssettag $0x1  }
0x1: {  	s0 =	srdreg.scid  }
0x2: {  	s15 =	stileid.u32;
	s1 =	rddreg [dreg:$0x0]  }
0x3: {  	s2 =	rddreg [dreg:$0x1];
	s6 =	smul.u32 $0x2740, s15  }
0x4: {  	s28 =	simm.s32 $0x3;
	s0 =	sand.u32 $0x1, s0;
	s18 =	smul.u32 $0x4E, s15  }
0x5: {  	s29 =	simm.s32 $0x100;
	s3 =	sshll.u32 s15, $0x1;
	s7 =	smul.u32 $0x27400, s0  }
0x6: {  	p0 =	seq.s32 s15, $0x0;
	s4 =	sor.u32 s0, s3;
	s19 =	smul.u32 $0x27, s0  }
0x7: {  	s3 =	simm.s32 $0x0;
	s11 =	ssub.s32 $0x2, s0;
	s0 =	smul.u32 $0x9C00, s0  }
0x8: {  	s5 =	smul.u32 $0x27, s4;
	s8 =	smin.u32 s4, $0x2;
	[smem:$0x7FF] =	sst s3  }
0x9: {  	s4 =	sadd.s32 $0x17000, s1;
	s12 =	sshrl.u32 s11, $0x1;
	_ =	strace $0x8000004A  }
0xa: {  	s7 =	sadd.s32 s6, s7;
	s21 =	ssub.s32 s11, s12;
	s5 =	sadd.s32 s8, s5  }
0xb: {  	s6 =	sadd.s32 s6, s2;
	s7 =	sshrl.u32 s7, $0x3;
	s9 =	smin.u32 s5, $0x4BA  }
0xc: {  	s21 =	smax.u32 s21, $0x1;
	s10 =	sshll.u32 s9, $0x5;
	s20 =	ssub.s32 s5, s9  }
0xd: {  	s5 =	simm.s32 $0x28;
	s10 =	sadd.s32 s10, s1;
	s1 =	sadd.s32 s7, s1  }
0xe: {  	s7 =	sshll.u32 s20, $0xA;
	s5 =	simm.s32 @!p0 $0x27;
	s22 =	sadd.s32 $0x3600, s10  }
0xf: {  	s7 =	sshra.s32 s7, $0x2;
	s23 =	sadd.s32 $0xD240, s10;
	[dreg:$0x3] =	wrdreg s22  }
0x10: {  	s20 =	smul.u32 $0x13800, s15;
	[dreg:$0x4] =	wrdreg s23;
	s10 =	sadd.s32 $0x100, s7  }
0x11: {  	s11 =	sadd.s32 $0x200, s7;
	s12 =	sadd.s32 $0x300, s7;
	s13 =	sadd.s32 $0x400, s7  }
0x12: {  	s14 =	sadd.s32 $0x500, s7;
	s15 =	sadd.s32 $0x600, s7;
	s16 =	sadd.s32 $0x700, s7  }
0x13: {  	s17 =	sadd.s32 $0x800, s7;
	s22 =	sadd.s32 s18, s8;
	s18 =	sadd.s32 $0x900, s7  }
0x14: {  	s0 =	sadd.s32 s0, s20;
	s8 =	sshll.u32 s8, $0xA;
	s22 =	sadd.s32 s19, s22  }
0x15: {  	s20 =	sadd.s32 $0x1C000, s1;
	s19 =	sadd.s32 $0xFFFFFFF4, s5;
	s24 =	smin.u32 s22, $0x4BA  }
0x16: {  	s0 =	sadd.s32 s8, s0;
	s25 =	sshll.u32 s24, $0xA;
	s22 =	ssub.s32 s22, s24  }
0x17: {  	s24 =	simm.s32 $0x2;
	s0 =	ssub.s32 s0, s25;
	s26 =	sshll.u32 s22, $0xA  }
0x18: {  	s25 =	simm.s32 $0x4;
	s0 =	sadd.s32 $0x2800, s0;
	s30 =	sshra.s32 s26, $0x2  }
0x19: {  	v0 =	vimm.f32 $0.0e+00;
	s1 =	sshra.s32 s0, $0x2;
	s31 =	sadd.s32 $0x2800, s30;
	s0 =	simm.s32 $0x1  }
.LBB2_1:
0x1a: {  	s8 =	simm.s32 $0x40;
	s22 =	simm.s32 $0x0  }
.LBB2_2:
0x1b: {  	p0 =	sne.s32 s8, $0x9CC0;
	[tilespmem:s22+$0x11000] =	vst v0;
	s22 =	smov.u32 s8;
	s8 =	sadd.s32 $0x40, s8  }
.Ltmp0:
0x1c: {  	(pc) =	sbr.rel @p0 .LBB2_2-.Ltmp0, $2  }
0x1d: {  	_ =	sdelay $0x2  }
0x1e: {  	s22 =	sshra.s32 s22, $0x2  }
0x1f: {  	[tilespmem:s22+$0x11000] =	vst v0;
	s8 =	simm.s32 $0x11000  }
0x20: {  	[spmem:s6] =	stream.linear.scatter [tilespmem:s8], [sflag:$0x4], $0x2740, $0x38;
	[tilespmem:$0x15E80] =	vst v63  }
0x21: {  	_ =	swait.ge [sflag:s25], $0x2740  }
0x22: {  	[sflag:s25] =	ssyncset.done $0x0  }
0x23: {  	s26 =	simm.s32 $0x0;
	s22 =	rddreg [dreg:$0x3];
	[sflag:s25] =	ssyncadd.s32 $0xFFFFD8C0  }
0x24: {  	[tilespmem:s26], [sflag:$0x3] =	stream.linear.gather [hbm4b:s22+s26], $0x2800, $0x38;
	[tilespmem:$0x15E80] =	vst v63  }
0x25: {  	s9 =	simm.s32 $0x2800;
	s23 =	rddreg [dreg:$0x4]  }
0x26: {  	[tilespmem:s9], [sflag:$0x3] =	stream.linear.gather [hbm4b:s23+s26], $0x2800, $0x38;
	[tilespmem:$0x15E80] =	vst v63  }
0x27: {  	_ =	swait.ge [sflag:s28], $0x2800  }
0x28: {  	[sflag:s28] =	ssyncset.done $0x0  }
0x29: {  	[sflag:s28] =	ssyncadd.s32 $0xFFFFD800  }
0x2a: {  	_ =	swait.ge [sflag:s28], $0x2800  }
0x2b: {  	[sflag:s28] =	ssyncset.done $0x0  }
0x2c: {  	[sflag:s28] =	ssyncadd.s32 $0xFFFFD800  }
0x2d: {  	s30 =	simm.s32 $0x5000;
	[bflag:$0x0] =	sbarrier.arrive $0xFFFF  }
0x2e: {  	[tilespmem:s30], [sflag:$0x1] =	stream.indirect.gather [hbm4b:s4+s29], $0x10, s7, s29, $0xb8;
	[tilespmem:$0x15E80] =	vst v63  }
0x2f: {  	s9 =	simm.s32 $0x6000  }
0x30: {  	[tilespmem:s9], [sflag:$0x1] =	stream.indirect.gather [hbm4b:s4+s29], $0x10, s10, s29, $0xb8;
	[tilespmem:$0x15E80] =	vst v63  }
0x31: {  	s22 =	simm.s32 $0x7000  }
0x32: {  	[tilespmem:s22], [sflag:$0x1] =	stream.indirect.gather [hbm4b:s4+s29], $0x10, s11, s29, $0xb8;
	[tilespmem:$0x15E80] =	vst v63  }
0x33: {  	s23 =	simm.s32 $0x8000  }
0x34: {  	[tilespmem:s23], [sflag:$0x1] =	stream.indirect.gather [hbm4b:s4+s29], $0x10, s12, s29, $0xb8;
	[tilespmem:$0x15E80] =	vst v63  }
0x35: {  	s9 =	simm.s32 $0x9000  }
0x36: {  	[tilespmem:s9], [sflag:$0x1] =	stream.indirect.gather [hbm4b:s4+s29], $0x10, s13, s29, $0xb8;
	[tilespmem:$0x15E80] =	vst v63  }
0x37: {  	s22 =	simm.s32 $0xA000  }
0x38: {  	[tilespmem:s22], [sflag:$0x1] =	stream.indirect.gather [hbm4b:s4+s29], $0x10, s14, s29, $0xb8;
	[tilespmem:$0x15E80] =	vst v63  }
0x39: {  	s23 =	simm.s32 $0xB000  }
0x3a: {  	[tilespmem:s23], [sflag:$0x1] =	stream.indirect.gather [hbm4b:s4+s29], $0x10, s15, s29, $0xb8;
	[tilespmem:$0x15E80] =	vst v63  }
0x3b: {  	s9 =	simm.s32 $0xC000  }
0x3c: {  	[tilespmem:s9], [sflag:$0x1] =	stream.indirect.gather [hbm4b:s4+s29], $0x10, s16, s29, $0xb8;
	[tilespmem:$0x15E80] =	vst v63  }
.Ltmp1:
0x3d: {  	s22 =	simm.s32 $0xD000;
	(pc) =	sbr.rel .LBB2_4-.Ltmp1, $4  }
0x3e: {  	[tilespmem:s22], [sflag:$0x1] =	stream.indirect.gather [hbm4b:s4+s29], $0x10, s17, s29, $0xb8;
	[tilespmem:$0x15E80] =	vst v63  }
0x3f: {  	s23 =	simm.s32 $0xE000  }
0x40: {  	[tilespmem:s23], [sflag:$0x1] =	stream.indirect.gather [hbm4b:s4+s29], $0x10, s18, s29, $0xb8;
	[tilespmem:$0x15E80] =	vst v63  }
0x41: {  	s22 =	smov.u32 s1;
	s23 =	smov.u32 s31  }
.LBB2_7:
0x42: {  	s8 =	sshll.u32 s8, $0xC  }
0x43: {  	s8 =	sand.u32 $0x3FFFF000, s8  }
0x44: {  	s8 =	sadd.s32 $0x5000, s8  }
0x45: {  	[tilespmem:s8], [sflag:$0x1] =	stream.indirect.gather [hbm4b:s4+s29], $0x10, s22, s29, $0xb8;
	[tilespmem:$0x15E80] =	vst v63  }
.LBB2_8:
0x46: {  	s26 =	sadd.s32 $0x1, s26  }
0x47: {  	p0 =	sne.s32 s5, s26  }
.Ltmp2:
0x48: {  	_ = 	snop;
	(pc) =	sbr.rel @!p0 .LBB2_9-.Ltmp2, $2  }
0x49: {  	_ =	sdelay $0x2  }
0x4a: {  	s22 =	sadd.s32 $0x100, s22;
	s23 =	sadd.s32 $0x100, s23;
	s30 =	sadd.s32 $0x1000, s30  }
.LBB2_4:
0x4b: {  	s8 =	smulhi.u32 $0xAAAAAAAB, s26;
	_ =	sdelay $0x1  }
0x4c: {  	s8 =	sshrl.u32 s8, $0x3  }
0x4d: {  	s8 =	smul.u32 $0xFFFD0000, s8  }
0x4e: {  	_ =	swait.ge [sflag:s0], $0x1000  }
0x4f: {  	[sflag:s0] =	ssyncset.done $0x0;
	s8 =	sshra.s32 s8, $0x2  }
0x50: {  	[sflag:s0] =	ssyncadd.s32 $0xFFFFF000;
	s8 =	sadd.s32 s8, s30  }
0x51: {  	[spmem:s2] =	stream.indirect.scatter.add.f32 [tilespmem:s8], [sflag:$0x2], $0x10, s23, s29, $0xb8;
	[tilespmem:$0x15E80] =	vst v63  }
0x52: {  	p0 =	sgt.u32 s26, $0x1;
	s8 =	sadd.s32 $0xA, s26  }
0x53: {  	p1 =	slt.u32 @!p0 s8, s5  }
0x54: {  	p0 =	por p0, !p1  }
.Ltmp3:
0x55: {  	_ = 	snop;
	(pc) =	sbr.rel @!p0 .LBB2_7-.Ltmp3, $1  }
0x56: {  	_ =	sdelay $0x3  }
0x57: {  	p0 =	slt.u32 s26, $0x2  }
0x58: {  	p1 =	sge.u32 @!p0 s8, s5  }
0x59: {  	p0 =	por p0, p1  }
.Ltmp4:
0x5a: {  	_ = 	snop;
	(pc) =	sbr.rel @p0 .LBB2_8-.Ltmp4, $1  }
0x5b: {  	_ =	sdelay $0x3  }
0x5c: {  	s9 =	smulhi.u32 $0xAAAAAAAB, s8  }
.Ltmp5:
0x5d: {  	_ = 	snop;
	(pc) =	sbr.rel .LBB2_7-.Ltmp5, $4  }
0x5e: {  	s9 =	sshrl.u32 s9, $0x3  }
0x5f: {  	_ =	swait.ge [sflag:s24], $0x1000;
	s9 =	smul.u32 $0xC, s9  }
0x60: {  	[sflag:s24] =	ssyncset.done $0x0  }
0x61: {  	[sflag:s24] =	ssyncadd.s32 $0xFFFFF000;
	s8 =	ssub.s32 s8, s9  }
.LBB2_9:
0x62: {  	s8 =	sadd.s32 $0x1, s19  }
0x63: {  	p0 =	slt.u32 s8, s5  }
.Ltmp6:
0x64: {  	_ = 	snop;
	(pc) =	sbr.rel @!p0 .LBB2_11-.Ltmp6, $3  }
0x65: {  	_ =	sdelay $0x1  }
0x66: {  	_ =	swait.ge [sflag:s24], $0x1000  }
0x67: {  	[sflag:s24] =	ssyncset.done $0x0  }
.LBB2_10:
0x68: {  	s8 =	sadd.s32 $0x1, s8  }
0x69: {  	[sflag:s24] =	ssyncadd.s32 $0xFFFFF000;
	p0 =	slt.u32 s8, s5  }
.Ltmp7:
0x6a: {  	(pc) =	sbr.rel @p0 .LBB2_10-.Ltmp7, $3  }
0x6b: {  	_ =	sdelay $0x1  }
0x6c: {  	_ =	swait.ge [sflag:s24], $0x1000  }
0x6d: {  	[sflag:s24] =	ssyncset.done $0x0  }
.LBB2_11:
0x6e: {  	[sflag:s24] =	ssyncadd.s32 $0xFFFFF000;
	s8 =	stileid.u32;
	s3 =	sadd.s32 $0x1, s3  }
0x6f: {  	s9 =	sshrl.u32 s6, $0x3;
	s8 =	sshll.u32 s8, $0x6;
	p0 =	sne.s32 s3, s21  }
.Ltmp8:
0x70: {  	[bflag:$0x0] =	sbarrier.arrive $0xFFFF;
	s8 =	sor.u32 $0x1C04, s8;
	(pc) =	sbr.rel @p0 .LBB2_1-.Ltmp8, $4  }
0x71: {  	[hbm:s20], [sflag:s8] =	dma.local [spmem:s9], $0x4E8  }
0x72: {  	_ =	swait.ge [sflag:s25], $0x4E8  }
0x73: {  	[sflag:s25] =	ssyncset.done $0x0  }
0x74: {  	[sflag:s25] =	ssyncadd.s32 $0xFFFFFB18  }
0x75: {  	_ =	sfence.sel $0x180000  }
0x76: {  	[bflag:$0x0] =	sbarrier.arrive $0xFFFF  }
0x77: {  	_ =	strace $0x9000004A  }
0x78: {  	s0 =	stileid.u32;
	[bflag:$0x2] =	sbarrier.arrive $0xFFFF  }
0x79: {  	p0 =	sne.s32 s0, $0x0;
	s0 =	rddreg [dreg:$0x2]  }
0x7a: {  	s0 =	sadd.s32 @!p0 $0x100000, s0  }
0x7b: {  	[sflag:s0] =	ssyncadd.tile.s32 @!p0 $0x1;
	_ =	shalt  }
.Lfunc_end2:
_tile_overlayer_lowered:
.L_overlay_start_2:
0x7c: {  	(tag) =	ssettag $0x2  }
0x7d: {  	s0 =	rddreg [dreg:$0x0];
	s2 =	stileid.u32  }
0x7e: {  	s1 =	rddreg [dreg:$0x1];
	p0 =	sne.s32 s2, $0x0  }
0x7f: {  	s3 =	rddreg [dreg:$0x2];
	[bflag:$0x3] =	sbarrier.arrive $0xFFFF;
	s2 =	simm.s32 @!p0 $0x1C04  }
0x80: {  	[timem:s3], [sflag:s2] =	dma.local @!p0 [hbm:s0], s1  }
0x81: {  	s0 =	simm.s32 @!p0 $0x4  }
0x82: {  	_ =	swait.ge @!p0 [sflag:s0], s1  }
0x83: {  	s1 =	ssub.s32 @!p0 $0x0, s1;
	[sflag:s0] =	ssyncset.done @!p0 $0x0  }
0x84: {  	[sflag:s0] =	ssyncadd.s32 @!p0 s1  }
0x85: {  	[bflag:$0x3] =	sbarrier.arrive $0xFFFF  }
0x86: {  	_ =	shalt  }

// kernel: kernel.15.cloned.1.call-start
scs
__scs_entry_jumppad:
0x0: {  	(pc) =	sbr.rel $0x88, $3  }
0x1: {  	(tag) =	ssettag $0x0;
	lr =	simm.s32 $0x1  }
0x2: {  	[smem:$0x3F96] =	sst lr;
	_ =	strace $0xD0000000  }
0x3: {  	_ = 	snop  }
0x4: {  	_ = 	snop  }
0x5: {  	_ = 	snop  }
0x6: {  	_ = 	snop  }
0x7: {  	_ = 	snop  }
__scs_overlays_trampoline_lowered:
0x8: {  	[smem:$0x3FA5] =	sst s0  }
0x9: {  	[smem:$0x3FA6] =	sst s1  }
0xa: {  	[smem:$0x3FA7] =	sst s2  }
0xb: {  	[smem:$0x3FA8] =	sst s3  }
0xc: {  	[smem:$0x3FA9] =	sst s4  }
0xd: {  	[smem:$0x3FAA] =	sst s5  }
0xe: {  	[smem:$0x3FAB] =	sst s6  }
0xf: {  	[smem:$0x3FAC] =	sst s7  }
0x10: {  	[smem:$0x3FAD] =	sst s8  }
0x11: {  	[smem:$0x3FAE] =	sst s9;
	s0 =	simm.s32 @!p0 $0x0  }
0x12: {  	s1 =	sld [smem:$0x3F94];
	s0 =	simm.s32 @p0 $0x1  }
0x13: {  	[smem:$0x3FAF] =	sst s0;
	s0 =	simm.s32 @!p1 $0x0  }
0x14: {  	s2 =	sld [smem:$0x3F93];
	s0 =	simm.s32 @p1 $0x1  }
0x15: {  	[smem:$0x3FB0] =	sst s0;
	s0 =	simm.s32 @!p2 $0x0  }
0x16: {  	s3 =	sld [smem:$0x3FDB];
	s0 =	simm.s32 @p2 $0x1  }
0x17: {  	s4 =	simm.s32 $0x1BF5;
	[smem:$0x3FB2] =	sst s0  }
0x18: {  	s0 =	sld [smem:$0x3F95];
	_ =	swait.ge [sflag:s4], $0x0  }
0x19: {  	s7 =	sld [smem:$0x3F96]  }
0x1a: {  	s8 =	sadd.s32 $0xFFFFE003, lr  }
0x1b: {  	s9 =	sadd.s32 $0xFFFFFEF7, lr;
	s5 =	simm.s32 $0xFFFFFFFF;
	p2 =	slt.u32 s8, $0xFFFFF086  }
0x1c: {  	p1 =	slt.u32 s9, $0xF7A;
	s5 =	simm.s32 @!p2 $0x0  }
0x1d: {  	s5 =	simm.s32 @p1 $0x1;
	p0 =	seq.s32 s7, s2  }
0x1e: {  	s7 =	smul.u32 @!p0 $0xF7A, s2;
	p2 =	seq.s32 @!p0 s5, $0x0  }
0x1f: {  	s9 =	smul.u32 $0xF7A, s1;
	s8 =	simm.s32 @!p0 $0x1BF5;
	p2 =	por !p2, p0  }
0x20: {  	[sflag:s8] =	ssyncset.s32 @!p0 $0xFFFFF086;
	s6 =	sadd.s32 @!p0 s3, s7;
	s7 =	simm.s32 @!p0 $0x108  }
0x21: {  	s3 =	sadd.s32 s3, s9;
	s6 =	sadd.s32 @!p0 $0x88, s6;
	s7 =	simm.s32 @p2 $0x1082  }
0x22: {  	[simem:s7], [sflag:s8] =	dma.local @!p0 [hbm:s6], $0xF7A  }
0x23: {  	s9 =	sor.u32 $0xD0000000, s2;
	s6 =	simm.s32 $0x108;
	_ =	swait.ge @!p0 [sflag:s8], $0x0  }
0x24: {  	s3 =	sadd.s32 $0x88, s3;
	s6 =	simm.s32 @!p1 $0x1082;
	[sflag:s4] =	ssyncset.s32 $0xFFFFF086  }
0x25: {  	[simem:s6], [sflag:s4] =	dma.local [hbm:s3], $0xF7A  }
0x26: {  	[smem:$0x3F96] =	sst s1;
	(tag) =	ssettag s2;
	_ =	strace s9  }
0x27: {  	s1 =	sld [smem:$0x3FA6]  }
0x28: {  	s2 =	sld [smem:$0x3FA7]  }
0x29: {  	s4 =	sld [smem:$0x3FA9]  }
0x2a: {  	p0 =	seq.s32 s5, $0x0;
	s5 =	sld [smem:$0x3FAA]  }
0x2b: {  	s6 =	sld [smem:$0x3FAB]  }
0x2c: {  	s7 =	sld [smem:$0x3FAC]  }
0x2d: {  	s3 =	simm.s32 $0x108;
	s8 =	sld [smem:$0x3FAD]  }
0x2e: {  	s3 =	simm.s32 @!p0 $0x1082;
	s9 =	sld [smem:$0x3FAE]  }
0x2f: {  	lr =	sadd.s32 s0, s3;
	s0 =	sld [smem:$0x3FA5]  }
0x30: {  	s3 =	sld [smem:$0x3FA8]  }
0x31: {  	[smem:$0x3FB1] =	sst s10  }
0x32: {  	s10 =	sld [smem:$0x3FAF];
	_ =	sdelay $0x3  }
0x33: {  	p0 =	seq.s32 s10, $0x1;
	s10 =	sld [smem:$0x3FB1];
	_ =	sdelay $0x3  }
0x34: {  	[smem:$0x3FB1] =	sst s10  }
0x35: {  	s10 =	sld [smem:$0x3FB0];
	_ =	sdelay $0x3  }
0x36: {  	p1 =	seq.s32 s10, $0x1;
	s10 =	sld [smem:$0x3FB1];
	_ =	sdelay $0x3  }
0x37: {  	[smem:$0x3FB1] =	sst s10  }
0x38: {  	s10 =	sld [smem:$0x3FB2]  }
0x39: {  	_ = 	snop;
	(pc) =	sbr.ind lr, $3  }
0x3a: {  	_ = 	snop  }
0x3b: {  	_ = 	snop  }
0x3c: {  	p2 =	seq.s32 s10, $0x1;
	s10 =	sld [smem:$0x3FB1]  }
0x3d: {  	_ =	shalt  }
0x3e: {  	_ =	shalt  }
0x3f: {  	_ =	shalt  }
0x40: {  	_ =	shalt  }
0x41: {  	_ =	shalt  }
0x42: {  	_ =	shalt  }
0x43: {  	_ =	shalt  }
0x44: {  	_ =	shalt  }
0x45: {  	_ =	shalt  }
0x46: {  	_ =	shalt  }
0x47: {  	_ =	shalt  }
0x48: {  	_ =	shalt  }
0x49: {  	_ =	shalt  }
0x4a: {  	_ =	shalt  }
0x4b: {  	_ =	shalt  }
0x4c: {  	_ =	shalt  }
0x4d: {  	_ =	shalt  }
0x4e: {  	_ =	shalt  }
0x4f: {  	_ =	shalt  }
0x50: {  	_ =	shalt  }
0x51: {  	_ =	shalt  }
0x52: {  	_ =	shalt  }
0x53: {  	_ =	shalt  }
0x54: {  	_ =	shalt  }
0x55: {  	_ =	shalt  }
0x56: {  	_ =	shalt  }
0x57: {  	_ =	shalt  }
0x58: {  	_ =	shalt  }
0x59: {  	_ =	shalt  }
0x5a: {  	_ =	shalt  }
0x5b: {  	_ =	shalt  }
0x5c: {  	_ =	shalt  }
0x5d: {  	_ =	shalt  }
0x5e: {  	_ =	shalt  }
0x5f: {  	_ =	shalt  }
0x60: {  	_ =	shalt  }
0x61: {  	_ =	shalt  }
0x62: {  	_ =	shalt  }
0x63: {  	_ =	shalt  }
0x64: {  	_ =	shalt  }
0x65: {  	_ =	shalt  }
0x66: {  	_ =	shalt  }
0x67: {  	_ =	shalt  }
0x68: {  	_ =	shalt  }
0x69: {  	_ =	shalt  }
0x6a: {  	_ =	shalt  }
0x6b: {  	_ =	shalt  }
0x6c: {  	_ =	shalt  }
0x6d: {  	_ =	shalt  }
0x6e: {  	_ =	shalt  }
0x6f: {  	_ =	shalt  }
0x70: {  	_ =	shalt  }
0x71: {  	_ =	shalt  }
0x72: {  	_ =	shalt  }
0x73: {  	_ =	shalt  }
0x74: {  	_ =	shalt  }
0x75: {  	_ =	shalt  }
0x76: {  	_ =	shalt  }
0x77: {  	_ =	shalt  }
0x78: {  	_ =	shalt  }
0x79: {  	_ =	shalt  }
0x7a: {  	_ =	shalt  }
0x7b: {  	_ =	shalt  }
0x7c: {  	_ =	shalt  }
0x7d: {  	_ =	shalt  }
0x7e: {  	_ =	shalt  }
0x7f: {  	_ =	shalt  }
0x80: {  	_ =	shalt  }
0x81: {  	_ =	shalt  }
0x82: {  	_ =	shalt  }
0x83: {  	_ =	shalt  }
0x84: {  	_ =	shalt  }
0x85: {  	_ =	shalt  }
0x86: {  	_ =	shalt  }
0x87: {  	_ =	shalt  }
.Lfunc_end0:
.L_simem_size_0:
called_computation.2_lowered:
.L_overlay_start_0:
0x88: {  	s2 =	sld [smem:$0x3FD9]  }
0x89: {  	s3 =	sld [smem:$0x3FFE];
	_ =	sdelay $0x1  }
0x8a: {  	s1 =	srdreg.scid  }
0x8b: {  	s0 =	sand.u32 $0x1, s1  }
0x8c: {  	s16 =	sshll.u32 s0, $0xA;
	s2 =	sadd.s32 s3, s2  }
0x8d: {  	s2 =	sadd.s32 s2, s16  }
0x8e: {  	[smem:$0x3FBD] =	sst s2  }
0x8f: {  	_ = 	snop  }
0x90: {  	(tm) =	ssettm $0x1  }
0x91: {  	s17 =	sld [smem:$0x3FFB];
	_ =	sdelay $0x3  }
0x92: {  	_ =	strace s17  }
0x93: {  	s2 =	sld [smem:$0x3FFC];
	_ =	sdelay $0x3  }
0x94: {  	_ =	strace s2  }
0x95: {  	s2 =	sld [smem:$0x3FFD];
	_ =	sdelay $0x3  }
0x96: {  	_ =	strace s2  }
0x97: {  	_ =	strace $0x8FFFFFFF  }
0x98: {  	s18 =	sld [smem:$0x3FDB];
	_ =	sdelay $0x1  }
0x99: {  	s19 =	simm.s32 $_scs_section_size  }
0x9a: {  	s4 =	simm.s32 $_size__tile_overlayer_lowered;
	s5 =	simm.s32 $_tile_overlayer_lowered  }
0x9b: {  	s22 =	simm.s32 $0x1BFF;
	s21 =	sshll.u32 s5, $0x1;
	s2 =	sadd.s32 s19, s18  }
0x9c: {  	s6 =	simm.s32 $0x0;
	s20 =	sshll.u32 s4, $0x1;
	s4 =	sadd.s32 s21, s2  }
0x9d: {  	[timem:s6], [sflag:s22] =	dma.local [hbm:s4], s20  }
0x9e: {  	_ =	swait.ge [sflag:s22], s20  }
0x9f: {  	s3 =	ssub.s32 $0x0, s20;
	[sflag:s22] =	ssyncset.done $0x0  }
0xa0: {  	[sflag:s22] =	ssyncadd.s32 s3;
	_ =	sdelay $0x1  }
0xa1: {  	s23 =	simm.s32 $0x1B8B  }
0xa2: {  	_ =	swait.ge [sflag:s23], $0x1  }
0xa3: {  	[sflag:s23] =	ssyncset.done $0x0  }
0xa4: {  	s25 =	simm.s32 $0x1B8E;
	s24 =	sld [smem:$0x3FFE];
	[sflag:s23] =	ssyncadd.s32 $0xFFFFFFFF  }
0xa5: {  	s26 =	simm.s32 $execute0_lowered;
	[smem:$0x3FD2] =	sst s25  }
0xa6: {  	s4 =	sshll.u32 s26, $0x1;
	_ =	strace $0x8000004C;
	[dreg:$0x1] =	wrdreg $0xFFFFFFFF  }
0xa7: {  	s28 =	simm.s32 $_size_execute0_lowered;
	s2 =	sadd.s32 s2, s4;
	[dreg:$0x0] =	wrdreg $0x0  }
0xa8: {  	s4 =	sshll.u32 s28, $0x1;
	[dreg:$0x2] =	wrdreg s2  }
0xa9: {  	[dreg:$0x3] =	wrdreg s4  }
0xaa: {  	[dreg:$0x4] =	wrdreg $0xC0  }
0xab: {  	_ =	task [dreg:s6], $0x5FFFF  }
0xac: {  	[dreg:$0x1] =	wrdreg $0xFFFFFFFF  }
0xad: {  	[dreg:$0x0] =	wrdreg $0x60  }
0xae: {  	[dreg:$0x2] =	wrdreg s24  }
0xaf: {  	[dreg:$0x3] =	wrdreg $0x137400  }
0xb0: {  	[dreg:$0x4] =	wrdreg $0x9  }
0xb1: {  	_ =	task.clear_ibuf [dreg:s6], $0x5FFFF;
	_ =	strace $0x9000004C  }
0xb2: {  	s29 =	simm.s32 $0x9;
	_ =	strace $0x8000004E  }
0xb3: {  	_ =	swait.ge [sflag:s29], $0x1  }
0xb4: {  	[sflag:s29] =	ssyncadd.s32 $0xFFFFFFFF  }
0xb5: {  	_ =	strace $0x9000004E  }
0xb6: {  	_ =	sfence  }
0xb7: {  	s30 =	sld [smem:$0x0];
	_ =	sdelay $0x2  }
0xb8: {  	s31 =	sshll.u32 s1, $0xD;
	s1 =	sshrl.u32 s1, $0x2  }
0xb9: {  	s3 =	sand.u32 $0x4000, s31;
	s1 =	sadd.s32 s1, s30  }
0xba: {  	s0 =	sor.u32 s3, s0;
	s1 =	sshll.u32 s1, $0x11  }
0xbb: {  	s0 =	sor.u32 s1, s0  }
0xbc: {  	s0 =	sadd.s32 $0x8F2B, s0  }
0xbd: {  	[sflag:s0] =	ssyncadd.remote.s32 $0x1  }
0xbe: {  	_ =	sfence.sel $0xFFFF  }
0xbf: {  	[dreg:$0x0] =	wrdreg $0xFFFFFFFF;
	(pc) =	sbr.abs _section_cstart, $3  }
0xc0: {  	[dreg:$0x1] =	wrdreg $0xFFFFFFFF  }
0xc1: {  	_ =	task.clear_ibuf [dreg:s6], $0x2FFFF;
	_ =	strace $0x9FFFFFFF  }
0xc2: {  	(tm) =	ssettm $0x7FFFFFFF  }
0xc3: {  	_ =	shalt  }
tec
execute0_lowered:
.L_overlay_start_1:
0x0: {  	(tag) =	ssettag $0x1  }
0x1: {  	s0 =	srdreg.scid  }
0x2: {  	s15 =	stileid.u32;
	s1 =	rddreg [dreg:$0x0]  }
0x3: {  	s2 =	rddreg [dreg:$0x1];
	s6 =	smul.u32 $0x2740, s15  }
0x4: {  	s28 =	simm.s32 $0x3;
	s0 =	sand.u32 $0x1, s0;
	s18 =	smul.u32 $0x4E, s15  }
0x5: {  	s29 =	simm.s32 $0x100;
	s3 =	sshll.u32 s15, $0x1;
	s7 =	smul.u32 $0x27400, s0  }
0x6: {  	p0 =	seq.s32 s15, $0x0;
	s4 =	sor.u32 s0, s3;
	s19 =	smul.u32 $0x27, s0  }
0x7: {  	s3 =	simm.s32 $0x0;
	s11 =	ssub.s32 $0x2, s0;
	s0 =	smul.u32 $0x9C00, s0  }
0x8: {  	s5 =	smul.u32 $0x27, s4;
	s8 =	smin.u32 s4, $0x2;
	[smem:$0x7FF] =	sst s3  }
0x9: {  	s4 =	sadd.s32 $0x17000, s1;
	s12 =	sshrl.u32 s11, $0x1;
	_ =	strace $0x8000004D  }
0xa: {  	s7 =	sadd.s32 s6, s7;
	s21 =	ssub.s32 s11, s12;
	s5 =	sadd.s32 s8, s5  }
0xb: {  	s6 =	sadd.s32 s6, s2;
	s7 =	sshrl.u32 s7, $0x3;
	s9 =	smin.u32 s5, $0x4BA  }
0xc: {  	s21 =	smax.u32 s21, $0x1;
	s10 =	sshll.u32 s9, $0x5;
	s20 =	ssub.s32 s5, s9  }
0xd: {  	s5 =	simm.s32 $0x28;
	s10 =	sadd.s32 s10, s1;
	s1 =	sadd.s32 s7, s1  }
0xe: {  	s7 =	sshll.u32 s20, $0xA;
	s5 =	simm.s32 @!p0 $0x27;
	s22 =	sadd.s32 $0x3600, s10  }
0xf: {  	s7 =	sshra.s32 s7, $0x2;
	s23 =	sadd.s32 $0xD240, s10;
	[dreg:$0x3] =	wrdreg s22  }
0x10: {  	s20 =	smul.u32 $0x13800, s15;
	[dreg:$0x4] =	wrdreg s23;
	s10 =	sadd.s32 $0x100, s7  }
0x11: {  	s11 =	sadd.s32 $0x200, s7;
	s12 =	sadd.s32 $0x300, s7;
	s13 =	sadd.s32 $0x400, s7  }
0x12: {  	s14 =	sadd.s32 $0x500, s7;
	s15 =	sadd.s32 $0x600, s7;
	s16 =	sadd.s32 $0x700, s7  }
0x13: {  	s17 =	sadd.s32 $0x800, s7;
	s22 =	sadd.s32 s18, s8;
	s18 =	sadd.s32 $0x900, s7  }
0x14: {  	s0 =	sadd.s32 s0, s20;
	s8 =	sshll.u32 s8, $0xA;
	s22 =	sadd.s32 s19, s22  }
0x15: {  	s20 =	sadd.s32 $0x1C000, s1;
	s19 =	sadd.s32 $0xFFFFFFF4, s5;
	s24 =	smin.u32 s22, $0x4BA  }
0x16: {  	s0 =	sadd.s32 s8, s0;
	s25 =	sshll.u32 s24, $0xA;
	s22 =	ssub.s32 s22, s24  }
0x17: {  	s24 =	simm.s32 $0x2;
	s0 =	ssub.s32 s0, s25;
	s26 =	sshll.u32 s22, $0xA  }
0x18: {  	s25 =	simm.s32 $0x4;
	s0 =	sadd.s32 $0x2800, s0;
	s30 =	sshra.s32 s26, $0x2  }
0x19: {  	v0 =	vimm.f32 $0.0e+00;
	s1 =	sshra.s32 s0, $0x2;
	s31 =	sadd.s32 $0x2800, s30;
	s0 =	simm.s32 $0x1  }
.LBB2_1:
0x1a: {  	s8 =	simm.s32 $0x40;
	s22 =	simm.s32 $0x0  }
.LBB2_2:
0x1b: {  	p0 =	sne.s32 s8, $0x9CC0;
	[tilespmem:s22+$0x11000] =	vst v0;
	s22 =	smov.u32 s8;
	s8 =	sadd.s32 $0x40, s8  }
.Ltmp0:
0x1c: {  	(pc) =	sbr.rel @p0 .LBB2_2-.Ltmp0, $2  }
0x1d: {  	_ =	sdelay $0x2  }
0x1e: {  	s22 =	sshra.s32 s22, $0x2  }
0x1f: {  	[tilespmem:s22+$0x11000] =	vst v0;
	s8 =	simm.s32 $0x11000  }
0x20: {  	[spmem:s6] =	stream.linear.scatter [tilespmem:s8], [sflag:$0x4], $0x2740, $0x38;
	[tilespmem:$0x15E80] =	vst v63  }
0x21: {  	_ =	swait.ge [sflag:s25], $0x2740  }
0x22: {  	[sflag:s25] =	ssyncset.done $0x0  }
0x23: {  	s26 =	simm.s32 $0x0;
	s22 =	rddreg [dreg:$0x3];
	[sflag:s25] =	ssyncadd.s32 $0xFFFFD8C0  }
0x24: {  	[tilespmem:s26], [sflag:$0x3] =	stream.linear.gather [hbm4b:s22+s26], $0x2800, $0x38;
	[tilespmem:$0x15E80] =	vst v63  }
0x25: {  	s9 =	simm.s32 $0x2800;
	s23 =	rddreg [dreg:$0x4]  }
0x26: {  	[tilespmem:s9], [sflag:$0x3] =	stream.linear.gather [hbm4b:s23+s26], $0x2800, $0x38;
	[tilespmem:$0x15E80] =	vst v63  }
0x27: {  	_ =	swait.ge [sflag:s28], $0x2800  }
0x28: {  	[sflag:s28] =	ssyncset.done $0x0  }
0x29: {  	[sflag:s28] =	ssyncadd.s32 $0xFFFFD800  }
0x2a: {  	_ =	swait.ge [sflag:s28], $0x2800  }
0x2b: {  	[sflag:s28] =	ssyncset.done $0x0  }
0x2c: {  	[sflag:s28] =	ssyncadd.s32 $0xFFFFD800  }
0x2d: {  	s30 =	simm.s32 $0x5000;
	[bflag:$0x0] =	sbarrier.arrive $0xFFFF  }
0x2e: {  	[tilespmem:s30], [sflag:$0x1] =	stream.indirect.gather [hbm4b:s4+s29], $0x10, s7, s29, $0xb8;
	[tilespmem:$0x15E80] =	vst v63  }
0x2f: {  	s9 =	simm.s32 $0x6000  }
0x30: {  	[tilespmem:s9], [sflag:$0x1] =	stream.indirect.gather [hbm4b:s4+s29], $0x10, s10, s29, $0xb8;
	[tilespmem:$0x15E80] =	vst v63  }
0x31: {  	s22 =	simm.s32 $0x7000  }
0x32: {  	[tilespmem:s22], [sflag:$0x1] =	stream.indirect.gather [hbm4b:s4+s29], $0x10, s11, s29, $0xb8;
	[tilespmem:$0x15E80] =	vst v63  }
0x33: {  	s23 =	simm.s32 $0x8000  }
0x34: {  	[tilespmem:s23], [sflag:$0x1] =	stream.indirect.gather [hbm4b:s4+s29], $0x10, s12, s29, $0xb8;
	[tilespmem:$0x15E80] =	vst v63  }
0x35: {  	s9 =	simm.s32 $0x9000  }
0x36: {  	[tilespmem:s9], [sflag:$0x1] =	stream.indirect.gather [hbm4b:s4+s29], $0x10, s13, s29, $0xb8;
	[tilespmem:$0x15E80] =	vst v63  }
0x37: {  	s22 =	simm.s32 $0xA000  }
0x38: {  	[tilespmem:s22], [sflag:$0x1] =	stream.indirect.gather [hbm4b:s4+s29], $0x10, s14, s29, $0xb8;
	[tilespmem:$0x15E80] =	vst v63  }
0x39: {  	s23 =	simm.s32 $0xB000  }
0x3a: {  	[tilespmem:s23], [sflag:$0x1] =	stream.indirect.gather [hbm4b:s4+s29], $0x10, s15, s29, $0xb8;
	[tilespmem:$0x15E80] =	vst v63  }
0x3b: {  	s9 =	simm.s32 $0xC000  }
0x3c: {  	[tilespmem:s9], [sflag:$0x1] =	stream.indirect.gather [hbm4b:s4+s29], $0x10, s16, s29, $0xb8;
	[tilespmem:$0x15E80] =	vst v63  }
.Ltmp1:
0x3d: {  	s22 =	simm.s32 $0xD000;
	(pc) =	sbr.rel .LBB2_4-.Ltmp1, $4  }
0x3e: {  	[tilespmem:s22], [sflag:$0x1] =	stream.indirect.gather [hbm4b:s4+s29], $0x10, s17, s29, $0xb8;
	[tilespmem:$0x15E80] =	vst v63  }
0x3f: {  	s23 =	simm.s32 $0xE000  }
0x40: {  	[tilespmem:s23], [sflag:$0x1] =	stream.indirect.gather [hbm4b:s4+s29], $0x10, s18, s29, $0xb8;
	[tilespmem:$0x15E80] =	vst v63  }
0x41: {  	s22 =	smov.u32 s1;
	s23 =	smov.u32 s31  }
.LBB2_7:
0x42: {  	s8 =	sshll.u32 s8, $0xC  }
0x43: {  	s8 =	sand.u32 $0x3FFFF000, s8  }
0x44: {  	s8 =	sadd.s32 $0x5000, s8  }
0x45: {  	[tilespmem:s8], [sflag:$0x1] =	stream.indirect.gather [hbm4b:s4+s29], $0x10, s22, s29, $0xb8;
	[tilespmem:$0x15E80] =	vst v63  }
.LBB2_8:
0x46: {  	s26 =	sadd.s32 $0x1, s26  }
0x47: {  	p0 =	sne.s32 s5, s26  }
.Ltmp2:
0x48: {  	_ = 	snop;
	(pc) =	sbr.rel @!p0 .LBB2_9-.Ltmp2, $2  }
0x49: {  	_ =	sdelay $0x2  }
0x4a: {  	s22 =	sadd.s32 $0x100, s22;
	s23 =	sadd.s32 $0x100, s23;
	s30 =	sadd.s32 $0x1000, s30  }
.LBB2_4:
0x4b: {  	s8 =	smulhi.u32 $0xAAAAAAAB, s26;
	_ =	sdelay $0x1  }
0x4c: {  	s8 =	sshrl.u32 s8, $0x3  }
0x4d: {  	s8 =	smul.u32 $0xFFFD0000, s8  }
0x4e: {  	_ =	swait.ge [sflag:s0], $0x1000  }
0x4f: {  	[sflag:s0] =	ssyncset.done $0x0;
	s8 =	sshra.s32 s8, $0x2  }
0x50: {  	[sflag:s0] =	ssyncadd.s32 $0xFFFFF000;
	s8 =	sadd.s32 s8, s30  }
0x51: {  	[spmem:s2] =	stream.indirect.scatter.add.f32 [tilespmem:s8], [sflag:$0x2], $0x10, s23, s29, $0xb8;
	[tilespmem:$0x15E80] =	vst v63  }
0x52: {  	p0 =	sgt.u32 s26, $0x1;
	s8 =	sadd.s32 $0xA, s26  }
0x53: {  	p1 =	slt.u32 @!p0 s8, s5  }
0x54: {  	p0 =	por p0, !p1  }
.Ltmp3:
0x55: {  	_ = 	snop;
	(pc) =	sbr.rel @!p0 .LBB2_7-.Ltmp3, $1  }
0x56: {  	_ =	sdelay $0x3  }
0x57: {  	p0 =	slt.u32 s26, $0x2  }
0x58: {  	p1 =	sge.u32 @!p0 s8, s5  }
0x59: {  	p0 =	por p0, p1  }
.Ltmp4:
0x5a: {  	_ = 	snop;
	(pc) =	sbr.rel @p0 .LBB2_8-.Ltmp4, $1  }
0x5b: {  	_ =	sdelay $0x3  }
0x5c: {  	s9 =	smulhi.u32 $0xAAAAAAAB, s8  }
.Ltmp5:
0x5d: {  	_ = 	snop;
	(pc) =	sbr.rel .LBB2_7-.Ltmp5, $4  }
0x5e: {  	s9 =	sshrl.u32 s9, $0x3  }
0x5f: {  	_ =	swait.ge [sflag:s24], $0x1000;
	s9 =	smul.u32 $0xC, s9  }
0x60: {  	[sflag:s24] =	ssyncset.done $0x0  }
0x61: {  	[sflag:s24] =	ssyncadd.s32 $0xFFFFF000;
	s8 =	ssub.s32 s8, s9  }
.LBB2_9:
0x62: {  	s8 =	sadd.s32 $0x1, s19  }
0x63: {  	p0 =	slt.u32 s8, s5  }
.Ltmp6:
0x64: {  	_ = 	snop;
	(pc) =	sbr.rel @!p0 .LBB2_11-.Ltmp6, $3  }
0x65: {  	_ =	sdelay $0x1  }
0x66: {  	_ =	swait.ge [sflag:s24], $0x1000  }
0x67: {  	[sflag:s24] =	ssyncset.done $0x0  }
.LBB2_10:
0x68: {  	s8 =	sadd.s32 $0x1, s8  }
0x69: {  	[sflag:s24] =	ssyncadd.s32 $0xFFFFF000;
	p0 =	slt.u32 s8, s5  }
.Ltmp7:
0x6a: {  	(pc) =	sbr.rel @p0 .LBB2_10-.Ltmp7, $3  }
0x6b: {  	_ =	sdelay $0x1  }
0x6c: {  	_ =	swait.ge [sflag:s24], $0x1000  }
0x6d: {  	[sflag:s24] =	ssyncset.done $0x0  }
.LBB2_11:
0x6e: {  	[sflag:s24] =	ssyncadd.s32 $0xFFFFF000;
	s8 =	stileid.u32;
	s3 =	sadd.s32 $0x1, s3  }
0x6f: {  	s9 =	sshrl.u32 s6, $0x3;
	s8 =	sshll.u32 s8, $0x6;
	p0 =	sne.s32 s3, s21  }
.Ltmp8:
0x70: {  	[bflag:$0x0] =	sbarrier.arrive $0xFFFF;
	s8 =	sor.u32 $0x1C04, s8;
	(pc) =	sbr.rel @p0 .LBB2_1-.Ltmp8, $4  }
0x71: {  	[hbm:s20], [sflag:s8] =	dma.local [spmem:s9], $0x4E8  }
0x72: {  	_ =	swait.ge [sflag:s25], $0x4E8  }
0x73: {  	[sflag:s25] =	ssyncset.done $0x0  }
0x74: {  	[sflag:s25] =	ssyncadd.s32 $0xFFFFFB18  }
0x75: {  	_ =	sfence.sel $0x180000  }
0x76: {  	[bflag:$0x0] =	sbarrier.arrive $0xFFFF  }
0x77: {  	_ =	strace $0x9000004D  }
0x78: {  	s0 =	stileid.u32;
	[bflag:$0x2] =	sbarrier.arrive $0xFFFF  }
0x79: {  	p0 =	sne.s32 s0, $0x0;
	s0 =	rddreg [dreg:$0x2]  }
0x7a: {  	s0 =	sadd.s32 @!p0 $0x100000, s0  }
0x7b: {  	[sflag:s0] =	ssyncadd.tile.s32 @!p0 $0x1;
	_ =	shalt  }
.Lfunc_end2:
_tile_overlayer_lowered:
.L_overlay_start_2:
0x7c: {  	(tag) =	ssettag $0x2  }
0x7d: {  	s0 =	rddreg [dreg:$0x0];
	s2 =	stileid.u32  }
0x7e: {  	s1 =	rddreg [dreg:$0x1];
	p0 =	sne.s32 s2, $0x0  }
0x7f: {  	s3 =	rddreg [dreg:$0x2];
	[bflag:$0x3] =	sbarrier.arrive $0xFFFF;
	s2 =	simm.s32 @!p0 $0x1C04  }
0x80: {  	[timem:s3], [sflag:s2] =	dma.local @!p0 [hbm:s0], s1  }
0x81: {  	s0 =	simm.s32 @!p0 $0x4  }
0x82: {  	_ =	swait.ge @!p0 [sflag:s0], s1  }
0x83: {  	s1 =	ssub.s32 @!p0 $0x0, s1;
	[sflag:s0] =	ssyncset.done @!p0 $0x0  }
0x84: {  	[sflag:s0] =	ssyncadd.s32 @!p0 s1  }
0x85: {  	[bflag:$0x3] =	sbarrier.arrive $0xFFFF  }
0x86: {  	_ =	shalt  }

// kernel: kernel.9.cloned.1.call-start
scs
__scs_entry_jumppad:
0x0: {  	(pc) =	sbr.rel $0x88, $3  }
0x1: {  	(tag) =	ssettag $0x0;
	lr =	simm.s32 $0x1  }
0x2: {  	[smem:$0x3F96] =	sst lr;
	_ =	strace $0xD0000000  }
0x3: {  	_ = 	snop  }
0x4: {  	_ = 	snop  }
0x5: {  	_ = 	snop  }
0x6: {  	_ = 	snop  }
0x7: {  	_ = 	snop  }
__scs_overlays_trampoline_lowered:
0x8: {  	[smem:$0x3FA5] =	sst s0  }
0x9: {  	[smem:$0x3FA6] =	sst s1  }
0xa: {  	[smem:$0x3FA7] =	sst s2  }
0xb: {  	[smem:$0x3FA8] =	sst s3  }
0xc: {  	[smem:$0x3FA9] =	sst s4  }
0xd: {  	[smem:$0x3FAA] =	sst s5  }
0xe: {  	[smem:$0x3FAB] =	sst s6  }
0xf: {  	[smem:$0x3FAC] =	sst s7  }
0x10: {  	[smem:$0x3FAD] =	sst s8  }
0x11: {  	[smem:$0x3FAE] =	sst s9;
	s0 =	simm.s32 @!p0 $0x0  }
0x12: {  	s1 =	sld [smem:$0x3F94];
	s0 =	simm.s32 @p0 $0x1  }
0x13: {  	[smem:$0x3FAF] =	sst s0;
	s0 =	simm.s32 @!p1 $0x0  }
0x14: {  	s2 =	sld [smem:$0x3F93];
	s0 =	simm.s32 @p1 $0x1  }
0x15: {  	[smem:$0x3FB0] =	sst s0;
	s0 =	simm.s32 @!p2 $0x0  }
0x16: {  	s3 =	sld [smem:$0x3FDB];
	s0 =	simm.s32 @p2 $0x1  }
0x17: {  	s4 =	simm.s32 $0x1BF5;
	[smem:$0x3FB2] =	sst s0  }
0x18: {  	s0 =	sld [smem:$0x3F95];
	_ =	swait.ge [sflag:s4], $0x0  }
0x19: {  	s7 =	sld [smem:$0x3F96]  }
0x1a: {  	s8 =	sadd.s32 $0xFFFFE003, lr  }
0x1b: {  	s9 =	sadd.s32 $0xFFFFFEF7, lr;
	s5 =	simm.s32 $0xFFFFFFFF;
	p2 =	slt.u32 s8, $0xFFFFF086  }
0x1c: {  	p1 =	slt.u32 s9, $0xF7A;
	s5 =	simm.s32 @!p2 $0x0  }
0x1d: {  	s5 =	simm.s32 @p1 $0x1;
	p0 =	seq.s32 s7, s2  }
0x1e: {  	s7 =	smul.u32 @!p0 $0xF7A, s2;
	p2 =	seq.s32 @!p0 s5, $0x0  }
0x1f: {  	s9 =	smul.u32 $0xF7A, s1;
	s8 =	simm.s32 @!p0 $0x1BF5;
	p2 =	por !p2, p0  }
0x20: {  	[sflag:s8] =	ssyncset.s32 @!p0 $0xFFFFF086;
	s6 =	sadd.s32 @!p0 s3, s7;
	s7 =	simm.s32 @!p0 $0x108  }
0x21: {  	s3 =	sadd.s32 s3, s9;
	s6 =	sadd.s32 @!p0 $0x88, s6;
	s7 =	simm.s32 @p2 $0x1082  }
0x22: {  	[simem:s7], [sflag:s8] =	dma.local @!p0 [hbm:s6], $0xF7A  }
0x23: {  	s9 =	sor.u32 $0xD0000000, s2;
	s6 =	simm.s32 $0x108;
	_ =	swait.ge @!p0 [sflag:s8], $0x0  }
0x24: {  	s3 =	sadd.s32 $0x88, s3;
	s6 =	simm.s32 @!p1 $0x1082;
	[sflag:s4] =	ssyncset.s32 $0xFFFFF086  }
0x25: {  	[simem:s6], [sflag:s4] =	dma.local [hbm:s3], $0xF7A  }
0x26: {  	[smem:$0x3F96] =	sst s1;
	(tag) =	ssettag s2;
	_ =	strace s9  }
0x27: {  	s1 =	sld [smem:$0x3FA6]  }
0x28: {  	s2 =	sld [smem:$0x3FA7]  }
0x29: {  	s4 =	sld [smem:$0x3FA9]  }
0x2a: {  	p0 =	seq.s32 s5, $0x0;
	s5 =	sld [smem:$0x3FAA]  }
0x2b: {  	s6 =	sld [smem:$0x3FAB]  }
0x2c: {  	s7 =	sld [smem:$0x3FAC]  }
0x2d: {  	s3 =	simm.s32 $0x108;
	s8 =	sld [smem:$0x3FAD]  }
0x2e: {  	s3 =	simm.s32 @!p0 $0x1082;
	s9 =	sld [smem:$0x3FAE]  }
0x2f: {  	lr =	sadd.s32 s0, s3;
	s0 =	sld [smem:$0x3FA5]  }
0x30: {  	s3 =	sld [smem:$0x3FA8]  }
0x31: {  	[smem:$0x3FB1] =	sst s10  }
0x32: {  	s10 =	sld [smem:$0x3FAF];
	_ =	sdelay $0x3  }
0x33: {  	p0 =	seq.s32 s10, $0x1;
	s10 =	sld [smem:$0x3FB1];
	_ =	sdelay $0x3  }
0x34: {  	[smem:$0x3FB1] =	sst s10  }
0x35: {  	s10 =	sld [smem:$0x3FB0];
	_ =	sdelay $0x3  }
0x36: {  	p1 =	seq.s32 s10, $0x1;
	s10 =	sld [smem:$0x3FB1];
	_ =	sdelay $0x3  }
0x37: {  	[smem:$0x3FB1] =	sst s10  }
0x38: {  	s10 =	sld [smem:$0x3FB2]  }
0x39: {  	_ = 	snop;
	(pc) =	sbr.ind lr, $3  }
0x3a: {  	_ = 	snop  }
0x3b: {  	_ = 	snop  }
0x3c: {  	p2 =	seq.s32 s10, $0x1;
	s10 =	sld [smem:$0x3FB1]  }
0x3d: {  	_ =	shalt  }
0x3e: {  	_ =	shalt  }
0x3f: {  	_ =	shalt  }
0x40: {  	_ =	shalt  }
0x41: {  	_ =	shalt  }
0x42: {  	_ =	shalt  }
0x43: {  	_ =	shalt  }
0x44: {  	_ =	shalt  }
0x45: {  	_ =	shalt  }
0x46: {  	_ =	shalt  }
0x47: {  	_ =	shalt  }
0x48: {  	_ =	shalt  }
0x49: {  	_ =	shalt  }
0x4a: {  	_ =	shalt  }
0x4b: {  	_ =	shalt  }
0x4c: {  	_ =	shalt  }
0x4d: {  	_ =	shalt  }
0x4e: {  	_ =	shalt  }
0x4f: {  	_ =	shalt  }
0x50: {  	_ =	shalt  }
0x51: {  	_ =	shalt  }
0x52: {  	_ =	shalt  }
0x53: {  	_ =	shalt  }
0x54: {  	_ =	shalt  }
0x55: {  	_ =	shalt  }
0x56: {  	_ =	shalt  }
0x57: {  	_ =	shalt  }
0x58: {  	_ =	shalt  }
0x59: {  	_ =	shalt  }
0x5a: {  	_ =	shalt  }
0x5b: {  	_ =	shalt  }
0x5c: {  	_ =	shalt  }
0x5d: {  	_ =	shalt  }
0x5e: {  	_ =	shalt  }
0x5f: {  	_ =	shalt  }
0x60: {  	_ =	shalt  }
0x61: {  	_ =	shalt  }
0x62: {  	_ =	shalt  }
0x63: {  	_ =	shalt  }
0x64: {  	_ =	shalt  }
0x65: {  	_ =	shalt  }
0x66: {  	_ =	shalt  }
0x67: {  	_ =	shalt  }
0x68: {  	_ =	shalt  }
0x69: {  	_ =	shalt  }
0x6a: {  	_ =	shalt  }
0x6b: {  	_ =	shalt  }
0x6c: {  	_ =	shalt  }
0x6d: {  	_ =	shalt  }
0x6e: {  	_ =	shalt  }
0x6f: {  	_ =	shalt  }
0x70: {  	_ =	shalt  }
0x71: {  	_ =	shalt  }
0x72: {  	_ =	shalt  }
0x73: {  	_ =	shalt  }
0x74: {  	_ =	shalt  }
0x75: {  	_ =	shalt  }
0x76: {  	_ =	shalt  }
0x77: {  	_ =	shalt  }
0x78: {  	_ =	shalt  }
0x79: {  	_ =	shalt  }
0x7a: {  	_ =	shalt  }
0x7b: {  	_ =	shalt  }
0x7c: {  	_ =	shalt  }
0x7d: {  	_ =	shalt  }
0x7e: {  	_ =	shalt  }
0x7f: {  	_ =	shalt  }
0x80: {  	_ =	shalt  }
0x81: {  	_ =	shalt  }
0x82: {  	_ =	shalt  }
0x83: {  	_ =	shalt  }
0x84: {  	_ =	shalt  }
0x85: {  	_ =	shalt  }
0x86: {  	_ =	shalt  }
0x87: {  	_ =	shalt  }
.Lfunc_end0:
.L_simem_size_0:
called_computation_lowered:
.L_overlay_start_0:
0x88: {  	s2 =	sld [smem:$0x3FD9]  }
0x89: {  	s3 =	sld [smem:$0x3FFE];
	_ =	sdelay $0x1  }
0x8a: {  	s1 =	srdreg.scid  }
0x8b: {  	s0 =	sand.u32 $0x1, s1  }
0x8c: {  	s16 =	sshll.u32 s0, $0xA;
	s2 =	sadd.s32 s3, s2  }
0x8d: {  	s2 =	sadd.s32 s2, s16  }
0x8e: {  	[smem:$0x3FBD] =	sst s2  }
0x8f: {  	_ = 	snop  }
0x90: {  	(tm) =	ssettm $0x1  }
0x91: {  	s17 =	sld [smem:$0x3FFB];
	_ =	sdelay $0x3  }
0x92: {  	_ =	strace s17  }
0x93: {  	s2 =	sld [smem:$0x3FFC];
	_ =	sdelay $0x3  }
0x94: {  	_ =	strace s2  }
0x95: {  	s2 =	sld [smem:$0x3FFD];
	_ =	sdelay $0x3  }
0x96: {  	_ =	strace s2  }
0x97: {  	_ =	strace $0x8FFFFFFF  }
0x98: {  	s18 =	sld [smem:$0x3FDB];
	_ =	sdelay $0x1  }
0x99: {  	s19 =	simm.s32 $_scs_section_size  }
0x9a: {  	s4 =	simm.s32 $_size__tile_overlayer_lowered;
	s5 =	simm.s32 $_tile_overlayer_lowered  }
0x9b: {  	s22 =	simm.s32 $0x1BFF;
	s21 =	sshll.u32 s5, $0x1;
	s2 =	sadd.s32 s19, s18  }
0x9c: {  	s6 =	simm.s32 $0x0;
	s20 =	sshll.u32 s4, $0x1;
	s4 =	sadd.s32 s21, s2  }
0x9d: {  	[timem:s6], [sflag:s22] =	dma.local [hbm:s4], s20  }
0x9e: {  	_ =	swait.ge [sflag:s22], s20  }
0x9f: {  	s3 =	ssub.s32 $0x0, s20;
	[sflag:s22] =	ssyncset.done $0x0  }
0xa0: {  	[sflag:s22] =	ssyncadd.s32 s3;
	_ =	sdelay $0x1  }
0xa1: {  	s23 =	simm.s32 $0x1B8B  }
0xa2: {  	_ =	swait.ge [sflag:s23], $0x1  }
0xa3: {  	[sflag:s23] =	ssyncset.done $0x0  }
0xa4: {  	s25 =	simm.s32 $0x1B8E;
	s24 =	sld [smem:$0x3FFE];
	[sflag:s23] =	ssyncadd.s32 $0xFFFFFFFF  }
0xa5: {  	s26 =	simm.s32 $execute0_lowered;
	[smem:$0x3FD2] =	sst s25  }
0xa6: {  	s4 =	sshll.u32 s26, $0x1;
	_ =	strace $0x80000046;
	[dreg:$0x1] =	wrdreg $0xFFFFFFFF  }
0xa7: {  	s28 =	simm.s32 $_size_execute0_lowered;
	s2 =	sadd.s32 s2, s4;
	[dreg:$0x0] =	wrdreg $0x0  }
0xa8: {  	s4 =	sshll.u32 s28, $0x1;
	[dreg:$0x2] =	wrdreg s2  }
0xa9: {  	[dreg:$0x3] =	wrdreg s4  }
0xaa: {  	[dreg:$0x4] =	wrdreg $0xC0  }
0xab: {  	_ =	task [dreg:s6], $0x5FFFF  }
0xac: {  	[dreg:$0x1] =	wrdreg $0xFFFFFFFF  }
0xad: {  	[dreg:$0x0] =	wrdreg $0x60  }
0xae: {  	[dreg:$0x2] =	wrdreg s24  }
0xaf: {  	[dreg:$0x3] =	wrdreg $0x5F400  }
0xb0: {  	[dreg:$0x4] =	wrdreg $0x9  }
0xb1: {  	_ =	task.clear_ibuf [dreg:s6], $0x5FFFF;
	_ =	strace $0x90000046  }
0xb2: {  	s29 =	simm.s32 $0x9;
	_ =	strace $0x80000048  }
0xb3: {  	_ =	swait.ge [sflag:s29], $0x1  }
0xb4: {  	[sflag:s29] =	ssyncadd.s32 $0xFFFFFFFF  }
0xb5: {  	_ =	strace $0x90000048  }
0xb6: {  	_ =	sfence  }
0xb7: {  	s30 =	sld [smem:$0x0];
	_ =	sdelay $0x2  }
0xb8: {  	s31 =	sshll.u32 s1, $0xD;
	s1 =	sshrl.u32 s1, $0x2  }
0xb9: {  	s3 =	sand.u32 $0x4000, s31;
	s1 =	sadd.s32 s1, s30  }
0xba: {  	s0 =	sor.u32 s3, s0;
	s1 =	sshll.u32 s1, $0x11  }
0xbb: {  	s0 =	sor.u32 s1, s0  }
0xbc: {  	s0 =	sadd.s32 $0x8F2B, s0  }
0xbd: {  	[sflag:s0] =	ssyncadd.remote.s32 $0x1  }
0xbe: {  	_ =	sfence.sel $0xFFFF  }
0xbf: {  	[dreg:$0x0] =	wrdreg $0xFFFFFFFF;
	(pc) =	sbr.abs _section_cstart, $3  }
0xc0: {  	[dreg:$0x1] =	wrdreg $0xFFFFFFFF  }
0xc1: {  	_ =	task.clear_ibuf [dreg:s6], $0x2FFFF;
	_ =	strace $0x9FFFFFFF  }
0xc2: {  	(tm) =	ssettm $0x7FFFFFFF  }
0xc3: {  	_ =	shalt  }
tec
execute0_lowered:
.L_overlay_start_1:
0x0: {  	(tag) =	ssettag $0x1  }
0x1: {  	s1 =	srdreg.scid;
	s5 =	rddreg [dreg:$0x0]  }
0x2: {  	s0 =	stileid.u32;
	s2 =	rddreg [dreg:$0x1];
	s13 =	simm.s32 $0x100  }
0x3: {  	s14 =	simm.s32 $0x2800;
	s16 =	simm.s32 $0x0;
	s8 =	smul.u32 $0x2740, s0  }
0x4: {  	s4 =	sand.u32 $0x1, s1;
	s29 =	sshll.u32 s0, $0x1;
	s11 =	smul.u32 $0x4E, s0  }
0x5: {  	p0 =	seq.s32 s0, $0x0;
	s15 =	sshll.u32 s0, $0x6;
	s9 =	smul.u32 $0x27400, s4  }
0x6: {  	s1 =	sor.u32 s4, s29;
	s10 =	ssub.s32 $0x2, s4;
	s12 =	smul.u32 $0x27, s4  }
0x7: {  	s4 =	simm.s32 $0x28;
	s15 =	sor.u32 $0x1C02, s15;
	s3 =	smul.u32 $0x27, s1  }
0x8: {  	s6 =	smin.u32 s1, $0x2;
	s1 =	rddreg [dreg:$0x2];
	s30 =	sshrl.u32 s10, $0x1  }
0x9: {  	s4 =	simm.s32 @!p0 $0x27;
	s9 =	sadd.s32 s8, s9;
	s10 =	ssub.s32 s10, s30  }
0xa: {  	s7 =	sadd.s32 s6, s3;
	s3 =	simm.s32 $0x0;
	s9 =	sshrl.u32 s9, $0x3  }
0xb: {  	s6 =	sadd.s32 s11, s6;
	s7 =	smin.u32 s7, $0x4BA;
	[smem:$0x7FF] =	sst s3  }
0xc: {  	s9 =	sadd.s32 s9, s5;
	s11 =	sadd.s32 s12, s6;
	s12 =	simm.s32 $0x1  }
0xd: {  	s7 =	sshll.u32 s7, $0x5;
	_ =	strace $0x80000047;
	s11 =	smax.u32 s11, $0x4BA  }
0xe: {  	s7 =	sadd.s32 s7, s5;
	s5 =	sadd.s32 s8, s2;
	s8 =	smax.u32 s10, $0x1  }
0xf: {  	s31 =	sshll.u32 s11, $0x8;
	s10 =	simm.s32 $0x3800;
	s11 =	simm.s32 $0x2  }
0x10: {  	v0 =	vimm.f32 $0.0e+00;
	v1 =	vimm.f32 $1.000000000e+00;
	s6 =	sadd.s32 $0xD240, s7;
	s7 =	sadd.s32 $0x17000, s9;
	s9 =	sadd.s32 $0xFFFB4600, s31  }
.LBB2_1:
0x11: {  	s17 =	simm.s32 $0x0  }
.LBB2_2:
0x12: {  	p0 =	sne.s32 s17, $0x9CC0  }
.Ltmp0:
0x13: {  	_ = 	snop;
	(pc) =	sbr.rel @p0 .LBB2_2-.Ltmp0, $3  }
0x14: {  	_ =	sdelay $0x1  }
0x15: {  	s18 =	sshra.s32 s17, $0x2  }
0x16: {  	s17 =	sadd.s32 $0x40, s17;
	[tilespmem:s18+$0x3800] =	vst v0  }
0x17: {  	s17 =	simm.s32 $0x40;
	s18 =	simm.s32 $0x0  }
.LBB2_4:
0x18: {  	p0 =	sne.s32 s17, $0x3FC0;
	[tilespmem:s18+$0x2800] =	vst v1;
	s18 =	smov.u32 s17;
	s17 =	sadd.s32 $0x40, s17  }
.Ltmp1:
0x19: {  	(pc) =	sbr.rel @p0 .LBB2_4-.Ltmp1, $2  }
0x1a: {  	_ =	sdelay $0x2  }
0x1b: {  	s18 =	sshra.s32 s18, $0x2  }
0x1c: {  	[tilespmem:s18+$0x2800] =	vst v1  }
0x1d: {  	[spmem:s5] =	stream.linear.scatter [tilespmem:s10], [sflag:$0x2], $0x2740, $0x38;
	[tilespmem:$0x8680] =	vst v63  }
0x1e: {  	_ =	swait.ge [sflag:s11], $0x2740  }
0x1f: {  	[sflag:s11] =	ssyncset.done $0x0  }
0x20: {  	p0 =	sne.s32 s4, $0x1;
	[sflag:s11] =	ssyncadd.s32 $0xFFFFD8C0  }
0x21: {  	[tilespmem:s3], [sflag:$0x1] =	stream.linear.gather [hbm4b:s6+s3], $0x2800, $0x38;
	[tilespmem:$0x8680] =	vst v63  }
.Ltmp2:
0x22: {  	_ =	swait.ge [sflag:s12], $0x2800;
	(pc) =	sbr.rel @!p0 .LBB2_7-.Ltmp2, $4  }
0x23: {  	[sflag:s12] =	ssyncset.done $0x0  }
0x24: {  	[sflag:s12] =	ssyncadd.s32 $0xFFFFD800  }
0x25: {  	s17 =	sadd.s32 $0xFFFFFFFF, s4;
	s18 =	smov.u32 s9;
	[bflag:$0x0] =	sbarrier.arrive $0xFFFF  }
0x26: {  	[spmem:s2] =	stream.indirect.scatter.add.f32 [tilespmem:s14], [sflag:$0x1], $0x10, s9, s13, $0xb8;
	[tilespmem:$0x8680] =	vst v63  }
.LBB2_6:
0x27: {  	p1 =	sne.s32 s17, $0x1  }
.Ltmp3:
0x28: {  	_ = 	snop;
	(pc) =	sbr.rel @p1 .LBB2_6-.Ltmp3, $3  }
0x29: {  	_ = 	snop  }
0x2a: {  	s17 =	sadd.s32 $0xFFFFFFFF, s17;
	s18 =	sadd.s32 $0x100, s18;
	_ =	sdelay $0x1  }
0x2b: {  	[spmem:s2] =	stream.indirect.scatter.add.f32 [tilespmem:s14], [sflag:$0x1], $0x10, s18, s13, $0xb8;
	[tilespmem:$0x8680] =	vst v63  }
.LBB2_7:
.Ltmp4:
0x2c: {  	(pc) =	sbr.rel @!p0 .LBB2_9-.Ltmp4, $3  }
0x2d: {  	_ =	sdelay $0x1  }
0x2e: {  	_ =	swait.ge [sflag:s12], $0x1000  }
0x2f: {  	s17 =	sadd.s32 $0xFFFFFFFF, s4;
	[sflag:s12] =	ssyncset.done $0x0  }
.LBB2_8:
0x30: {  	p0 =	sne.s32 s17, $0x1;
	s17 =	sadd.s32 $0xFFFFFFFF, s17;
	[sflag:s12] =	ssyncadd.s32 $0xFFFFF000  }
.Ltmp5:
0x31: {  	(pc) =	sbr.rel @p0 .LBB2_8-.Ltmp5, $3  }
0x32: {  	_ =	sdelay $0x1  }
0x33: {  	_ =	swait.ge [sflag:s12], $0x1000  }
0x34: {  	[sflag:s12] =	ssyncset.done $0x0  }
.LBB2_9:
0x35: {  	s16 =	sadd.s32 $0x1, s16  }
0x36: {  	[sflag:s12] =	ssyncadd.s32 $0xFFFFF000;
	p0 =	sne.s32 s16, s8  }
.Ltmp6:
0x37: {  	s17 =	sshrl.u32 s5, $0x3;
	[bflag:$0x0] =	sbarrier.arrive $0xFFFF;
	(pc) =	sbr.rel @p0 .LBB2_1-.Ltmp6, $4  }
0x38: {  	[hbm:s7], [sflag:s15] =	dma.local [spmem:s17], $0x4E8  }
0x39: {  	_ =	swait.ge [sflag:s11], $0x4E8  }
0x3a: {  	[sflag:s11] =	ssyncset.done $0x0  }
0x3b: {  	[sflag:s11] =	ssyncadd.s32 $0xFFFFFB18  }
0x3c: {  	_ =	sfence.sel $0x180000  }
0x3d: {  	[bflag:$0x0] =	sbarrier.arrive $0xFFFF  }
0x3e: {  	p0 =	sne.s32 s0, $0x0;
	_ =	strace $0x90000047  }
0x3f: {  	s0 =	sadd.s32 @!p0 $0x100000, s1;
	[bflag:$0x2] =	sbarrier.arrive $0xFFFF  }
0x40: {  	[sflag:s0] =	ssyncadd.tile.s32 @!p0 $0x1;
	_ =	shalt  }
.Lfunc_end2:
_tile_overlayer_lowered:
.L_overlay_start_2:
0x41: {  	(tag) =	ssettag $0x2  }
0x42: {  	s0 =	rddreg [dreg:$0x0];
	s2 =	stileid.u32  }
0x43: {  	s1 =	rddreg [dreg:$0x1];
	p0 =	sne.s32 s2, $0x0  }
0x44: {  	s3 =	rddreg [dreg:$0x2];
	[bflag:$0x3] =	sbarrier.arrive $0xFFFF;
	s2 =	simm.s32 @!p0 $0x1C02  }
0x45: {  	[timem:s3], [sflag:s2] =	dma.local @!p0 [hbm:s0], s1  }
0x46: {  	s0 =	simm.s32 @!p0 $0x2  }
0x47: {  	_ =	swait.ge @!p0 [sflag:s0], s1  }
0x48: {  	s1 =	ssub.s32 @!p0 $0x0, s1;
	[sflag:s0] =	ssyncset.done @!p0 $0x0  }
0x49: {  	[sflag:s0] =	ssyncadd.s32 @!p0 s1  }
0x4a: {  	[bflag:$0x3] =	sbarrier.arrive $0xFFFF  }
0x4b: {  	_ =	shalt  }

</sc_bundles>
